<compile_context>
chip_gen: v7x
topology: tpu7x:2x2x1
jax: 0.10.2.dev20260603
libtpu: 0.0.44.dev20260713+nightly
codegen_flags: <defaults>
</compile_context>

<pallas_src>
import functools

import jax
import jax.numpy as jnp
from jax import lax
from jax.experimental import pallas as pl
from jax.experimental.pallas import tpu as pltpu
from jax.experimental.pallas import tpu_sc as plsc

NC = 2
NS = 16
L = 16
NW = NC * NS

R = 32768
D = 1024
HALF = R // 2
SPAN = HALF // NW
CH = 32
NCH = SPAN // CH

_mesh = plsc.VectorSubcoreMesh(core_axis_name="c", subcore_axis_name="s")


@functools.partial(
    pl.kernel,
    mesh=_mesh,
    out_type=(
        jax.ShapeDtypeStruct((HALF, D), jnp.float32),
        jax.ShapeDtypeStruct((HALF, D), jnp.float32),
    ),
    scratch_types=[
        pltpu.VMEM((2 * SPAN,), jnp.float32),
        pltpu.VMEM((L,), jnp.float32),
        pltpu.VMEM((2 * NCH, CH), jnp.int32),
        pltpu.VMEM((CH, D), jnp.float32),
        pltpu.VMEM((CH, D), jnp.float32),
        pltpu.SemaphoreType.DMA,
        pltpu.SemaphoreType.DMA,
        pltpu.SemaphoreType.DMA,
        pltpu.SemaphoreType.DMA,
    ],
)
def _exchange_sc(x_hbm, mask_hbm, thr_hbm, out0_hbm, out1_hbm, mask_v, thr_v,
                 idx_v, buf0, buf1, gsem0, gsem1, ssem0, ssem1):
    wid = lax.axis_index("s") * NC + lax.axis_index("c")
    base = wid * SPAN

    pltpu.sync_copy(mask_hbm.at[pl.ds(base, SPAN)], mask_v.at[pl.ds(0, SPAN)])
    pltpu.sync_copy(mask_hbm.at[pl.ds(HALF + base, SPAN)],
                    mask_v.at[pl.ds(SPAN, SPAN)])
    pltpu.sync_copy(thr_hbm, thr_v)
    thr = thr_v[...]

    iota = lax.iota(jnp.int32, L)
    for p in range(2):
        off_t = HALF if p else 0
        off_f = 0 if p else HALF
        for j in range(SPAN // L):
            m = mask_v[pl.ds(p * SPAN + j * L, L)]
            src = base + j * L + iota + jnp.where(m >= thr, off_t, off_f)
            idx_v[p * NCH + j // (CH // L), pl.ds((j % (CH // L)) * L, L)] = src

    bufs = (buf0, buf1)
    gsems = (gsem0, gsem1)
    ssems = (ssem0, ssem1)
    NBUF = 2
    G = (NCH // NBUF) - 1

    for p, out_hbm in enumerate((out0_hbm, out1_hbm)):

        def out_at(c):
            return out_hbm.at[pl.ds(pl.multiple_of(base + c * CH, 8), CH)]

        def idx_at(c):
            return idx_v.at[p * NCH + c]

        def start_gather(c, b):
            pltpu.async_copy(x_hbm.at[idx_at(c)], bufs[b], gsems[b])

        def wait_gather(c, b):
            pltpu.make_async_copy(x_hbm.at[idx_at(c)], bufs[b],
                                  gsems[b]).wait()

        def start_store(c, b):
            pltpu.async_copy(bufs[b], out_at(c), ssems[b])

        def wait_store(c, b):
            pltpu.make_async_copy(bufs[b], out_at(c), ssems[b]).wait()

        for b in range(NBUF):
            start_gather(b, b)

        def body(g, carry):
            for b in range(NBUF):
                c = g * NBUF + b
                wait_gather(c, b)
                start_store(c, b)
                wait_store(c, b)
                start_gather(c + NBUF, b)
            return carry

        lax.fori_loop(0, G, body, 0)

        for c in range(G * NBUF, NCH):
            b = c % NBUF
            wait_gather(c, b)
            start_store(c, b)
            if c + NBUF < NCH:
                wait_store(c, b)
                start_gather(c + NBUF, b)
        for c in range(NCH - NBUF, NCH):
            wait_store(c, c % NBUF)


def kernel(x, mask, mask_threshold):
    xf = x.reshape(R, D)
    mf = mask.reshape(R)
    thr = jnp.full((L,), mask_threshold, dtype=jnp.float32)
    o0, o1 = _exchange_sc(xf, mf, thr)
    return (o0.reshape(2, 8192, D), o1.reshape(2, 8192, D))

# --- scband reference (transcript-rebuilt; emitter-appended) ---
"""Pipeline reference for scband-token-exchange-21191368638739 (READ-ONLY COPY).

The authoritative reference and input builder live on the scoring server;
editing this copy changes nothing except your own understanding.
"""

import jax, jax.numpy as jnp
import numpy as np


def setup_inputs(seed: int = 0) -> dict:
    key = jax.random.key(seed)
    k1, k2 = jax.random.split(key)
    x = jax.random.normal(k1, (2, 2, 8192, 1024), dtype=jnp.float32)
    mask = jax.random.normal(k2, (2, 2, 8192), dtype=jnp.float32)
    return {"x": x, "mask": mask, "mask_threshold": 0}


def reference(x, mask, mask_threshold):
    # x0[mask0 >= thr] = x[0][...]; x0[mask0 < thr] = x[1][...]
    # boolean row-masked scatter-overwrite == per-token select
    m0 = (mask[0] >= mask_threshold)[..., None]
    m1 = (mask[1] >= mask_threshold)[..., None]
    x0 = jnp.where(m0, x[0], x[1])
    x1 = jnp.where(m1, x[1], x[0])
    return (x0, x1)

if __name__ == "__main__":
    import jax
    _d = setup_inputs()
    print(jax.jit(kernel)(*tuple(_d.values())))

</pallas_src>

<mosaic_0001>
#map = affine_map<(d0, d1) -> (0, 0)>
#map1 = affine_map<(d0, d1) -> (0)>
module attributes {stable_mosaic.version = 14 : i64} {
  func.func @_exchange_sc(%arg0: i32, %arg1: i32, %arg2: memref<32768x1024xf32, #tpu.memory_space<hbm>>, %arg3: memref<32768xf32, #tpu.memory_space<hbm>>, %arg4: memref<16xf32, #tpu.memory_space<hbm>>, %arg5: memref<16384x1024xf32, #tpu.memory_space<hbm>>, %arg6: memref<16384x1024xf32, #tpu.memory_space<hbm>>, %arg7: memref<1024xf32, #tpu.memory_space<vmem>>, %arg8: memref<16xf32, #tpu.memory_space<vmem>>, %arg9: memref<32x32xi32, #tpu.memory_space<vmem>>, %arg10: memref<32x1024xf32, #tpu.memory_space<vmem>>, %arg11: memref<32x1024xf32, #tpu.memory_space<vmem>>, %arg12: memref<!tpu.dma_semaphore, #tpu.memory_space<semaphore_mem>>, %arg13: memref<!tpu.dma_semaphore, #tpu.memory_space<semaphore_mem>>, %arg14: memref<!tpu.dma_semaphore, #tpu.memory_space<semaphore_mem>>, %arg15: memref<!tpu.dma_semaphore, #tpu.memory_space<semaphore_mem>>) attributes {dimension_semantics = [#tpu.dimension_semantics<core_parallel>, #tpu.dimension_semantics<subcore_parallel>], iteration_bounds = array<i64: 2, 16>, scalar_prefetch = 0 : i64, scratch_operands = 9 : i64, tpu.core_type = #tpu.core_type<sc_vector_subcore>, window_params = [{transform_indices = #map}, {transform_indices = #map1}, {transform_indices = #map1}, {transform_indices = #map}, {transform_indices = #map}]} {
    %mul3A = arith.constant 2 : i32
    %mul3A_0 = arith.muli %arg1, %mul3A : i32
    %add3A = arith.addi %mul3A_0, %arg0 : i32
    %mul3A_1 = arith.constant 512 : i32
    %mul3A_2 = arith.muli %add3A, %mul3A_1 : i32
    "tpu.region"() ({
      %run_scoped3A = tpu.sem_alloc : memref<!tpu.dma_semaphore, #tpu.memory_space<semaphore_mem>>
      %dma_start3A_1402 = arith.constant 0 : i32
      %dma_start3A_1403 = tpu.memref_slice %arg7[%dma_start3A_1402] : memref<1024xf32, #tpu.memory_space<vmem>> -> memref<512xf32, #tpu.memory_space<vmem>>
      %dma_start3A_1404 = tpu.memref_slice %arg3[%mul3A_2] : memref<32768xf32, #tpu.memory_space<hbm>> -> memref<512xf32, #tpu.memory_space<hbm>>
      %dma_start3A_1405 = arith.constant 0 : i32
      %dma_start3A_1406 = tpu.memref_slice %arg7[%dma_start3A_1405] : memref<1024xf32, #tpu.memory_space<vmem>> -> memref<512xf32, #tpu.memory_space<vmem>>
      %dma_start3A_1407 = tpu.memref_slice %arg3[%mul3A_2] : memref<32768xf32, #tpu.memory_space<hbm>> -> memref<512xf32, #tpu.memory_space<hbm>>
      tpu.enqueue_dma source(%dma_start3A_1407 : memref<512xf32, #tpu.memory_space<hbm>>) target(%dma_start3A_1406 : memref<512xf32, #tpu.memory_space<vmem>>) target_semaphore(%run_scoped3A : memref<!tpu.dma_semaphore, #tpu.memory_space<semaphore_mem>>)
      %dma_wait3A_1408 = arith.constant 0 : i32
      %dma_wait3A_1409 = tpu.memref_slice %arg7[%dma_wait3A_1408] : memref<1024xf32, #tpu.memory_space<vmem>> -> memref<512xf32, #tpu.memory_space<vmem>>
      %dma_wait3A_1410 = tpu.memref_slice %arg3[%mul3A_2] : memref<32768xf32, #tpu.memory_space<hbm>> -> memref<512xf32, #tpu.memory_space<hbm>>
      %dma_wait3A_1411 = arith.constant 0 : i32
      %dma_wait3A_1412 = tpu.memref_slice %arg7[%dma_wait3A_1411] : memref<1024xf32, #tpu.memory_space<vmem>> -> memref<512xf32, #tpu.memory_space<vmem>>
      %dma_wait3A_1413 = tpu.memref_slice %arg3[%mul3A_2] : memref<32768xf32, #tpu.memory_space<hbm>> -> memref<512xf32, #tpu.memory_space<hbm>>
      tpu.wait_dma2 semaphore(%run_scoped3A : memref<!tpu.dma_semaphore, #tpu.memory_space<semaphore_mem>>) src(%dma_wait3A_1413 : memref<512xf32, #tpu.memory_space<hbm>>) dst(%dma_wait3A_1412 : memref<512xf32, #tpu.memory_space<vmem>>)
      tpu.yield
    }) : () -> ()
    %add3A_3 = arith.constant 16384 : i32
    %add3A_4 = arith.addi %add3A_3, %mul3A_2 : i32
    "tpu.region"() ({
      %run_scoped3A = tpu.sem_alloc : memref<!tpu.dma_semaphore, #tpu.memory_space<semaphore_mem>>
      %dma_start3A_1402 = arith.constant 512 : i32
      %dma_start3A_1403 = tpu.memref_slice %arg7[%dma_start3A_1402] : memref<1024xf32, #tpu.memory_space<vmem>> -> memref<512xf32, #tpu.memory_space<vmem>>
      %dma_start3A_1404 = tpu.memref_slice %arg3[%add3A_4] : memref<32768xf32, #tpu.memory_space<hbm>> -> memref<512xf32, #tpu.memory_space<hbm>>
      %dma_start3A_1405 = arith.constant 512 : i32
      %dma_start3A_1406 = tpu.memref_slice %arg7[%dma_start3A_1405] : memref<1024xf32, #tpu.memory_space<vmem>> -> memref<512xf32, #tpu.memory_space<vmem>>
      %dma_start3A_1407 = tpu.memref_slice %arg3[%add3A_4] : memref<32768xf32, #tpu.memory_space<hbm>> -> memref<512xf32, #tpu.memory_space<hbm>>
      tpu.enqueue_dma source(%dma_start3A_1407 : memref<512xf32, #tpu.memory_space<hbm>>) target(%dma_start3A_1406 : memref<512xf32, #tpu.memory_space<vmem>>) target_semaphore(%run_scoped3A : memref<!tpu.dma_semaphore, #tpu.memory_space<semaphore_mem>>)
      %dma_wait3A_1408 = arith.constant 512 : i32
      %dma_wait3A_1409 = tpu.memref_slice %arg7[%dma_wait3A_1408] : memref<1024xf32, #tpu.memory_space<vmem>> -> memref<512xf32, #tpu.memory_space<vmem>>
      %dma_wait3A_1410 = tpu.memref_slice %arg3[%add3A_4] : memref<32768xf32, #tpu.memory_space<hbm>> -> memref<512xf32, #tpu.memory_space<hbm>>
      %dma_wait3A_1411 = arith.constant 512 : i32
      %dma_wait3A_1412 = tpu.memref_slice %arg7[%dma_wait3A_1411] : memref<1024xf32, #tpu.memory_space<vmem>> -> memref<512xf32, #tpu.memory_space<vmem>>
      %dma_wait3A_1413 = tpu.memref_slice %arg3[%add3A_4] : memref<32768xf32, #tpu.memory_space<hbm>> -> memref<512xf32, #tpu.memory_space<hbm>>
      tpu.wait_dma2 semaphore(%run_scoped3A : memref<!tpu.dma_semaphore, #tpu.memory_space<semaphore_mem>>) src(%dma_wait3A_1413 : memref<512xf32, #tpu.memory_space<hbm>>) dst(%dma_wait3A_1412 : memref<512xf32, #tpu.memory_space<vmem>>)
      tpu.yield
    }) : () -> ()
    "tpu.region"() ({
      %run_scoped3A = tpu.sem_alloc : memref<!tpu.dma_semaphore, #tpu.memory_space<semaphore_mem>>
      tpu.enqueue_dma source(%arg4 : memref<16xf32, #tpu.memory_space<hbm>>) target(%arg8 : memref<16xf32, #tpu.memory_space<vmem>>) target_semaphore(%run_scoped3A : memref<!tpu.dma_semaphore, #tpu.memory_space<semaphore_mem>>)
      tpu.wait_dma2 semaphore(%run_scoped3A : memref<!tpu.dma_semaphore, #tpu.memory_space<semaphore_mem>>) src(%arg4 : memref<16xf32, #tpu.memory_space<hbm>>) dst(%arg8 : memref<16xf32, #tpu.memory_space<vmem>>)
      tpu.yield
    }) : () -> ()
    %get3A = arith.constant 0 : index
    %get3A_5 = tpu.vector_load %arg8[%get3A] {strides = array<i32>} : memref<16xf32, #tpu.memory_space<vmem>>, vector<16xf32>,
    %get3A_6 = vector.shape_cast %get3A_5 : vector<16xf32> to vector<16xf32>
    %iota3A = tpu.iota {dimensions = array<i32: 0>} : vector<16xi32>
    %get3A_7 = arith.constant 0 : index
    %get3A_8 = tpu.vector_load %arg7[%get3A_7] {strides = array<i32>} : memref<1024xf32, #tpu.memory_space<vmem>>, vector<16xf32>,
    %get3A_9 = vector.shape_cast %get3A_8 : vector<16xf32> to vector<16xf32>
    %add3A_10 = arith.constant 0 : i32
    %add3A_11 = arith.addi %mul3A_2, %add3A_10 : i32
    %add3A_12 = vector.broadcast %add3A_11 : i32 to vector<16xi32>
    %add3A_13 = arith.addi %add3A_12, %iota3A : vector<16xi32>
    %ge3A = arith.cmpf oge, %get3A_9, %get3A_6 : vector<16xf32>
    %jit3A = arith.constant 0 : i32
    %jit3A_14 = arith.constant 16384 : i32
    %broadcast_in_dim3A = vector.broadcast %jit3A : i32 to vector<16xi32>
    %broadcast_in_dim3A_15 = vector.broadcast %jit3A_14 : i32 to vector<16xi32>
    %select_n3A = arith.select %ge3A, %broadcast_in_dim3A, %broadcast_in_dim3A_15 : vector<16xi1>, vector<16xi32>
    %add3A_16 = arith.addi %add3A_13, %select_n3A : vector<16xi32>
    %swap3A = arith.constant 0 : i32
    %swap3A_17 = arith.index_cast %swap3A : i32 to index
    %swap3A_18 = arith.constant 0 : index
    %swap3A_19 = tpu.vector_load %arg9[%swap3A_17, %swap3A_18] {strides = array<i32>} : memref<32x32xi32, #tpu.memory_space<vmem>>, vector<1x16xi32>,
    %swap3A_20 = vector.shape_cast %swap3A_19 : vector<1x16xi32> to vector<16xi32>
    %swap3A_21 = vector.shape_cast %add3A_16 : vector<16xi32> to vector<1x16xi32>
    tpu.vector_store %arg9[%swap3A_17, %swap3A_18], %swap3A_21 {strides = array<i32>} : memref<32x32xi32, #tpu.memory_space<vmem>>, vector<1x16xi32>,
    %get3A_22 = arith.constant 16 : index
    %get3A_23 = tpu.vector_load %arg7[%get3A_22] {strides = array<i32>} : memref<1024xf32, #tpu.memory_space<vmem>>, vector<16xf32>,
    %get3A_24 = vector.shape_cast %get3A_23 : vector<16xf32> to vector<16xf32>
    %add3A_25 = arith.constant 16 : i32
    %add3A_26 = arith.addi %mul3A_2, %add3A_25 : i32
    %add3A_27 = vector.broadcast %add3A_26 : i32 to vector<16xi32>
    %add3A_28 = arith.addi %add3A_27, %iota3A : vector<16xi32>
    %ge3A_29 = arith.cmpf oge, %get3A_24, %get3A_6 : vector<16xf32>
    %jit3A_30 = arith.constant 0 : i32
    %jit3A_31 = arith.constant 16384 : i32
    %broadcast_in_dim3A_32 = vector.broadcast %jit3A_30 : i32 to vector<16xi32>
    %broadcast_in_dim3A_33 = vector.broadcast %jit3A_31 : i32 to vector<16xi32>
    %select_n3A_34 = arith.select %ge3A_29, %broadcast_in_dim3A_32, %broadcast_in_dim3A_33 : vector<16xi1>, vector<16xi32>
    %add3A_35 = arith.addi %add3A_28, %select_n3A_34 : vector<16xi32>
    %swap3A_36 = arith.constant 0 : i32
    %swap3A_37 = arith.index_cast %swap3A_36 : i32 to index
    %swap3A_38 = arith.constant 16 : index
    %swap3A_39 = tpu.vector_load %arg9[%swap3A_37, %swap3A_38] {strides = array<i32>} : memref<32x32xi32, #tpu.memory_space<vmem>>, vector<1x16xi32>,
    %swap3A_40 = vector.shape_cast %swap3A_39 : vector<1x16xi32> to vector<16xi32>
    %swap3A_41 = vector.shape_cast %add3A_35 : vector<16xi32> to vector<1x16xi32>
    tpu.vector_store %arg9[%swap3A_37, %swap3A_38], %swap3A_41 {strides = array<i32>} : memref<32x32xi32, #tpu.memory_space<vmem>>, vector<1x16xi32>,
    %get3A_42 = arith.constant 32 : index
    %get3A_43 = tpu.vector_load %arg7[%get3A_42] {strides = array<i32>} : memref<1024xf32, #tpu.memory_space<vmem>>, vector<16xf32>,
    %get3A_44 = vector.shape_cast %get3A_43 : vector<16xf32> to vector<16xf32>
    %add3A_45 = arith.constant 32 : i32
    %add3A_46 = arith.addi %mul3A_2, %add3A_45 : i32
    %add3A_47 = vector.broadcast %add3A_46 : i32 to vector<16xi32>
    %add3A_48 = arith.addi %add3A_47, %iota3A : vector<16xi32>
    %ge3A_49 = arith.cmpf oge, %get3A_44, %get3A_6 : vector<16xf32>
    %jit3A_50 = arith.constant 0 : i32
    %jit3A_51 = arith.constant 16384 : i32
    %broadcast_in_dim3A_52 = vector.broadcast %jit3A_50 : i32 to vector<16xi32>
    %broadcast_in_dim3A_53 = vector.broadcast %jit3A_51 : i32 to vector<16xi32>
    %select_n3A_54 = arith.select %ge3A_49, %broadcast_in_dim3A_52, %broadcast_in_dim3A_53 : vector<16xi1>, vector<16xi32>
    %add3A_55 = arith.addi %add3A_48, %select_n3A_54 : vector<16xi32>
    %swap3A_56 = arith.constant 1 : i32
    %swap3A_57 = arith.index_cast %swap3A_56 : i32 to index
    %swap3A_58 = arith.constant 0 : index
    %swap3A_59 = tpu.vector_load %arg9[%swap3A_57, %swap3A_58] {strides = array<i32>} : memref<32x32xi32, #tpu.memory_space<vmem>>, vector<1x16xi32>,
    %swap3A_60 = vector.shape_cast %swap3A_59 : vector<1x16xi32> to vector<16xi32>
    %swap3A_61 = vector.shape_cast %add3A_55 : vector<16xi32> to vector<1x16xi32>
    tpu.vector_store %arg9[%swap3A_57, %swap3A_58], %swap3A_61 {strides = array<i32>} : memref<32x32xi32, #tpu.memory_space<vmem>>, vector<1x16xi32>,
    %get3A_62 = arith.constant 48 : index
    %get3A_63 = tpu.vector_load %arg7[%get3A_62] {strides = array<i32>} : memref<1024xf32, #tpu.memory_space<vmem>>, vector<16xf32>,
    %get3A_64 = vector.shape_cast %get3A_63 : vector<16xf32> to vector<16xf32>
    %add3A_65 = arith.constant 48 : i32
    %add3A_66 = arith.addi %mul3A_2, %add3A_65 : i32
    %add3A_67 = vector.broadcast %add3A_66 : i32 to vector<16xi32>
    %add3A_68 = arith.addi %add3A_67, %iota3A : vector<16xi32>
    %ge3A_69 = arith.cmpf oge, %get3A_64, %get3A_6 : vector<16xf32>
    %jit3A_70 = arith.constant 0 : i32
    %jit3A_71 = arith.constant 16384 : i32
    %broadcast_in_dim3A_72 = vector.broadcast %jit3A_70 : i32 to vector<16xi32>
    %broadcast_in_dim3A_73 = vector.broadcast %jit3A_71 : i32 to vector<16xi32>
    %select_n3A_74 = arith.select %ge3A_69, %broadcast_in_dim3A_72, %broadcast_in_dim3A_73 : vector<16xi1>, vector<16xi32>
    %add3A_75 = arith.addi %add3A_68, %select_n3A_74 : vector<16xi32>
    %swap3A_76 = arith.constant 1 : i32
    %swap3A_77 = arith.index_cast %swap3A_76 : i32 to index
    %swap3A_78 = arith.constant 16 : index
    %swap3A_79 = tpu.vector_load %arg9[%swap3A_77, %swap3A_78] {strides = array<i32>} : memref<32x32xi32, #tpu.memory_space<vmem>>, vector<1x16xi32>,
    %swap3A_80 = vector.shape_cast %swap3A_79 : vector<1x16xi32> to vector<16xi32>
    %swap3A_81 = vector.shape_cast %add3A_75 : vector<16xi32> to vector<1x16xi32>
    tpu.vector_store %arg9[%swap3A_77, %swap3A_78], %swap3A_81 {strides = array<i32>} : memref<32x32xi32, #tpu.memory_space<vmem>>, vector<1x16xi32>,
    %get3A_82 = arith.constant 64 : index
    %get3A_83 = tpu.vector_load %arg7[%get3A_82] {strides = array<i32>} : memref<1024xf32, #tpu.memory_space<vmem>>, vector<16xf32>,
    %get3A_84 = vector.shape_cast %get3A_83 : vector<16xf32> to vector<16xf32>
    %add3A_85 = arith.constant 64 : i32
    %add3A_86 = arith.addi %mul3A_2, %add3A_85 : i32
    %add3A_87 = vector.broadcast %add3A_86 : i32 to vector<16xi32>
    %add3A_88 = arith.addi %add3A_87, %iota3A : vector<16xi32>
    %ge3A_89 = arith.cmpf oge, %get3A_84, %get3A_6 : vector<16xf32>
    %jit3A_90 = arith.constant 0 : i32
    %jit3A_91 = arith.constant 16384 : i32
    %broadcast_in_dim3A_92 = vector.broadcast %jit3A_90 : i32 to vector<16xi32>
    %broadcast_in_dim3A_93 = vector.broadcast %jit3A_91 : i32 to vector<16xi32>
    %select_n3A_94 = arith.select %ge3A_89, %broadcast_in_dim3A_92, %broadcast_in_dim3A_93 : vector<16xi1>, vector<16xi32>
    %add3A_95 = arith.addi %add3A_88, %select_n3A_94 : vector<16xi32>
    %swap3A_96 = arith.constant 2 : i32
    %swap3A_97 = arith.index_cast %swap3A_96 : i32 to index
    %swap3A_98 = arith.constant 0 : index
    %swap3A_99 = tpu.vector_load %arg9[%swap3A_97, %swap3A_98] {strides = array<i32>} : memref<32x32xi32, #tpu.memory_space<vmem>>, vector<1x16xi32>,
    %swap3A_100 = vector.shape_cast %swap3A_99 : vector<1x16xi32> to vector<16xi32>
    %swap3A_101 = vector.shape_cast %add3A_95 : vector<16xi32> to vector<1x16xi32>
    tpu.vector_store %arg9[%swap3A_97, %swap3A_98], %swap3A_101 {strides = array<i32>} : memref<32x32xi32, #tpu.memory_space<vmem>>, vector<1x16xi32>,
    %get3A_102 = arith.constant 80 : index
    %get3A_103 = tpu.vector_load %arg7[%get3A_102] {strides = array<i32>} : memref<1024xf32, #tpu.memory_space<vmem>>, vector<16xf32>,
    %get3A_104 = vector.shape_cast %get3A_103 : vector<16xf32> to vector<16xf32>
    %add3A_105 = arith.constant 80 : i32
    %add3A_106 = arith.addi %mul3A_2, %add3A_105 : i32
    %add3A_107 = vector.broadcast %add3A_106 : i32 to vector<16xi32>
    %add3A_108 = arith.addi %add3A_107, %iota3A : vector<16xi32>
    %ge3A_109 = arith.cmpf oge, %get3A_104, %get3A_6 : vector<16xf32>
    %jit3A_110 = arith.constant 0 : i32
    %jit3A_111 = arith.constant 16384 : i32
    %broadcast_in_dim3A_112 = vector.broadcast %jit3A_110 : i32 to vector<16xi32>
    %broadcast_in_dim3A_113 = vector.broadcast %jit3A_111 : i32 to vector<16xi32>
    %select_n3A_114 = arith.select %ge3A_109, %broadcast_in_dim3A_112, %broadcast_in_dim3A_113 : vector<16xi1>, vector<16xi32>
    %add3A_115 = arith.addi %add3A_108, %select_n3A_114 : vector<16xi32>
    %swap3A_116 = arith.constant 2 : i32
    %swap3A_117 = arith.index_cast %swap3A_116 : i32 to index
    %swap3A_118 = arith.constant 16 : index
    %swap3A_119 = tpu.vector_load %arg9[%swap3A_117, %swap3A_118] {strides = array<i32>} : memref<32x32xi32, #tpu.memory_space<vmem>>, vector<1x16xi32>,
    %swap3A_120 = vector.shape_cast %swap3A_119 : vector<1x16xi32> to vector<16xi32>
    %swap3A_121 = vector.shape_cast %add3A_115 : vector<16xi32> to vector<1x16xi32>
    tpu.vector_store %arg9[%swap3A_117, %swap3A_118], %swap3A_121 {strides = array<i32>} : memref<32x32xi32, #tpu.memory_space<vmem>>, vector<1x16xi32>,
    %get3A_122 = arith.constant 96 : index
    %get3A_123 = tpu.vector_load %arg7[%get3A_122] {strides = array<i32>} : memref<1024xf32, #tpu.memory_space<vmem>>, vector<16xf32>,
    %get3A_124 = vector.shape_cast %get3A_123 : vector<16xf32> to vector<16xf32>
    %add3A_125 = arith.constant 96 : i32
    %add3A_126 = arith.addi %mul3A_2, %add3A_125 : i32
    %add3A_127 = vector.broadcast %add3A_126 : i32 to vector<16xi32>
    %add3A_128 = arith.addi %add3A_127, %iota3A : vector<16xi32>
    %ge3A_129 = arith.cmpf oge, %get3A_124, %get3A_6 : vector<16xf32>
    %jit3A_130 = arith.constant 0 : i32
    %jit3A_131 = arith.constant 16384 : i32
    %broadcast_in_dim3A_132 = vector.broadcast %jit3A_130 : i32 to vector<16xi32>
    %broadcast_in_dim3A_133 = vector.broadcast %jit3A_131 : i32 to vector<16xi32>
    %select_n3A_134 = arith.select %ge3A_129, %broadcast_in_dim3A_132, %broadcast_in_dim3A_133 : vector<16xi1>, vector<16xi32>
    %add3A_135 = arith.addi %add3A_128, %select_n3A_134 : vector<16xi32>
    %swap3A_136 = arith.constant 3 : i32
    %swap3A_137 = arith.index_cast %swap3A_136 : i32 to index
    %swap3A_138 = arith.constant 0 : index
    %swap3A_139 = tpu.vector_load %arg9[%swap3A_137, %swap3A_138] {strides = array<i32>} : memref<32x32xi32, #tpu.memory_space<vmem>>, vector<1x16xi32>,
    %swap3A_140 = vector.shape_cast %swap3A_139 : vector<1x16xi32> to vector<16xi32>
    %swap3A_141 = vector.shape_cast %add3A_135 : vector<16xi32> to vector<1x16xi32>
    tpu.vector_store %arg9[%swap3A_137, %swap3A_138], %swap3A_141 {strides = array<i32>} : memref<32x32xi32, #tpu.memory_space<vmem>>, vector<1x16xi32>,
    %get3A_142 = arith.constant 112 : index
    %get3A_143 = tpu.vector_load %arg7[%get3A_142] {strides = array<i32>} : memref<1024xf32, #tpu.memory_space<vmem>>, vector<16xf32>,
    %get3A_144 = vector.shape_cast %get3A_143 : vector<16xf32> to vector<16xf32>
    %add3A_145 = arith.constant 112 : i32
    %add3A_146 = arith.addi %mul3A_2, %add3A_145 : i32
    %add3A_147 = vector.broadcast %add3A_146 : i32 to vector<16xi32>
    %add3A_148 = arith.addi %add3A_147, %iota3A : vector<16xi32>
    %ge3A_149 = arith.cmpf oge, %get3A_144, %get3A_6 : vector<16xf32>
    %jit3A_150 = arith.constant 0 : i32
    %jit3A_151 = arith.constant 16384 : i32
    %broadcast_in_dim3A_152 = vector.broadcast %jit3A_150 : i32 to vector<16xi32>
    %broadcast_in_dim3A_153 = vector.broadcast %jit3A_151 : i32 to vector<16xi32>
    %select_n3A_154 = arith.select %ge3A_149, %broadcast_in_dim3A_152, %broadcast_in_dim3A_153 : vector<16xi1>, vector<16xi32>
    %add3A_155 = arith.addi %add3A_148, %select_n3A_154 : vector<16xi32>
    %swap3A_156 = arith.constant 3 : i32
    %swap3A_157 = arith.index_cast %swap3A_156 : i32 to index
    %swap3A_158 = arith.constant 16 : index
    %swap3A_159 = tpu.vector_load %arg9[%swap3A_157, %swap3A_158] {strides = array<i32>} : memref<32x32xi32, #tpu.memory_space<vmem>>, vector<1x16xi32>,
    %swap3A_160 = vector.shape_cast %swap3A_159 : vector<1x16xi32> to vector<16xi32>
    %swap3A_161 = vector.shape_cast %add3A_155 : vector<16xi32> to vector<1x16xi32>
    tpu.vector_store %arg9[%swap3A_157, %swap3A_158], %swap3A_161 {strides = array<i32>} : memref<32x32xi32, #tpu.memory_space<vmem>>, vector<1x16xi32>,
    %get3A_162 = arith.constant 128 : index
    %get3A_163 = tpu.vector_load %arg7[%get3A_162] {strides = array<i32>} : memref<1024xf32, #tpu.memory_space<vmem>>, vector<16xf32>,
    %get3A_164 = vector.shape_cast %get3A_163 : vector<16xf32> to vector<16xf32>
    %add3A_165 = arith.constant 128 : i32
    %add3A_166 = arith.addi %mul3A_2, %add3A_165 : i32
    %add3A_167 = vector.broadcast %add3A_166 : i32 to vector<16xi32>
    %add3A_168 = arith.addi %add3A_167, %iota3A : vector<16xi32>
    %ge3A_169 = arith.cmpf oge, %get3A_164, %get3A_6 : vector<16xf32>
    %jit3A_170 = arith.constant 0 : i32
    %jit3A_171 = arith.constant 16384 : i32
    %broadcast_in_dim3A_172 = vector.broadcast %jit3A_170 : i32 to vector<16xi32>
    %broadcast_in_dim3A_173 = vector.broadcast %jit3A_171 : i32 to vector<16xi32>
    %select_n3A_174 = arith.select %ge3A_169, %broadcast_in_dim3A_172, %broadcast_in_dim3A_173 : vector<16xi1>, vector<16xi32>
    %add3A_175 = arith.addi %add3A_168, %select_n3A_174 : vector<16xi32>
    %swap3A_176 = arith.constant 4 : i32
    %swap3A_177 = arith.index_cast %swap3A_176 : i32 to index
    %swap3A_178 = arith.constant 0 : index
    %swap3A_179 = tpu.vector_load %arg9[%swap3A_177, %swap3A_178] {strides = array<i32>} : memref<32x32xi32, #tpu.memory_space<vmem>>, vector<1x16xi32>,
    %swap3A_180 = vector.shape_cast %swap3A_179 : vector<1x16xi32> to vector<16xi32>
    %swap3A_181 = vector.shape_cast %add3A_175 : vector<16xi32> to vector<1x16xi32>
    tpu.vector_store %arg9[%swap3A_177, %swap3A_178], %swap3A_181 {strides = array<i32>} : memref<32x32xi32, #tpu.memory_space<vmem>>, vector<1x16xi32>,
    %get3A_182 = arith.constant 144 : index
    %get3A_183 = tpu.vector_load %arg7[%get3A_182] {strides = array<i32>} : memref<1024xf32, #tpu.memory_space<vmem>>, vector<16xf32>,
    %get3A_184 = vector.shape_cast %get3A_183 : vector<16xf32> to vector<16xf32>
    %add3A_185 = arith.constant 144 : i32
    %add3A_186 = arith.addi %mul3A_2, %add3A_185 : i32
    %add3A_187 = vector.broadcast %add3A_186 : i32 to vector<16xi32>
    %add3A_188 = arith.addi %add3A_187, %iota3A : vector<16xi32>
    %ge3A_189 = arith.cmpf oge, %get3A_184, %get3A_6 : vector<16xf32>
    %jit3A_190 = arith.constant 0 : i32
    %jit3A_191 = arith.constant 16384 : i32
    %broadcast_in_dim3A_192 = vector.broadcast %jit3A_190 : i32 to vector<16xi32>
    %broadcast_in_dim3A_193 = vector.broadcast %jit3A_191 : i32 to vector<16xi32>
    %select_n3A_194 = arith.select %ge3A_189, %broadcast_in_dim3A_192, %broadcast_in_dim3A_193 : vector<16xi1>, vector<16xi32>
    %add3A_195 = arith.addi %add3A_188, %select_n3A_194 : vector<16xi32>
    %swap3A_196 = arith.constant 4 : i32
    %swap3A_197 = arith.index_cast %swap3A_196 : i32 to index
    %swap3A_198 = arith.constant 16 : index
    %swap3A_199 = tpu.vector_load %arg9[%swap3A_197, %swap3A_198] {strides = array<i32>} : memref<32x32xi32, #tpu.memory_space<vmem>>, vector<1x16xi32>,
    %swap3A_200 = vector.shape_cast %swap3A_199 : vector<1x16xi32> to vector<16xi32>
    %swap3A_201 = vector.shape_cast %add3A_195 : vector<16xi32> to vector<1x16xi32>
    tpu.vector_store %arg9[%swap3A_197, %swap3A_198], %swap3A_201 {strides = array<i32>} : memref<32x32xi32, #tpu.memory_space<vmem>>, vector<1x16xi32>,
    %get3A_202 = arith.constant 160 : index
    %get3A_203 = tpu.vector_load %arg7[%get3A_202] {strides = array<i32>} : memref<1024xf32, #tpu.memory_space<vmem>>, vector<16xf32>,
    %get3A_204 = vector.shape_cast %get3A_203 : vector<16xf32> to vector<16xf32>
    %add3A_205 = arith.constant 160 : i32
    %add3A_206 = arith.addi %mul3A_2, %add3A_205 : i32
    %add3A_207 = vector.broadcast %add3A_206 : i32 to vector<16xi32>
    %add3A_208 = arith.addi %add3A_207, %iota3A : vector<16xi32>
    %ge3A_209 = arith.cmpf oge, %get3A_204, %get3A_6 : vector<16xf32>
    %jit3A_210 = arith.constant 0 : i32
    %jit3A_211 = arith.constant 16384 : i32
    %broadcast_in_dim3A_212 = vector.broadcast %jit3A_210 : i32 to vector<16xi32>
    %broadcast_in_dim3A_213 = vector.broadcast %jit3A_211 : i32 to vector<16xi32>
    %select_n3A_214 = arith.select %ge3A_209, %broadcast_in_dim3A_212, %broadcast_in_dim3A_213 : vector<16xi1>, vector<16xi32>
    %add3A_215 = arith.addi %add3A_208, %select_n3A_214 : vector<16xi32>
    %swap3A_216 = arith.constant 5 : i32
    %swap3A_217 = arith.index_cast %swap3A_216 : i32 to index
    %swap3A_218 = arith.constant 0 : index
    %swap3A_219 = tpu.vector_load %arg9[%swap3A_217, %swap3A_218] {strides = array<i32>} : memref<32x32xi32, #tpu.memory_space<vmem>>, vector<1x16xi32>,
    %swap3A_220 = vector.shape_cast %swap3A_219 : vector<1x16xi32> to vector<16xi32>
    %swap3A_221 = vector.shape_cast %add3A_215 : vector<16xi32> to vector<1x16xi32>
    tpu.vector_store %arg9[%swap3A_217, %swap3A_218], %swap3A_221 {strides = array<i32>} : memref<32x32xi32, #tpu.memory_space<vmem>>, vector<1x16xi32>,
    %get3A_222 = arith.constant 176 : index
    %get3A_223 = tpu.vector_load %arg7[%get3A_222] {strides = array<i32>} : memref<1024xf32, #tpu.memory_space<vmem>>, vector<16xf32>,
    %get3A_224 = vector.shape_cast %get3A_223 : vector<16xf32> to vector<16xf32>
    %add3A_225 = arith.constant 176 : i32
    %add3A_226 = arith.addi %mul3A_2, %add3A_225 : i32
    %add3A_227 = vector.broadcast %add3A_226 : i32 to vector<16xi32>
    %add3A_228 = arith.addi %add3A_227, %iota3A : vector<16xi32>
    %ge3A_229 = arith.cmpf oge, %get3A_224, %get3A_6 : vector<16xf32>
    %jit3A_230 = arith.constant 0 : i32
    %jit3A_231 = arith.constant 16384 : i32
    %broadcast_in_dim3A_232 = vector.broadcast %jit3A_230 : i32 to vector<16xi32>
    %broadcast_in_dim3A_233 = vector.broadcast %jit3A_231 : i32 to vector<16xi32>
    %select_n3A_234 = arith.select %ge3A_229, %broadcast_in_dim3A_232, %broadcast_in_dim3A_233 : vector<16xi1>, vector<16xi32>
    %add3A_235 = arith.addi %add3A_228, %select_n3A_234 : vector<16xi32>
    %swap3A_236 = arith.constant 5 : i32
    %swap3A_237 = arith.index_cast %swap3A_236 : i32 to index
    %swap3A_238 = arith.constant 16 : index
    %swap3A_239 = tpu.vector_load %arg9[%swap3A_237, %swap3A_238] {strides = array<i32>} : memref<32x32xi32, #tpu.memory_space<vmem>>, vector<1x16xi32>,
    %swap3A_240 = vector.shape_cast %swap3A_239 : vector<1x16xi32> to vector<16xi32>
    %swap3A_241 = vector.shape_cast %add3A_235 : vector<16xi32> to vector<1x16xi32>
    tpu.vector_store %arg9[%swap3A_237, %swap3A_238], %swap3A_241 {strides = array<i32>} : memref<32x32xi32, #tpu.memory_space<vmem>>, vector<1x16xi32>,
    %get3A_242 = arith.constant 192 : index
    %get3A_243 = tpu.vector_load %arg7[%get3A_242] {strides = array<i32>} : memref<1024xf32, #tpu.memory_space<vmem>>, vector<16xf32>,
    %get3A_244 = vector.shape_cast %get3A_243 : vector<16xf32> to vector<16xf32>
    %add3A_245 = arith.constant 192 : i32
    %add3A_246 = arith.addi %mul3A_2, %add3A_245 : i32
    %add3A_247 = vector.broadcast %add3A_246 : i32 to vector<16xi32>
    %add3A_248 = arith.addi %add3A_247, %iota3A : vector<16xi32>
    %ge3A_249 = arith.cmpf oge, %get3A_244, %get3A_6 : vector<16xf32>
    %jit3A_250 = arith.constant 0 : i32
    %jit3A_251 = arith.constant 16384 : i32
    %broadcast_in_dim3A_252 = vector.broadcast %jit3A_250 : i32 to vector<16xi32>
    %broadcast_in_dim3A_253 = vector.broadcast %jit3A_251 : i32 to vector<16xi32>
    %select_n3A_254 = arith.select %ge3A_249, %broadcast_in_dim3A_252, %broadcast_in_dim3A_253 : vector<16xi1>, vector<16xi32>
    %add3A_255 = arith.addi %add3A_248, %select_n3A_254 : vector<16xi32>
    %swap3A_256 = arith.constant 6 : i32
    %swap3A_257 = arith.index_cast %swap3A_256 : i32 to index
    %swap3A_258 = arith.constant 0 : index
    %swap3A_259 = tpu.vector_load %arg9[%swap3A_257, %swap3A_258] {strides = array<i32>} : memref<32x32xi32, #tpu.memory_space<vmem>>, vector<1x16xi32>,
    %swap3A_260 = vector.shape_cast %swap3A_259 : vector<1x16xi32> to vector<16xi32>
    %swap3A_261 = vector.shape_cast %add3A_255 : vector<16xi32> to vector<1x16xi32>
    tpu.vector_store %arg9[%swap3A_257, %swap3A_258], %swap3A_261 {strides = array<i32>} : memref<32x32xi32, #tpu.memory_space<vmem>>, vector<1x16xi32>,
    %get3A_262 = arith.constant 208 : index
    %get3A_263 = tpu.vector_load %arg7[%get3A_262] {strides = array<i32>} : memref<1024xf32, #tpu.memory_space<vmem>>, vector<16xf32>,
    %get3A_264 = vector.shape_cast %get3A_263 : vector<16xf32> to vector<16xf32>
    %add3A_265 = arith.constant 208 : i32
    %add3A_266 = arith.addi %mul3A_2, %add3A_265 : i32
    %add3A_267 = vector.broadcast %add3A_266 : i32 to vector<16xi32>
    %add3A_268 = arith.addi %add3A_267, %iota3A : vector<16xi32>
    %ge3A_269 = arith.cmpf oge, %get3A_264, %get3A_6 : vector<16xf32>
    %jit3A_270 = arith.constant 0 : i32
    %jit3A_271 = arith.constant 16384 : i32
    %broadcast_in_dim3A_272 = vector.broadcast %jit3A_270 : i32 to vector<16xi32>
    %broadcast_in_dim3A_273 = vector.broadcast %jit3A_271 : i32 to vector<16xi32>
    %select_n3A_274 = arith.select %ge3A_269, %broadcast_in_dim3A_272, %broadcast_in_dim3A_273 : vector<16xi1>, vector<16xi32>
    %add3A_275 = arith.addi %add3A_268, %select_n3A_274 : vector<16xi32>
    %swap3A_276 = arith.constant 6 : i32
    %swap3A_277 = arith.index_cast %swap3A_276 : i32 to index
    %swap3A_278 = arith.constant 16 : index
    %swap3A_279 = tpu.vector_load %arg9[%swap3A_277, %swap3A_278] {strides = array<i32>} : memref<32x32xi32, #tpu.memory_space<vmem>>, vector<1x16xi32>,
    %swap3A_280 = vector.shape_cast %swap3A_279 : vector<1x16xi32> to vector<16xi32>
    %swap3A_281 = vector.shape_cast %add3A_275 : vector<16xi32> to vector<1x16xi32>
    tpu.vector_store %arg9[%swap3A_277, %swap3A_278], %swap3A_281 {strides = array<i32>} : memref<32x32xi32, #tpu.memory_space<vmem>>, vector<1x16xi32>,
    %get3A_282 = arith.constant 224 : index
    %get3A_283 = tpu.vector_load %arg7[%get3A_282] {strides = array<i32>} : memref<1024xf32, #tpu.memory_space<vmem>>, vector<16xf32>,
    %get3A_284 = vector.shape_cast %get3A_283 : vector<16xf32> to vector<16xf32>
    %add3A_285 = arith.constant 224 : i32
    %add3A_286 = arith.addi %mul3A_2, %add3A_285 : i32
    %add3A_287 = vector.broadcast %add3A_286 : i32 to vector<16xi32>
    %add3A_288 = arith.addi %add3A_287, %iota3A : vector<16xi32>
    %ge3A_289 = arith.cmpf oge, %get3A_284, %get3A_6 : vector<16xf32>
    %jit3A_290 = arith.constant 0 : i32
    %jit3A_291 = arith.constant 16384 : i32
    %broadcast_in_dim3A_292 = vector.broadcast %jit3A_290 : i32 to vector<16xi32>
    %broadcast_in_dim3A_293 = vector.broadcast %jit3A_291 : i32 to vector<16xi32>
    %select_n3A_294 = arith.select %ge3A_289, %broadcast_in_dim3A_292, %broadcast_in_dim3A_293 : vector<16xi1>, vector<16xi32>
    %add3A_295 = arith.addi %add3A_288, %select_n3A_294 : vector<16xi32>
    %swap3A_296 = arith.constant 7 : i32
    %swap3A_297 = arith.index_cast %swap3A_296 : i32 to index
    %swap3A_298 = arith.constant 0 : index
    %swap3A_299 = tpu.vector_load %arg9[%swap3A_297, %swap3A_298] {strides = array<i32>} : memref<32x32xi32, #tpu.memory_space<vmem>>, vector<1x16xi32>,
    %swap3A_300 = vector.shape_cast %swap3A_299 : vector<1x16xi32> to vector<16xi32>
    %swap3A_301 = vector.shape_cast %add3A_295 : vector<16xi32> to vector<1x16xi32>
    tpu.vector_store %arg9[%swap3A_297, %swap3A_298], %swap3A_301 {strides = array<i32>} : memref<32x32xi32, #tpu.memory_space<vmem>>, vector<1x16xi32>,
    %get3A_302 = arith.constant 240 : index
    %get3A_303 = tpu.vector_load %arg7[%get3A_302] {strides = array<i32>} : memref<1024xf32, #tpu.memory_space<vmem>>, vector<16xf32>,
    %get3A_304 = vector.shape_cast %get3A_303 : vector<16xf32> to vector<16xf32>
    %add3A_305 = arith.constant 240 : i32
    %add3A_306 = arith.addi %mul3A_2, %add3A_305 : i32
    %add3A_307 = vector.broadcast %add3A_306 : i32 to vector<16xi32>
    %add3A_308 = arith.addi %add3A_307, %iota3A : vector<16xi32>
    %ge3A_309 = arith.cmpf oge, %get3A_304, %get3A_6 : vector<16xf32>
    %jit3A_310 = arith.constant 0 : i32
    %jit3A_311 = arith.constant 16384 : i32
    %broadcast_in_dim3A_312 = vector.broadcast %jit3A_310 : i32 to vector<16xi32>
    %broadcast_in_dim3A_313 = vector.broadcast %jit3A_311 : i32 to vector<16xi32>
    %select_n3A_314 = arith.select %ge3A_309, %broadcast_in_dim3A_312, %broadcast_in_dim3A_313 : vector<16xi1>, vector<16xi32>
    %add3A_315 = arith.addi %add3A_308, %select_n3A_314 : vector<16xi32>
    %swap3A_316 = arith.constant 7 : i32
    %swap3A_317 = arith.index_cast %swap3A_316 : i32 to index
    %swap3A_318 = arith.constant 16 : index
    %swap3A_319 = tpu.vector_load %arg9[%swap3A_317, %swap3A_318] {strides = array<i32>} : memref<32x32xi32, #tpu.memory_space<vmem>>, vector<1x16xi32>,
    %swap3A_320 = vector.shape_cast %swap3A_319 : vector<1x16xi32> to vector<16xi32>
    %swap3A_321 = vector.shape_cast %add3A_315 : vector<16xi32> to vector<1x16xi32>
    tpu.vector_store %arg9[%swap3A_317, %swap3A_318], %swap3A_321 {strides = array<i32>} : memref<32x32xi32, #tpu.memory_space<vmem>>, vector<1x16xi32>,
    %get3A_322 = arith.constant 256 : index
    %get3A_323 = tpu.vector_load %arg7[%get3A_322] {strides = array<i32>} : memref<1024xf32, #tpu.memory_space<vmem>>, vector<16xf32>,
    %get3A_324 = vector.shape_cast %get3A_323 : vector<16xf32> to vector<16xf32>
    %add3A_325 = arith.constant 256 : i32
    %add3A_326 = arith.addi %mul3A_2, %add3A_325 : i32
    %add3A_327 = vector.broadcast %add3A_326 : i32 to vector<16xi32>
    %add3A_328 = arith.addi %add3A_327, %iota3A : vector<16xi32>
    %ge3A_329 = arith.cmpf oge, %get3A_324, %get3A_6 : vector<16xf32>
    %jit3A_330 = arith.constant 0 : i32
    %jit3A_331 = arith.constant 16384 : i32
    %broadcast_in_dim3A_332 = vector.broadcast %jit3A_330 : i32 to vector<16xi32>
    %broadcast_in_dim3A_333 = vector.broadcast %jit3A_331 : i32 to vector<16xi32>
    %select_n3A_334 = arith.select %ge3A_329, %broadcast_in_dim3A_332, %broadcast_in_dim3A_333 : vector<16xi1>, vector<16xi32>
    %add3A_335 = arith.addi %add3A_328, %select_n3A_334 : vector<16xi32>
    %swap3A_336 = arith.constant 8 : i32
    %swap3A_337 = arith.index_cast %swap3A_336 : i32 to index
    %swap3A_338 = arith.constant 0 : index
    %swap3A_339 = tpu.vector_load %arg9[%swap3A_337, %swap3A_338] {strides = array<i32>} : memref<32x32xi32, #tpu.memory_space<vmem>>, vector<1x16xi32>,
    %swap3A_340 = vector.shape_cast %swap3A_339 : vector<1x16xi32> to vector<16xi32>
    %swap3A_341 = vector.shape_cast %add3A_335 : vector<16xi32> to vector<1x16xi32>
    tpu.vector_store %arg9[%swap3A_337, %swap3A_338], %swap3A_341 {strides = array<i32>} : memref<32x32xi32, #tpu.memory_space<vmem>>, vector<1x16xi32>,
    %get3A_342 = arith.constant 272 : index
    %get3A_343 = tpu.vector_load %arg7[%get3A_342] {strides = array<i32>} : memref<1024xf32, #tpu.memory_space<vmem>>, vector<16xf32>,
    %get3A_344 = vector.shape_cast %get3A_343 : vector<16xf32> to vector<16xf32>
    %add3A_345 = arith.constant 272 : i32
    %add3A_346 = arith.addi %mul3A_2, %add3A_345 : i32
    %add3A_347 = vector.broadcast %add3A_346 : i32 to vector<16xi32>
    %add3A_348 = arith.addi %add3A_347, %iota3A : vector<16xi32>
    %ge3A_349 = arith.cmpf oge, %get3A_344, %get3A_6 : vector<16xf32>
    %jit3A_350 = arith.constant 0 : i32
    %jit3A_351 = arith.constant 16384 : i32
    %broadcast_in_dim3A_352 = vector.broadcast %jit3A_350 : i32 to vector<16xi32>
    %broadcast_in_dim3A_353 = vector.broadcast %jit3A_351 : i32 to vector<16xi32>
    %select_n3A_354 = arith.select %ge3A_349, %broadcast_in_dim3A_352, %broadcast_in_dim3A_353 : vector<16xi1>, vector<16xi32>
    %add3A_355 = arith.addi %add3A_348, %select_n3A_354 : vector<16xi32>
    %swap3A_356 = arith.constant 8 : i32
    %swap3A_357 = arith.index_cast %swap3A_356 : i32 to index
    %swap3A_358 = arith.constant 16 : index
    %swap3A_359 = tpu.vector_load %arg9[%swap3A_357, %swap3A_358] {strides = array<i32>} : memref<32x32xi32, #tpu.memory_space<vmem>>, vector<1x16xi32>,
    %swap3A_360 = vector.shape_cast %swap3A_359 : vector<1x16xi32> to vector<16xi32>
    %swap3A_361 = vector.shape_cast %add3A_355 : vector<16xi32> to vector<1x16xi32>
    tpu.vector_store %arg9[%swap3A_357, %swap3A_358], %swap3A_361 {strides = array<i32>} : memref<32x32xi32, #tpu.memory_space<vmem>>, vector<1x16xi32>,
    %get3A_362 = arith.constant 288 : index
    %get3A_363 = tpu.vector_load %arg7[%get3A_362] {strides = array<i32>} : memref<1024xf32, #tpu.memory_space<vmem>>, vector<16xf32>,
    %get3A_364 = vector.shape_cast %get3A_363 : vector<16xf32> to vector<16xf32>
    %add3A_365 = arith.constant 288 : i32
    %add3A_366 = arith.addi %mul3A_2, %add3A_365 : i32
    %add3A_367 = vector.broadcast %add3A_366 : i32 to vector<16xi32>
    %add3A_368 = arith.addi %add3A_367, %iota3A : vector<16xi32>
    %ge3A_369 = arith.cmpf oge, %get3A_364, %get3A_6 : vector<16xf32>
    %jit3A_370 = arith.constant 0 : i32
    %jit3A_371 = arith.constant 16384 : i32
    %broadcast_in_dim3A_372 = vector.broadcast %jit3A_370 : i32 to vector<16xi32>
    %broadcast_in_dim3A_373 = vector.broadcast %jit3A_371 : i32 to vector<16xi32>
    %select_n3A_374 = arith.select %ge3A_369, %broadcast_in_dim3A_372, %broadcast_in_dim3A_373 : vector<16xi1>, vector<16xi32>
    %add3A_375 = arith.addi %add3A_368, %select_n3A_374 : vector<16xi32>
    %swap3A_376 = arith.constant 9 : i32
    %swap3A_377 = arith.index_cast %swap3A_376 : i32 to index
    %swap3A_378 = arith.constant 0 : index
    %swap3A_379 = tpu.vector_load %arg9[%swap3A_377, %swap3A_378] {strides = array<i32>} : memref<32x32xi32, #tpu.memory_space<vmem>>, vector<1x16xi32>,
    %swap3A_380 = vector.shape_cast %swap3A_379 : vector<1x16xi32> to vector<16xi32>
    %swap3A_381 = vector.shape_cast %add3A_375 : vector<16xi32> to vector<1x16xi32>
    tpu.vector_store %arg9[%swap3A_377, %swap3A_378], %swap3A_381 {strides = array<i32>} : memref<32x32xi32, #tpu.memory_space<vmem>>, vector<1x16xi32>,
    %get3A_382 = arith.constant 304 : index
    %get3A_383 = tpu.vector_load %arg7[%get3A_382] {strides = array<i32>} : memref<1024xf32, #tpu.memory_space<vmem>>, vector<16xf32>,
    %get3A_384 = vector.shape_cast %get3A_383 : vector<16xf32> to vector<16xf32>
    %add3A_385 = arith.constant 304 : i32
    %add3A_386 = arith.addi %mul3A_2, %add3A_385 : i32
    %add3A_387 = vector.broadcast %add3A_386 : i32 to vector<16xi32>
    %add3A_388 = arith.addi %add3A_387, %iota3A : vector<16xi32>
    %ge3A_389 = arith.cmpf oge, %get3A_384, %get3A_6 : vector<16xf32>
    %jit3A_390 = arith.constant 0 : i32
    %jit3A_391 = arith.constant 16384 : i32
    %broadcast_in_dim3A_392 = vector.broadcast %jit3A_390 : i32 to vector<16xi32>
    %broadcast_in_dim3A_393 = vector.broadcast %jit3A_391 : i32 to vector<16xi32>
    %select_n3A_394 = arith.select %ge3A_389, %broadcast_in_dim3A_392, %broadcast_in_dim3A_393 : vector<16xi1>, vector<16xi32>
    %add3A_395 = arith.addi %add3A_388, %select_n3A_394 : vector<16xi32>
    %swap3A_396 = arith.constant 9 : i32
    %swap3A_397 = arith.index_cast %swap3A_396 : i32 to index
    %swap3A_398 = arith.constant 16 : index
    %swap3A_399 = tpu.vector_load %arg9[%swap3A_397, %swap3A_398] {strides = array<i32>} : memref<32x32xi32, #tpu.memory_space<vmem>>, vector<1x16xi32>,
    %swap3A_400 = vector.shape_cast %swap3A_399 : vector<1x16xi32> to vector<16xi32>
    %swap3A_401 = vector.shape_cast %add3A_395 : vector<16xi32> to vector<1x16xi32>
    tpu.vector_store %arg9[%swap3A_397, %swap3A_398], %swap3A_401 {strides = array<i32>} : memref<32x32xi32, #tpu.memory_space<vmem>>, vector<1x16xi32>,
    %get3A_402 = arith.constant 320 : index
    %get3A_403 = tpu.vector_load %arg7[%get3A_402] {strides = array<i32>} : memref<1024xf32, #tpu.memory_space<vmem>>, vector<16xf32>,
    %get3A_404 = vector.shape_cast %get3A_403 : vector<16xf32> to vector<16xf32>
    %add3A_405 = arith.constant 320 : i32
    %add3A_406 = arith.addi %mul3A_2, %add3A_405 : i32
    %add3A_407 = vector.broadcast %add3A_406 : i32 to vector<16xi32>
    %add3A_408 = arith.addi %add3A_407, %iota3A : vector<16xi32>
    %ge3A_409 = arith.cmpf oge, %get3A_404, %get3A_6 : vector<16xf32>
    %jit3A_410 = arith.constant 0 : i32
    %jit3A_411 = arith.constant 16384 : i32
    %broadcast_in_dim3A_412 = vector.broadcast %jit3A_410 : i32 to vector<16xi32>
    %broadcast_in_dim3A_413 = vector.broadcast %jit3A_411 : i32 to vector<16xi32>
    %select_n3A_414 = arith.select %ge3A_409, %broadcast_in_dim3A_412, %broadcast_in_dim3A_413 : vector<16xi1>, vector<16xi32>
    %add3A_415 = arith.addi %add3A_408, %select_n3A_414 : vector<16xi32>
    %swap3A_416 = arith.constant 10 : i32
    %swap3A_417 = arith.index_cast %swap3A_416 : i32 to index
    %swap3A_418 = arith.constant 0 : index
    %swap3A_419 = tpu.vector_load %arg9[%swap3A_417, %swap3A_418] {strides = array<i32>} : memref<32x32xi32, #tpu.memory_space<vmem>>, vector<1x16xi32>,
    %swap3A_420 = vector.shape_cast %swap3A_419 : vector<1x16xi32> to vector<16xi32>
    %swap3A_421 = vector.shape_cast %add3A_415 : vector<16xi32> to vector<1x16xi32>
    tpu.vector_store %arg9[%swap3A_417, %swap3A_418], %swap3A_421 {strides = array<i32>} : memref<32x32xi32, #tpu.memory_space<vmem>>, vector<1x16xi32>,
    %get3A_422 = arith.constant 336 : index
    %get3A_423 = tpu.vector_load %arg7[%get3A_422] {strides = array<i32>} : memref<1024xf32, #tpu.memory_space<vmem>>, vector<16xf32>,
    %get3A_424 = vector.shape_cast %get3A_423 : vector<16xf32> to vector<16xf32>
    %add3A_425 = arith.constant 336 : i32
    %add3A_426 = arith.addi %mul3A_2, %add3A_425 : i32
    %add3A_427 = vector.broadcast %add3A_426 : i32 to vector<16xi32>
    %add3A_428 = arith.addi %add3A_427, %iota3A : vector<16xi32>
    %ge3A_429 = arith.cmpf oge, %get3A_424, %get3A_6 : vector<16xf32>
    %jit3A_430 = arith.constant 0 : i32
    %jit3A_431 = arith.constant 16384 : i32
    %broadcast_in_dim3A_432 = vector.broadcast %jit3A_430 : i32 to vector<16xi32>
    %broadcast_in_dim3A_433 = vector.broadcast %jit3A_431 : i32 to vector<16xi32>
    %select_n3A_434 = arith.select %ge3A_429, %broadcast_in_dim3A_432, %broadcast_in_dim3A_433 : vector<16xi1>, vector<16xi32>
    %add3A_435 = arith.addi %add3A_428, %select_n3A_434 : vector<16xi32>
    %swap3A_436 = arith.constant 10 : i32
    %swap3A_437 = arith.index_cast %swap3A_436 : i32 to index
    %swap3A_438 = arith.constant 16 : index
    %swap3A_439 = tpu.vector_load %arg9[%swap3A_437, %swap3A_438] {strides = array<i32>} : memref<32x32xi32, #tpu.memory_space<vmem>>, vector<1x16xi32>,
    %swap3A_440 = vector.shape_cast %swap3A_439 : vector<1x16xi32> to vector<16xi32>
    %swap3A_441 = vector.shape_cast %add3A_435 : vector<16xi32> to vector<1x16xi32>
    tpu.vector_store %arg9[%swap3A_437, %swap3A_438], %swap3A_441 {strides = array<i32>} : memref<32x32xi32, #tpu.memory_space<vmem>>, vector<1x16xi32>,
    %get3A_442 = arith.constant 352 : index
    %get3A_443 = tpu.vector_load %arg7[%get3A_442] {strides = array<i32>} : memref<1024xf32, #tpu.memory_space<vmem>>, vector<16xf32>,
    %get3A_444 = vector.shape_cast %get3A_443 : vector<16xf32> to vector<16xf32>
    %add3A_445 = arith.constant 352 : i32
    %add3A_446 = arith.addi %mul3A_2, %add3A_445 : i32
    %add3A_447 = vector.broadcast %add3A_446 : i32 to vector<16xi32>
    %add3A_448 = arith.addi %add3A_447, %iota3A : vector<16xi32>
    %ge3A_449 = arith.cmpf oge, %get3A_444, %get3A_6 : vector<16xf32>
    %jit3A_450 = arith.constant 0 : i32
    %jit3A_451 = arith.constant 16384 : i32
    %broadcast_in_dim3A_452 = vector.broadcast %jit3A_450 : i32 to vector<16xi32>
    %broadcast_in_dim3A_453 = vector.broadcast %jit3A_451 : i32 to vector<16xi32>
    %select_n3A_454 = arith.select %ge3A_449, %broadcast_in_dim3A_452, %broadcast_in_dim3A_453 : vector<16xi1>, vector<16xi32>
    %add3A_455 = arith.addi %add3A_448, %select_n3A_454 : vector<16xi32>
    %swap3A_456 = arith.constant 11 : i32
    %swap3A_457 = arith.index_cast %swap3A_456 : i32 to index
    %swap3A_458 = arith.constant 0 : index
    %swap3A_459 = tpu.vector_load %arg9[%swap3A_457, %swap3A_458] {strides = array<i32>} : memref<32x32xi32, #tpu.memory_space<vmem>>, vector<1x16xi32>,
    %swap3A_460 = vector.shape_cast %swap3A_459 : vector<1x16xi32> to vector<16xi32>
    %swap3A_461 = vector.shape_cast %add3A_455 : vector<16xi32> to vector<1x16xi32>
    tpu.vector_store %arg9[%swap3A_457, %swap3A_458], %swap3A_461 {strides = array<i32>} : memref<32x32xi32, #tpu.memory_space<vmem>>, vector<1x16xi32>,
    %get3A_462 = arith.constant 368 : index
    %get3A_463 = tpu.vector_load %arg7[%get3A_462] {strides = array<i32>} : memref<1024xf32, #tpu.memory_space<vmem>>, vector<16xf32>,
    %get3A_464 = vector.shape_cast %get3A_463 : vector<16xf32> to vector<16xf32>
    %add3A_465 = arith.constant 368 : i32
    %add3A_466 = arith.addi %mul3A_2, %add3A_465 : i32
    %add3A_467 = vector.broadcast %add3A_466 : i32 to vector<16xi32>
    %add3A_468 = arith.addi %add3A_467, %iota3A : vector<16xi32>
    %ge3A_469 = arith.cmpf oge, %get3A_464, %get3A_6 : vector<16xf32>
    %jit3A_470 = arith.constant 0 : i32
    %jit3A_471 = arith.constant 16384 : i32
    %broadcast_in_dim3A_472 = vector.broadcast %jit3A_470 : i32 to vector<16xi32>
    %broadcast_in_dim3A_473 = vector.broadcast %jit3A_471 : i32 to vector<16xi32>
    %select_n3A_474 = arith.select %ge3A_469, %broadcast_in_dim3A_472, %broadcast_in_dim3A_473 : vector<16xi1>, vector<16xi32>
    %add3A_475 = arith.addi %add3A_468, %select_n3A_474 : vector<16xi32>
    %swap3A_476 = arith.constant 11 : i32
    %swap3A_477 = arith.index_cast %swap3A_476 : i32 to index
    %swap3A_478 = arith.constant 16 : index
    %swap3A_479 = tpu.vector_load %arg9[%swap3A_477, %swap3A_478] {strides = array<i32>} : memref<32x32xi32, #tpu.memory_space<vmem>>, vector<1x16xi32>,
    %swap3A_480 = vector.shape_cast %swap3A_479 : vector<1x16xi32> to vector<16xi32>
    %swap3A_481 = vector.shape_cast %add3A_475 : vector<16xi32> to vector<1x16xi32>
    tpu.vector_store %arg9[%swap3A_477, %swap3A_478], %swap3A_481 {strides = array<i32>} : memref<32x32xi32, #tpu.memory_space<vmem>>, vector<1x16xi32>,
    %get3A_482 = arith.constant 384 : index
    %get3A_483 = tpu.vector_load %arg7[%get3A_482] {strides = array<i32>} : memref<1024xf32, #tpu.memory_space<vmem>>, vector<16xf32>,
    %get3A_484 = vector.shape_cast %get3A_483 : vector<16xf32> to vector<16xf32>
    %add3A_485 = arith.constant 384 : i32
    %add3A_486 = arith.addi %mul3A_2, %add3A_485 : i32
    %add3A_487 = vector.broadcast %add3A_486 : i32 to vector<16xi32>
    %add3A_488 = arith.addi %add3A_487, %iota3A : vector<16xi32>
    %ge3A_489 = arith.cmpf oge, %get3A_484, %get3A_6 : vector<16xf32>
    %jit3A_490 = arith.constant 0 : i32
    %jit3A_491 = arith.constant 16384 : i32
    %broadcast_in_dim3A_492 = vector.broadcast %jit3A_490 : i32 to vector<16xi32>
    %broadcast_in_dim3A_493 = vector.broadcast %jit3A_491 : i32 to vector<16xi32>
    %select_n3A_494 = arith.select %ge3A_489, %broadcast_in_dim3A_492, %broadcast_in_dim3A_493 : vector<16xi1>, vector<16xi32>
    %add3A_495 = arith.addi %add3A_488, %select_n3A_494 : vector<16xi32>
    %swap3A_496 = arith.constant 12 : i32
    %swap3A_497 = arith.index_cast %swap3A_496 : i32 to index
    %swap3A_498 = arith.constant 0 : index
    %swap3A_499 = tpu.vector_load %arg9[%swap3A_497, %swap3A_498] {strides = array<i32>} : memref<32x32xi32, #tpu.memory_space<vmem>>, vector<1x16xi32>,
    %swap3A_500 = vector.shape_cast %swap3A_499 : vector<1x16xi32> to vector<16xi32>
    %swap3A_501 = vector.shape_cast %add3A_495 : vector<16xi32> to vector<1x16xi32>
    tpu.vector_store %arg9[%swap3A_497, %swap3A_498], %swap3A_501 {strides = array<i32>} : memref<32x32xi32, #tpu.memory_space<vmem>>, vector<1x16xi32>,
    %get3A_502 = arith.constant 400 : index
    %get3A_503 = tpu.vector_load %arg7[%get3A_502] {strides = array<i32>} : memref<1024xf32, #tpu.memory_space<vmem>>, vector<16xf32>,
    %get3A_504 = vector.shape_cast %get3A_503 : vector<16xf32> to vector<16xf32>
    %add3A_505 = arith.constant 400 : i32
    %add3A_506 = arith.addi %mul3A_2, %add3A_505 : i32
    %add3A_507 = vector.broadcast %add3A_506 : i32 to vector<16xi32>
    %add3A_508 = arith.addi %add3A_507, %iota3A : vector<16xi32>
    %ge3A_509 = arith.cmpf oge, %get3A_504, %get3A_6 : vector<16xf32>
    %jit3A_510 = arith.constant 0 : i32
    %jit3A_511 = arith.constant 16384 : i32
    %broadcast_in_dim3A_512 = vector.broadcast %jit3A_510 : i32 to vector<16xi32>
    %broadcast_in_dim3A_513 = vector.broadcast %jit3A_511 : i32 to vector<16xi32>
    %select_n3A_514 = arith.select %ge3A_509, %broadcast_in_dim3A_512, %broadcast_in_dim3A_513 : vector<16xi1>, vector<16xi32>
    %add3A_515 = arith.addi %add3A_508, %select_n3A_514 : vector<16xi32>
    %swap3A_516 = arith.constant 12 : i32
    %swap3A_517 = arith.index_cast %swap3A_516 : i32 to index
    %swap3A_518 = arith.constant 16 : index
    %swap3A_519 = tpu.vector_load %arg9[%swap3A_517, %swap3A_518] {strides = array<i32>} : memref<32x32xi32, #tpu.memory_space<vmem>>, vector<1x16xi32>,
    %swap3A_520 = vector.shape_cast %swap3A_519 : vector<1x16xi32> to vector<16xi32>
    %swap3A_521 = vector.shape_cast %add3A_515 : vector<16xi32> to vector<1x16xi32>
    tpu.vector_store %arg9[%swap3A_517, %swap3A_518], %swap3A_521 {strides = array<i32>} : memref<32x32xi32, #tpu.memory_space<vmem>>, vector<1x16xi32>,
    %get3A_522 = arith.constant 416 : index
    %get3A_523 = tpu.vector_load %arg7[%get3A_522] {strides = array<i32>} : memref<1024xf32, #tpu.memory_space<vmem>>, vector<16xf32>,
    %get3A_524 = vector.shape_cast %get3A_523 : vector<16xf32> to vector<16xf32>
    %add3A_525 = arith.constant 416 : i32
    %add3A_526 = arith.addi %mul3A_2, %add3A_525 : i32
    %add3A_527 = vector.broadcast %add3A_526 : i32 to vector<16xi32>
    %add3A_528 = arith.addi %add3A_527, %iota3A : vector<16xi32>
    %ge3A_529 = arith.cmpf oge, %get3A_524, %get3A_6 : vector<16xf32>
    %jit3A_530 = arith.constant 0 : i32
    %jit3A_531 = arith.constant 16384 : i32
    %broadcast_in_dim3A_532 = vector.broadcast %jit3A_530 : i32 to vector<16xi32>
    %broadcast_in_dim3A_533 = vector.broadcast %jit3A_531 : i32 to vector<16xi32>
    %select_n3A_534 = arith.select %ge3A_529, %broadcast_in_dim3A_532, %broadcast_in_dim3A_533 : vector<16xi1>, vector<16xi32>
    %add3A_535 = arith.addi %add3A_528, %select_n3A_534 : vector<16xi32>
    %swap3A_536 = arith.constant 13 : i32
    %swap3A_537 = arith.index_cast %swap3A_536 : i32 to index
    %swap3A_538 = arith.constant 0 : index
    %swap3A_539 = tpu.vector_load %arg9[%swap3A_537, %swap3A_538] {strides = array<i32>} : memref<32x32xi32, #tpu.memory_space<vmem>>, vector<1x16xi32>,
    %swap3A_540 = vector.shape_cast %swap3A_539 : vector<1x16xi32> to vector<16xi32>
    %swap3A_541 = vector.shape_cast %add3A_535 : vector<16xi32> to vector<1x16xi32>
    tpu.vector_store %arg9[%swap3A_537, %swap3A_538], %swap3A_541 {strides = array<i32>} : memref<32x32xi32, #tpu.memory_space<vmem>>, vector<1x16xi32>,
    %get3A_542 = arith.constant 432 : index
    %get3A_543 = tpu.vector_load %arg7[%get3A_542] {strides = array<i32>} : memref<1024xf32, #tpu.memory_space<vmem>>, vector<16xf32>,
    %get3A_544 = vector.shape_cast %get3A_543 : vector<16xf32> to vector<16xf32>
    %add3A_545 = arith.constant 432 : i32
    %add3A_546 = arith.addi %mul3A_2, %add3A_545 : i32
    %add3A_547 = vector.broadcast %add3A_546 : i32 to vector<16xi32>
    %add3A_548 = arith.addi %add3A_547, %iota3A : vector<16xi32>
    %ge3A_549 = arith.cmpf oge, %get3A_544, %get3A_6 : vector<16xf32>
    %jit3A_550 = arith.constant 0 : i32
    %jit3A_551 = arith.constant 16384 : i32
    %broadcast_in_dim3A_552 = vector.broadcast %jit3A_550 : i32 to vector<16xi32>
    %broadcast_in_dim3A_553 = vector.broadcast %jit3A_551 : i32 to vector<16xi32>
    %select_n3A_554 = arith.select %ge3A_549, %broadcast_in_dim3A_552, %broadcast_in_dim3A_553 : vector<16xi1>, vector<16xi32>
    %add3A_555 = arith.addi %add3A_548, %select_n3A_554 : vector<16xi32>
    %swap3A_556 = arith.constant 13 : i32
    %swap3A_557 = arith.index_cast %swap3A_556 : i32 to index
    %swap3A_558 = arith.constant 16 : index
    %swap3A_559 = tpu.vector_load %arg9[%swap3A_557, %swap3A_558] {strides = array<i32>} : memref<32x32xi32, #tpu.memory_space<vmem>>, vector<1x16xi32>,
    %swap3A_560 = vector.shape_cast %swap3A_559 : vector<1x16xi32> to vector<16xi32>
    %swap3A_561 = vector.shape_cast %add3A_555 : vector<16xi32> to vector<1x16xi32>
    tpu.vector_store %arg9[%swap3A_557, %swap3A_558], %swap3A_561 {strides = array<i32>} : memref<32x32xi32, #tpu.memory_space<vmem>>, vector<1x16xi32>,
    %get3A_562 = arith.constant 448 : index
    %get3A_563 = tpu.vector_load %arg7[%get3A_562] {strides = array<i32>} : memref<1024xf32, #tpu.memory_space<vmem>>, vector<16xf32>,
    %get3A_564 = vector.shape_cast %get3A_563 : vector<16xf32> to vector<16xf32>
    %add3A_565 = arith.constant 448 : i32
    %add3A_566 = arith.addi %mul3A_2, %add3A_565 : i32
    %add3A_567 = vector.broadcast %add3A_566 : i32 to vector<16xi32>
    %add3A_568 = arith.addi %add3A_567, %iota3A : vector<16xi32>
    %ge3A_569 = arith.cmpf oge, %get3A_564, %get3A_6 : vector<16xf32>
    %jit3A_570 = arith.constant 0 : i32
    %jit3A_571 = arith.constant 16384 : i32
    %broadcast_in_dim3A_572 = vector.broadcast %jit3A_570 : i32 to vector<16xi32>
    %broadcast_in_dim3A_573 = vector.broadcast %jit3A_571 : i32 to vector<16xi32>
    %select_n3A_574 = arith.select %ge3A_569, %broadcast_in_dim3A_572, %broadcast_in_dim3A_573 : vector<16xi1>, vector<16xi32>
    %add3A_575 = arith.addi %add3A_568, %select_n3A_574 : vector<16xi32>
    %swap3A_576 = arith.constant 14 : i32
    %swap3A_577 = arith.index_cast %swap3A_576 : i32 to index
    %swap3A_578 = arith.constant 0 : index
    %swap3A_579 = tpu.vector_load %arg9[%swap3A_577, %swap3A_578] {strides = array<i32>} : memref<32x32xi32, #tpu.memory_space<vmem>>, vector<1x16xi32>,
    %swap3A_580 = vector.shape_cast %swap3A_579 : vector<1x16xi32> to vector<16xi32>
    %swap3A_581 = vector.shape_cast %add3A_575 : vector<16xi32> to vector<1x16xi32>
    tpu.vector_store %arg9[%swap3A_577, %swap3A_578], %swap3A_581 {strides = array<i32>} : memref<32x32xi32, #tpu.memory_space<vmem>>, vector<1x16xi32>,
    %get3A_582 = arith.constant 464 : index
    %get3A_583 = tpu.vector_load %arg7[%get3A_582] {strides = array<i32>} : memref<1024xf32, #tpu.memory_space<vmem>>, vector<16xf32>,
    %get3A_584 = vector.shape_cast %get3A_583 : vector<16xf32> to vector<16xf32>
    %add3A_585 = arith.constant 464 : i32
    %add3A_586 = arith.addi %mul3A_2, %add3A_585 : i32
    %add3A_587 = vector.broadcast %add3A_586 : i32 to vector<16xi32>
    %add3A_588 = arith.addi %add3A_587, %iota3A : vector<16xi32>
    %ge3A_589 = arith.cmpf oge, %get3A_584, %get3A_6 : vector<16xf32>
    %jit3A_590 = arith.constant 0 : i32
    %jit3A_591 = arith.constant 16384 : i32
    %broadcast_in_dim3A_592 = vector.broadcast %jit3A_590 : i32 to vector<16xi32>
    %broadcast_in_dim3A_593 = vector.broadcast %jit3A_591 : i32 to vector<16xi32>
    %select_n3A_594 = arith.select %ge3A_589, %broadcast_in_dim3A_592, %broadcast_in_dim3A_593 : vector<16xi1>, vector<16xi32>
    %add3A_595 = arith.addi %add3A_588, %select_n3A_594 : vector<16xi32>
    %swap3A_596 = arith.constant 14 : i32
    %swap3A_597 = arith.index_cast %swap3A_596 : i32 to index
    %swap3A_598 = arith.constant 16 : index
    %swap3A_599 = tpu.vector_load %arg9[%swap3A_597, %swap3A_598] {strides = array<i32>} : memref<32x32xi32, #tpu.memory_space<vmem>>, vector<1x16xi32>,
    %swap3A_600 = vector.shape_cast %swap3A_599 : vector<1x16xi32> to vector<16xi32>
    %swap3A_601 = vector.shape_cast %add3A_595 : vector<16xi32> to vector<1x16xi32>
    tpu.vector_store %arg9[%swap3A_597, %swap3A_598], %swap3A_601 {strides = array<i32>} : memref<32x32xi32, #tpu.memory_space<vmem>>, vector<1x16xi32>,
    %get3A_602 = arith.constant 480 : index
    %get3A_603 = tpu.vector_load %arg7[%get3A_602] {strides = array<i32>} : memref<1024xf32, #tpu.memory_space<vmem>>, vector<16xf32>,
    %get3A_604 = vector.shape_cast %get3A_603 : vector<16xf32> to vector<16xf32>
    %add3A_605 = arith.constant 480 : i32
    %add3A_606 = arith.addi %mul3A_2, %add3A_605 : i32
    %add3A_607 = vector.broadcast %add3A_606 : i32 to vector<16xi32>
    %add3A_608 = arith.addi %add3A_607, %iota3A : vector<16xi32>
    %ge3A_609 = arith.cmpf oge, %get3A_604, %get3A_6 : vector<16xf32>
    %jit3A_610 = arith.constant 0 : i32
    %jit3A_611 = arith.constant 16384 : i32
    %broadcast_in_dim3A_612 = vector.broadcast %jit3A_610 : i32 to vector<16xi32>
    %broadcast_in_dim3A_613 = vector.broadcast %jit3A_611 : i32 to vector<16xi32>
    %select_n3A_614 = arith.select %ge3A_609, %broadcast_in_dim3A_612, %broadcast_in_dim3A_613 : vector<16xi1>, vector<16xi32>
    %add3A_615 = arith.addi %add3A_608, %select_n3A_614 : vector<16xi32>
    %swap3A_616 = arith.constant 15 : i32
    %swap3A_617 = arith.index_cast %swap3A_616 : i32 to index
    %swap3A_618 = arith.constant 0 : index
    %swap3A_619 = tpu.vector_load %arg9[%swap3A_617, %swap3A_618] {strides = array<i32>} : memref<32x32xi32, #tpu.memory_space<vmem>>, vector<1x16xi32>,
    %swap3A_620 = vector.shape_cast %swap3A_619 : vector<1x16xi32> to vector<16xi32>
    %swap3A_621 = vector.shape_cast %add3A_615 : vector<16xi32> to vector<1x16xi32>
    tpu.vector_store %arg9[%swap3A_617, %swap3A_618], %swap3A_621 {strides = array<i32>} : memref<32x32xi32, #tpu.memory_space<vmem>>, vector<1x16xi32>,
    %get3A_622 = arith.constant 496 : index
    %get3A_623 = tpu.vector_load %arg7[%get3A_622] {strides = array<i32>} : memref<1024xf32, #tpu.memory_space<vmem>>, vector<16xf32>,
    %get3A_624 = vector.shape_cast %get3A_623 : vector<16xf32> to vector<16xf32>
    %add3A_625 = arith.constant 496 : i32
    %add3A_626 = arith.addi %mul3A_2, %add3A_625 : i32
    %add3A_627 = vector.broadcast %add3A_626 : i32 to vector<16xi32>
    %add3A_628 = arith.addi %add3A_627, %iota3A : vector<16xi32>
    %ge3A_629 = arith.cmpf oge, %get3A_624, %get3A_6 : vector<16xf32>
    %jit3A_630 = arith.constant 0 : i32
    %jit3A_631 = arith.constant 16384 : i32
    %broadcast_in_dim3A_632 = vector.broadcast %jit3A_630 : i32 to vector<16xi32>
    %broadcast_in_dim3A_633 = vector.broadcast %jit3A_631 : i32 to vector<16xi32>
    %select_n3A_634 = arith.select %ge3A_629, %broadcast_in_dim3A_632, %broadcast_in_dim3A_633 : vector<16xi1>, vector<16xi32>
    %add3A_635 = arith.addi %add3A_628, %select_n3A_634 : vector<16xi32>
    %swap3A_636 = arith.constant 15 : i32
    %swap3A_637 = arith.index_cast %swap3A_636 : i32 to index
    %swap3A_638 = arith.constant 16 : index
    %swap3A_639 = tpu.vector_load %arg9[%swap3A_637, %swap3A_638] {strides = array<i32>} : memref<32x32xi32, #tpu.memory_space<vmem>>, vector<1x16xi32>,
    %swap3A_640 = vector.shape_cast %swap3A_639 : vector<1x16xi32> to vector<16xi32>
    %swap3A_641 = vector.shape_cast %add3A_635 : vector<16xi32> to vector<1x16xi32>
    tpu.vector_store %arg9[%swap3A_637, %swap3A_638], %swap3A_641 {strides = array<i32>} : memref<32x32xi32, #tpu.memory_space<vmem>>, vector<1x16xi32>,
    %get3A_642 = arith.constant 512 : index
    %get3A_643 = tpu.vector_load %arg7[%get3A_642] {strides = array<i32>} : memref<1024xf32, #tpu.memory_space<vmem>>, vector<16xf32>,
    %get3A_644 = vector.shape_cast %get3A_643 : vector<16xf32> to vector<16xf32>
    %add3A_645 = arith.constant 0 : i32
    %add3A_646 = arith.addi %mul3A_2, %add3A_645 : i32
    %add3A_647 = vector.broadcast %add3A_646 : i32 to vector<16xi32>
    %add3A_648 = arith.addi %add3A_647, %iota3A : vector<16xi32>
    %ge3A_649 = arith.cmpf oge, %get3A_644, %get3A_6 : vector<16xf32>
    %jit3A_650 = arith.constant 16384 : i32
    %jit3A_651 = arith.constant 0 : i32
    %broadcast_in_dim3A_652 = vector.broadcast %jit3A_650 : i32 to vector<16xi32>
    %broadcast_in_dim3A_653 = vector.broadcast %jit3A_651 : i32 to vector<16xi32>
    %select_n3A_654 = arith.select %ge3A_649, %broadcast_in_dim3A_652, %broadcast_in_dim3A_653 : vector<16xi1>, vector<16xi32>
    %add3A_655 = arith.addi %add3A_648, %select_n3A_654 : vector<16xi32>
    %swap3A_656 = arith.constant 16 : i32
    %swap3A_657 = arith.index_cast %swap3A_656 : i32 to index
    %swap3A_658 = arith.constant 0 : index
    %swap3A_659 = tpu.vector_load %arg9[%swap3A_657, %swap3A_658] {strides = array<i32>} : memref<32x32xi32, #tpu.memory_space<vmem>>, vector<1x16xi32>,
    %swap3A_660 = vector.shape_cast %swap3A_659 : vector<1x16xi32> to vector<16xi32>
    %swap3A_661 = vector.shape_cast %add3A_655 : vector<16xi32> to vector<1x16xi32>
    tpu.vector_store %arg9[%swap3A_657, %swap3A_658], %swap3A_661 {strides = array<i32>} : memref<32x32xi32, #tpu.memory_space<vmem>>, vector<1x16xi32>,
    %get3A_662 = arith.constant 528 : index
    %get3A_663 = tpu.vector_load %arg7[%get3A_662] {strides = array<i32>} : memref<1024xf32, #tpu.memory_space<vmem>>, vector<16xf32>,
    %get3A_664 = vector.shape_cast %get3A_663 : vector<16xf32> to vector<16xf32>
    %add3A_665 = arith.constant 16 : i32
    %add3A_666 = arith.addi %mul3A_2, %add3A_665 : i32
    %add3A_667 = vector.broadcast %add3A_666 : i32 to vector<16xi32>
    %add3A_668 = arith.addi %add3A_667, %iota3A : vector<16xi32>
    %ge3A_669 = arith.cmpf oge, %get3A_664, %get3A_6 : vector<16xf32>
    %jit3A_670 = arith.constant 16384 : i32
    %jit3A_671 = arith.constant 0 : i32
    %broadcast_in_dim3A_672 = vector.broadcast %jit3A_670 : i32 to vector<16xi32>
    %broadcast_in_dim3A_673 = vector.broadcast %jit3A_671 : i32 to vector<16xi32>
    %select_n3A_674 = arith.select %ge3A_669, %broadcast_in_dim3A_672, %broadcast_in_dim3A_673 : vector<16xi1>, vector<16xi32>
    %add3A_675 = arith.addi %add3A_668, %select_n3A_674 : vector<16xi32>
    %swap3A_676 = arith.constant 16 : i32
    %swap3A_677 = arith.index_cast %swap3A_676 : i32 to index
    %swap3A_678 = arith.constant 16 : index
    %swap3A_679 = tpu.vector_load %arg9[%swap3A_677, %swap3A_678] {strides = array<i32>} : memref<32x32xi32, #tpu.memory_space<vmem>>, vector<1x16xi32>,
    %swap3A_680 = vector.shape_cast %swap3A_679 : vector<1x16xi32> to vector<16xi32>
    %swap3A_681 = vector.shape_cast %add3A_675 : vector<16xi32> to vector<1x16xi32>
    tpu.vector_store %arg9[%swap3A_677, %swap3A_678], %swap3A_681 {strides = array<i32>} : memref<32x32xi32, #tpu.memory_space<vmem>>, vector<1x16xi32>,
    %get3A_682 = arith.constant 544 : index
    %get3A_683 = tpu.vector_load %arg7[%get3A_682] {strides = array<i32>} : memref<1024xf32, #tpu.memory_space<vmem>>, vector<16xf32>,
    %get3A_684 = vector.shape_cast %get3A_683 : vector<16xf32> to vector<16xf32>
    %add3A_685 = arith.constant 32 : i32
    %add3A_686 = arith.addi %mul3A_2, %add3A_685 : i32
    %add3A_687 = vector.broadcast %add3A_686 : i32 to vector<16xi32>
    %add3A_688 = arith.addi %add3A_687, %iota3A : vector<16xi32>
    %ge3A_689 = arith.cmpf oge, %get3A_684, %get3A_6 : vector<16xf32>
    %jit3A_690 = arith.constant 16384 : i32
    %jit3A_691 = arith.constant 0 : i32
    %broadcast_in_dim3A_692 = vector.broadcast %jit3A_690 : i32 to vector<16xi32>
    %broadcast_in_dim3A_693 = vector.broadcast %jit3A_691 : i32 to vector<16xi32>
    %select_n3A_694 = arith.select %ge3A_689, %broadcast_in_dim3A_692, %broadcast_in_dim3A_693 : vector<16xi1>, vector<16xi32>
    %add3A_695 = arith.addi %add3A_688, %select_n3A_694 : vector<16xi32>
    %swap3A_696 = arith.constant 17 : i32
    %swap3A_697 = arith.index_cast %swap3A_696 : i32 to index
    %swap3A_698 = arith.constant 0 : index
    %swap3A_699 = tpu.vector_load %arg9[%swap3A_697, %swap3A_698] {strides = array<i32>} : memref<32x32xi32, #tpu.memory_space<vmem>>, vector<1x16xi32>,
    %swap3A_700 = vector.shape_cast %swap3A_699 : vector<1x16xi32> to vector<16xi32>
    %swap3A_701 = vector.shape_cast %add3A_695 : vector<16xi32> to vector<1x16xi32>
    tpu.vector_store %arg9[%swap3A_697, %swap3A_698], %swap3A_701 {strides = array<i32>} : memref<32x32xi32, #tpu.memory_space<vmem>>, vector<1x16xi32>,
    %get3A_702 = arith.constant 560 : index
    %get3A_703 = tpu.vector_load %arg7[%get3A_702] {strides = array<i32>} : memref<1024xf32, #tpu.memory_space<vmem>>, vector<16xf32>,
    %get3A_704 = vector.shape_cast %get3A_703 : vector<16xf32> to vector<16xf32>
    %add3A_705 = arith.constant 48 : i32
    %add3A_706 = arith.addi %mul3A_2, %add3A_705 : i32
    %add3A_707 = vector.broadcast %add3A_706 : i32 to vector<16xi32>
    %add3A_708 = arith.addi %add3A_707, %iota3A : vector<16xi32>
    %ge3A_709 = arith.cmpf oge, %get3A_704, %get3A_6 : vector<16xf32>
    %jit3A_710 = arith.constant 16384 : i32
    %jit3A_711 = arith.constant 0 : i32
    %broadcast_in_dim3A_712 = vector.broadcast %jit3A_710 : i32 to vector<16xi32>
    %broadcast_in_dim3A_713 = vector.broadcast %jit3A_711 : i32 to vector<16xi32>
    %select_n3A_714 = arith.select %ge3A_709, %broadcast_in_dim3A_712, %broadcast_in_dim3A_713 : vector<16xi1>, vector<16xi32>
    %add3A_715 = arith.addi %add3A_708, %select_n3A_714 : vector<16xi32>
    %swap3A_716 = arith.constant 17 : i32
    %swap3A_717 = arith.index_cast %swap3A_716 : i32 to index
    %swap3A_718 = arith.constant 16 : index
    %swap3A_719 = tpu.vector_load %arg9[%swap3A_717, %swap3A_718] {strides = array<i32>} : memref<32x32xi32, #tpu.memory_space<vmem>>, vector<1x16xi32>,
    %swap3A_720 = vector.shape_cast %swap3A_719 : vector<1x16xi32> to vector<16xi32>
    %swap3A_721 = vector.shape_cast %add3A_715 : vector<16xi32> to vector<1x16xi32>
    tpu.vector_store %arg9[%swap3A_717, %swap3A_718], %swap3A_721 {strides = array<i32>} : memref<32x32xi32, #tpu.memory_space<vmem>>, vector<1x16xi32>,
    %get3A_722 = arith.constant 576 : index
    %get3A_723 = tpu.vector_load %arg7[%get3A_722] {strides = array<i32>} : memref<1024xf32, #tpu.memory_space<vmem>>, vector<16xf32>,
    %get3A_724 = vector.shape_cast %get3A_723 : vector<16xf32> to vector<16xf32>
    %add3A_725 = arith.constant 64 : i32
    %add3A_726 = arith.addi %mul3A_2, %add3A_725 : i32
    %add3A_727 = vector.broadcast %add3A_726 : i32 to vector<16xi32>
    %add3A_728 = arith.addi %add3A_727, %iota3A : vector<16xi32>
    %ge3A_729 = arith.cmpf oge, %get3A_724, %get3A_6 : vector<16xf32>
    %jit3A_730 = arith.constant 16384 : i32
    %jit3A_731 = arith.constant 0 : i32
    %broadcast_in_dim3A_732 = vector.broadcast %jit3A_730 : i32 to vector<16xi32>
    %broadcast_in_dim3A_733 = vector.broadcast %jit3A_731 : i32 to vector<16xi32>
    %select_n3A_734 = arith.select %ge3A_729, %broadcast_in_dim3A_732, %broadcast_in_dim3A_733 : vector<16xi1>, vector<16xi32>
    %add3A_735 = arith.addi %add3A_728, %select_n3A_734 : vector<16xi32>
    %swap3A_736 = arith.constant 18 : i32
    %swap3A_737 = arith.index_cast %swap3A_736 : i32 to index
    %swap3A_738 = arith.constant 0 : index
    %swap3A_739 = tpu.vector_load %arg9[%swap3A_737, %swap3A_738] {strides = array<i32>} : memref<32x32xi32, #tpu.memory_space<vmem>>, vector<1x16xi32>,
    %swap3A_740 = vector.shape_cast %swap3A_739 : vector<1x16xi32> to vector<16xi32>
    %swap3A_741 = vector.shape_cast %add3A_735 : vector<16xi32> to vector<1x16xi32>
    tpu.vector_store %arg9[%swap3A_737, %swap3A_738], %swap3A_741 {strides = array<i32>} : memref<32x32xi32, #tpu.memory_space<vmem>>, vector<1x16xi32>,
    %get3A_742 = arith.constant 592 : index
    %get3A_743 = tpu.vector_load %arg7[%get3A_742] {strides = array<i32>} : memref<1024xf32, #tpu.memory_space<vmem>>, vector<16xf32>,
    %get3A_744 = vector.shape_cast %get3A_743 : vector<16xf32> to vector<16xf32>
    %add3A_745 = arith.constant 80 : i32
    %add3A_746 = arith.addi %mul3A_2, %add3A_745 : i32
    %add3A_747 = vector.broadcast %add3A_746 : i32 to vector<16xi32>
    %add3A_748 = arith.addi %add3A_747, %iota3A : vector<16xi32>
    %ge3A_749 = arith.cmpf oge, %get3A_744, %get3A_6 : vector<16xf32>
    %jit3A_750 = arith.constant 16384 : i32
    %jit3A_751 = arith.constant 0 : i32
    %broadcast_in_dim3A_752 = vector.broadcast %jit3A_750 : i32 to vector<16xi32>
    %broadcast_in_dim3A_753 = vector.broadcast %jit3A_751 : i32 to vector<16xi32>
    %select_n3A_754 = arith.select %ge3A_749, %broadcast_in_dim3A_752, %broadcast_in_dim3A_753 : vector<16xi1>, vector<16xi32>
    %add3A_755 = arith.addi %add3A_748, %select_n3A_754 : vector<16xi32>
    %swap3A_756 = arith.constant 18 : i32
    %swap3A_757 = arith.index_cast %swap3A_756 : i32 to index
    %swap3A_758 = arith.constant 16 : index
    %swap3A_759 = tpu.vector_load %arg9[%swap3A_757, %swap3A_758] {strides = array<i32>} : memref<32x32xi32, #tpu.memory_space<vmem>>, vector<1x16xi32>,
    %swap3A_760 = vector.shape_cast %swap3A_759 : vector<1x16xi32> to vector<16xi32>
    %swap3A_761 = vector.shape_cast %add3A_755 : vector<16xi32> to vector<1x16xi32>
    tpu.vector_store %arg9[%swap3A_757, %swap3A_758], %swap3A_761 {strides = array<i32>} : memref<32x32xi32, #tpu.memory_space<vmem>>, vector<1x16xi32>,
    %get3A_762 = arith.constant 608 : index
    %get3A_763 = tpu.vector_load %arg7[%get3A_762] {strides = array<i32>} : memref<1024xf32, #tpu.memory_space<vmem>>, vector<16xf32>,
    %get3A_764 = vector.shape_cast %get3A_763 : vector<16xf32> to vector<16xf32>
    %add3A_765 = arith.constant 96 : i32
    %add3A_766 = arith.addi %mul3A_2, %add3A_765 : i32
    %add3A_767 = vector.broadcast %add3A_766 : i32 to vector<16xi32>
    %add3A_768 = arith.addi %add3A_767, %iota3A : vector<16xi32>
    %ge3A_769 = arith.cmpf oge, %get3A_764, %get3A_6 : vector<16xf32>
    %jit3A_770 = arith.constant 16384 : i32
    %jit3A_771 = arith.constant 0 : i32
    %broadcast_in_dim3A_772 = vector.broadcast %jit3A_770 : i32 to vector<16xi32>
    %broadcast_in_dim3A_773 = vector.broadcast %jit3A_771 : i32 to vector<16xi32>
    %select_n3A_774 = arith.select %ge3A_769, %broadcast_in_dim3A_772, %broadcast_in_dim3A_773 : vector<16xi1>, vector<16xi32>
    %add3A_775 = arith.addi %add3A_768, %select_n3A_774 : vector<16xi32>
    %swap3A_776 = arith.constant 19 : i32
    %swap3A_777 = arith.index_cast %swap3A_776 : i32 to index
    %swap3A_778 = arith.constant 0 : index
    %swap3A_779 = tpu.vector_load %arg9[%swap3A_777, %swap3A_778] {strides = array<i32>} : memref<32x32xi32, #tpu.memory_space<vmem>>, vector<1x16xi32>,
    %swap3A_780 = vector.shape_cast %swap3A_779 : vector<1x16xi32> to vector<16xi32>
    %swap3A_781 = vector.shape_cast %add3A_775 : vector<16xi32> to vector<1x16xi32>
    tpu.vector_store %arg9[%swap3A_777, %swap3A_778], %swap3A_781 {strides = array<i32>} : memref<32x32xi32, #tpu.memory_space<vmem>>, vector<1x16xi32>,
    %get3A_782 = arith.constant 624 : index
    %get3A_783 = tpu.vector_load %arg7[%get3A_782] {strides = array<i32>} : memref<1024xf32, #tpu.memory_space<vmem>>, vector<16xf32>,
    %get3A_784 = vector.shape_cast %get3A_783 : vector<16xf32> to vector<16xf32>
    %add3A_785 = arith.constant 112 : i32
    %add3A_786 = arith.addi %mul3A_2, %add3A_785 : i32
    %add3A_787 = vector.broadcast %add3A_786 : i32 to vector<16xi32>
    %add3A_788 = arith.addi %add3A_787, %iota3A : vector<16xi32>
    %ge3A_789 = arith.cmpf oge, %get3A_784, %get3A_6 : vector<16xf32>
    %jit3A_790 = arith.constant 16384 : i32
    %jit3A_791 = arith.constant 0 : i32
    %broadcast_in_dim3A_792 = vector.broadcast %jit3A_790 : i32 to vector<16xi32>
    %broadcast_in_dim3A_793 = vector.broadcast %jit3A_791 : i32 to vector<16xi32>
    %select_n3A_794 = arith.select %ge3A_789, %broadcast_in_dim3A_792, %broadcast_in_dim3A_793 : vector<16xi1>, vector<16xi32>
    %add3A_795 = arith.addi %add3A_788, %select_n3A_794 : vector<16xi32>
    %swap3A_796 = arith.constant 19 : i32
    %swap3A_797 = arith.index_cast %swap3A_796 : i32 to index
    %swap3A_798 = arith.constant 16 : index
    %swap3A_799 = tpu.vector_load %arg9[%swap3A_797, %swap3A_798] {strides = array<i32>} : memref<32x32xi32, #tpu.memory_space<vmem>>, vector<1x16xi32>,
    %swap3A_800 = vector.shape_cast %swap3A_799 : vector<1x16xi32> to vector<16xi32>
    %swap3A_801 = vector.shape_cast %add3A_795 : vector<16xi32> to vector<1x16xi32>
    tpu.vector_store %arg9[%swap3A_797, %swap3A_798], %swap3A_801 {strides = array<i32>} : memref<32x32xi32, #tpu.memory_space<vmem>>, vector<1x16xi32>,
    %get3A_802 = arith.constant 640 : index
    %get3A_803 = tpu.vector_load %arg7[%get3A_802] {strides = array<i32>} : memref<1024xf32, #tpu.memory_space<vmem>>, vector<16xf32>,
    %get3A_804 = vector.shape_cast %get3A_803 : vector<16xf32> to vector<16xf32>
    %add3A_805 = arith.constant 128 : i32
    %add3A_806 = arith.addi %mul3A_2, %add3A_805 : i32
    %add3A_807 = vector.broadcast %add3A_806 : i32 to vector<16xi32>
    %add3A_808 = arith.addi %add3A_807, %iota3A : vector<16xi32>
    %ge3A_809 = arith.cmpf oge, %get3A_804, %get3A_6 : vector<16xf32>
    %jit3A_810 = arith.constant 16384 : i32
    %jit3A_811 = arith.constant 0 : i32
    %broadcast_in_dim3A_812 = vector.broadcast %jit3A_810 : i32 to vector<16xi32>
    %broadcast_in_dim3A_813 = vector.broadcast %jit3A_811 : i32 to vector<16xi32>
    %select_n3A_814 = arith.select %ge3A_809, %broadcast_in_dim3A_812, %broadcast_in_dim3A_813 : vector<16xi1>, vector<16xi32>
    %add3A_815 = arith.addi %add3A_808, %select_n3A_814 : vector<16xi32>
    %swap3A_816 = arith.constant 20 : i32
    %swap3A_817 = arith.index_cast %swap3A_816 : i32 to index
    %swap3A_818 = arith.constant 0 : index
    %swap3A_819 = tpu.vector_load %arg9[%swap3A_817, %swap3A_818] {strides = array<i32>} : memref<32x32xi32, #tpu.memory_space<vmem>>, vector<1x16xi32>,
    %swap3A_820 = vector.shape_cast %swap3A_819 : vector<1x16xi32> to vector<16xi32>
    %swap3A_821 = vector.shape_cast %add3A_815 : vector<16xi32> to vector<1x16xi32>
    tpu.vector_store %arg9[%swap3A_817, %swap3A_818], %swap3A_821 {strides = array<i32>} : memref<32x32xi32, #tpu.memory_space<vmem>>, vector<1x16xi32>,
    %get3A_822 = arith.constant 656 : index
    %get3A_823 = tpu.vector_load %arg7[%get3A_822] {strides = array<i32>} : memref<1024xf32, #tpu.memory_space<vmem>>, vector<16xf32>,
    %get3A_824 = vector.shape_cast %get3A_823 : vector<16xf32> to vector<16xf32>
    %add3A_825 = arith.constant 144 : i32
    %add3A_826 = arith.addi %mul3A_2, %add3A_825 : i32
    %add3A_827 = vector.broadcast %add3A_826 : i32 to vector<16xi32>
    %add3A_828 = arith.addi %add3A_827, %iota3A : vector<16xi32>
    %ge3A_829 = arith.cmpf oge, %get3A_824, %get3A_6 : vector<16xf32>
    %jit3A_830 = arith.constant 16384 : i32
    %jit3A_831 = arith.constant 0 : i32
    %broadcast_in_dim3A_832 = vector.broadcast %jit3A_830 : i32 to vector<16xi32>
    %broadcast_in_dim3A_833 = vector.broadcast %jit3A_831 : i32 to vector<16xi32>
    %select_n3A_834 = arith.select %ge3A_829, %broadcast_in_dim3A_832, %broadcast_in_dim3A_833 : vector<16xi1>, vector<16xi32>
    %add3A_835 = arith.addi %add3A_828, %select_n3A_834 : vector<16xi32>
    %swap3A_836 = arith.constant 20 : i32
    %swap3A_837 = arith.index_cast %swap3A_836 : i32 to index
    %swap3A_838 = arith.constant 16 : index
    %swap3A_839 = tpu.vector_load %arg9[%swap3A_837, %swap3A_838] {strides = array<i32>} : memref<32x32xi32, #tpu.memory_space<vmem>>, vector<1x16xi32>,
    %swap3A_840 = vector.shape_cast %swap3A_839 : vector<1x16xi32> to vector<16xi32>
    %swap3A_841 = vector.shape_cast %add3A_835 : vector<16xi32> to vector<1x16xi32>
    tpu.vector_store %arg9[%swap3A_837, %swap3A_838], %swap3A_841 {strides = array<i32>} : memref<32x32xi32, #tpu.memory_space<vmem>>, vector<1x16xi32>,
    %get3A_842 = arith.constant 672 : index
    %get3A_843 = tpu.vector_load %arg7[%get3A_842] {strides = array<i32>} : memref<1024xf32, #tpu.memory_space<vmem>>, vector<16xf32>,
    %get3A_844 = vector.shape_cast %get3A_843 : vector<16xf32> to vector<16xf32>
    %add3A_845 = arith.constant 160 : i32
    %add3A_846 = arith.addi %mul3A_2, %add3A_845 : i32
    %add3A_847 = vector.broadcast %add3A_846 : i32 to vector<16xi32>
    %add3A_848 = arith.addi %add3A_847, %iota3A : vector<16xi32>
    %ge3A_849 = arith.cmpf oge, %get3A_844, %get3A_6 : vector<16xf32>
    %jit3A_850 = arith.constant 16384 : i32
    %jit3A_851 = arith.constant 0 : i32
    %broadcast_in_dim3A_852 = vector.broadcast %jit3A_850 : i32 to vector<16xi32>
    %broadcast_in_dim3A_853 = vector.broadcast %jit3A_851 : i32 to vector<16xi32>
    %select_n3A_854 = arith.select %ge3A_849, %broadcast_in_dim3A_852, %broadcast_in_dim3A_853 : vector<16xi1>, vector<16xi32>
    %add3A_855 = arith.addi %add3A_848, %select_n3A_854 : vector<16xi32>
    %swap3A_856 = arith.constant 21 : i32
    %swap3A_857 = arith.index_cast %swap3A_856 : i32 to index
    %swap3A_858 = arith.constant 0 : index
    %swap3A_859 = tpu.vector_load %arg9[%swap3A_857, %swap3A_858] {strides = array<i32>} : memref<32x32xi32, #tpu.memory_space<vmem>>, vector<1x16xi32>,
    %swap3A_860 = vector.shape_cast %swap3A_859 : vector<1x16xi32> to vector<16xi32>
    %swap3A_861 = vector.shape_cast %add3A_855 : vector<16xi32> to vector<1x16xi32>
    tpu.vector_store %arg9[%swap3A_857, %swap3A_858], %swap3A_861 {strides = array<i32>} : memref<32x32xi32, #tpu.memory_space<vmem>>, vector<1x16xi32>,
    %get3A_862 = arith.constant 688 : index
    %get3A_863 = tpu.vector_load %arg7[%get3A_862] {strides = array<i32>} : memref<1024xf32, #tpu.memory_space<vmem>>, vector<16xf32>,
    %get3A_864 = vector.shape_cast %get3A_863 : vector<16xf32> to vector<16xf32>
    %add3A_865 = arith.constant 176 : i32
    %add3A_866 = arith.addi %mul3A_2, %add3A_865 : i32
    %add3A_867 = vector.broadcast %add3A_866 : i32 to vector<16xi32>
    %add3A_868 = arith.addi %add3A_867, %iota3A : vector<16xi32>
    %ge3A_869 = arith.cmpf oge, %get3A_864, %get3A_6 : vector<16xf32>
    %jit3A_870 = arith.constant 16384 : i32
    %jit3A_871 = arith.constant 0 : i32
    %broadcast_in_dim3A_872 = vector.broadcast %jit3A_870 : i32 to vector<16xi32>
    %broadcast_in_dim3A_873 = vector.broadcast %jit3A_871 : i32 to vector<16xi32>
    %select_n3A_874 = arith.select %ge3A_869, %broadcast_in_dim3A_872, %broadcast_in_dim3A_873 : vector<16xi1>, vector<16xi32>
    %add3A_875 = arith.addi %add3A_868, %select_n3A_874 : vector<16xi32>
    %swap3A_876 = arith.constant 21 : i32
    %swap3A_877 = arith.index_cast %swap3A_876 : i32 to index
    %swap3A_878 = arith.constant 16 : index
    %swap3A_879 = tpu.vector_load %arg9[%swap3A_877, %swap3A_878] {strides = array<i32>} : memref<32x32xi32, #tpu.memory_space<vmem>>, vector<1x16xi32>,
    %swap3A_880 = vector.shape_cast %swap3A_879 : vector<1x16xi32> to vector<16xi32>
    %swap3A_881 = vector.shape_cast %add3A_875 : vector<16xi32> to vector<1x16xi32>
    tpu.vector_store %arg9[%swap3A_877, %swap3A_878], %swap3A_881 {strides = array<i32>} : memref<32x32xi32, #tpu.memory_space<vmem>>, vector<1x16xi32>,
    %get3A_882 = arith.constant 704 : index
    %get3A_883 = tpu.vector_load %arg7[%get3A_882] {strides = array<i32>} : memref<1024xf32, #tpu.memory_space<vmem>>, vector<16xf32>,
    %get3A_884 = vector.shape_cast %get3A_883 : vector<16xf32> to vector<16xf32>
    %add3A_885 = arith.constant 192 : i32
    %add3A_886 = arith.addi %mul3A_2, %add3A_885 : i32
    %add3A_887 = vector.broadcast %add3A_886 : i32 to vector<16xi32>
    %add3A_888 = arith.addi %add3A_887, %iota3A : vector<16xi32>
    %ge3A_889 = arith.cmpf oge, %get3A_884, %get3A_6 : vector<16xf32>
    %jit3A_890 = arith.constant 16384 : i32
    %jit3A_891 = arith.constant 0 : i32
    %broadcast_in_dim3A_892 = vector.broadcast %jit3A_890 : i32 to vector<16xi32>
    %broadcast_in_dim3A_893 = vector.broadcast %jit3A_891 : i32 to vector<16xi32>
    %select_n3A_894 = arith.select %ge3A_889, %broadcast_in_dim3A_892, %broadcast_in_dim3A_893 : vector<16xi1>, vector<16xi32>
    %add3A_895 = arith.addi %add3A_888, %select_n3A_894 : vector<16xi32>
    %swap3A_896 = arith.constant 22 : i32
    %swap3A_897 = arith.index_cast %swap3A_896 : i32 to index
    %swap3A_898 = arith.constant 0 : index
    %swap3A_899 = tpu.vector_load %arg9[%swap3A_897, %swap3A_898] {strides = array<i32>} : memref<32x32xi32, #tpu.memory_space<vmem>>, vector<1x16xi32>,
    %swap3A_900 = vector.shape_cast %swap3A_899 : vector<1x16xi32> to vector<16xi32>
    %swap3A_901 = vector.shape_cast %add3A_895 : vector<16xi32> to vector<1x16xi32>
    tpu.vector_store %arg9[%swap3A_897, %swap3A_898], %swap3A_901 {strides = array<i32>} : memref<32x32xi32, #tpu.memory_space<vmem>>, vector<1x16xi32>,
    %get3A_902 = arith.constant 720 : index
    %get3A_903 = tpu.vector_load %arg7[%get3A_902] {strides = array<i32>} : memref<1024xf32, #tpu.memory_space<vmem>>, vector<16xf32>,
    %get3A_904 = vector.shape_cast %get3A_903 : vector<16xf32> to vector<16xf32>
    %add3A_905 = arith.constant 208 : i32
    %add3A_906 = arith.addi %mul3A_2, %add3A_905 : i32
    %add3A_907 = vector.broadcast %add3A_906 : i32 to vector<16xi32>
    %add3A_908 = arith.addi %add3A_907, %iota3A : vector<16xi32>
    %ge3A_909 = arith.cmpf oge, %get3A_904, %get3A_6 : vector<16xf32>
    %jit3A_910 = arith.constant 16384 : i32
    %jit3A_911 = arith.constant 0 : i32
    %broadcast_in_dim3A_912 = vector.broadcast %jit3A_910 : i32 to vector<16xi32>
    %broadcast_in_dim3A_913 = vector.broadcast %jit3A_911 : i32 to vector<16xi32>
    %select_n3A_914 = arith.select %ge3A_909, %broadcast_in_dim3A_912, %broadcast_in_dim3A_913 : vector<16xi1>, vector<16xi32>
    %add3A_915 = arith.addi %add3A_908, %select_n3A_914 : vector<16xi32>
    %swap3A_916 = arith.constant 22 : i32
    %swap3A_917 = arith.index_cast %swap3A_916 : i32 to index
    %swap3A_918 = arith.constant 16 : index
    %swap3A_919 = tpu.vector_load %arg9[%swap3A_917, %swap3A_918] {strides = array<i32>} : memref<32x32xi32, #tpu.memory_space<vmem>>, vector<1x16xi32>,
    %swap3A_920 = vector.shape_cast %swap3A_919 : vector<1x16xi32> to vector<16xi32>
    %swap3A_921 = vector.shape_cast %add3A_915 : vector<16xi32> to vector<1x16xi32>
    tpu.vector_store %arg9[%swap3A_917, %swap3A_918], %swap3A_921 {strides = array<i32>} : memref<32x32xi32, #tpu.memory_space<vmem>>, vector<1x16xi32>,
    %get3A_922 = arith.constant 736 : index
    %get3A_923 = tpu.vector_load %arg7[%get3A_922] {strides = array<i32>} : memref<1024xf32, #tpu.memory_space<vmem>>, vector<16xf32>,
    %get3A_924 = vector.shape_cast %get3A_923 : vector<16xf32> to vector<16xf32>
    %add3A_925 = arith.constant 224 : i32
    %add3A_926 = arith.addi %mul3A_2, %add3A_925 : i32
    %add3A_927 = vector.broadcast %add3A_926 : i32 to vector<16xi32>
    %add3A_928 = arith.addi %add3A_927, %iota3A : vector<16xi32>
    %ge3A_929 = arith.cmpf oge, %get3A_924, %get3A_6 : vector<16xf32>
    %jit3A_930 = arith.constant 16384 : i32
    %jit3A_931 = arith.constant 0 : i32
    %broadcast_in_dim3A_932 = vector.broadcast %jit3A_930 : i32 to vector<16xi32>
    %broadcast_in_dim3A_933 = vector.broadcast %jit3A_931 : i32 to vector<16xi32>
    %select_n3A_934 = arith.select %ge3A_929, %broadcast_in_dim3A_932, %broadcast_in_dim3A_933 : vector<16xi1>, vector<16xi32>
    %add3A_935 = arith.addi %add3A_928, %select_n3A_934 : vector<16xi32>
    %swap3A_936 = arith.constant 23 : i32
    %swap3A_937 = arith.index_cast %swap3A_936 : i32 to index
    %swap3A_938 = arith.constant 0 : index
    %swap3A_939 = tpu.vector_load %arg9[%swap3A_937, %swap3A_938] {strides = array<i32>} : memref<32x32xi32, #tpu.memory_space<vmem>>, vector<1x16xi32>,
    %swap3A_940 = vector.shape_cast %swap3A_939 : vector<1x16xi32> to vector<16xi32>
    %swap3A_941 = vector.shape_cast %add3A_935 : vector<16xi32> to vector<1x16xi32>
    tpu.vector_store %arg9[%swap3A_937, %swap3A_938], %swap3A_941 {strides = array<i32>} : memref<32x32xi32, #tpu.memory_space<vmem>>, vector<1x16xi32>,
    %get3A_942 = arith.constant 752 : index
    %get3A_943 = tpu.vector_load %arg7[%get3A_942] {strides = array<i32>} : memref<1024xf32, #tpu.memory_space<vmem>>, vector<16xf32>,
    %get3A_944 = vector.shape_cast %get3A_943 : vector<16xf32> to vector<16xf32>
    %add3A_945 = arith.constant 240 : i32
    %add3A_946 = arith.addi %mul3A_2, %add3A_945 : i32
    %add3A_947 = vector.broadcast %add3A_946 : i32 to vector<16xi32>
    %add3A_948 = arith.addi %add3A_947, %iota3A : vector<16xi32>
    %ge3A_949 = arith.cmpf oge, %get3A_944, %get3A_6 : vector<16xf32>
    %jit3A_950 = arith.constant 16384 : i32
    %jit3A_951 = arith.constant 0 : i32
    %broadcast_in_dim3A_952 = vector.broadcast %jit3A_950 : i32 to vector<16xi32>
    %broadcast_in_dim3A_953 = vector.broadcast %jit3A_951 : i32 to vector<16xi32>
    %select_n3A_954 = arith.select %ge3A_949, %broadcast_in_dim3A_952, %broadcast_in_dim3A_953 : vector<16xi1>, vector<16xi32>
    %add3A_955 = arith.addi %add3A_948, %select_n3A_954 : vector<16xi32>
    %swap3A_956 = arith.constant 23 : i32
    %swap3A_957 = arith.index_cast %swap3A_956 : i32 to index
    %swap3A_958 = arith.constant 16 : index
    %swap3A_959 = tpu.vector_load %arg9[%swap3A_957, %swap3A_958] {strides = array<i32>} : memref<32x32xi32, #tpu.memory_space<vmem>>, vector<1x16xi32>,
    %swap3A_960 = vector.shape_cast %swap3A_959 : vector<1x16xi32> to vector<16xi32>
    %swap3A_961 = vector.shape_cast %add3A_955 : vector<16xi32> to vector<1x16xi32>
    tpu.vector_store %arg9[%swap3A_957, %swap3A_958], %swap3A_961 {strides = array<i32>} : memref<32x32xi32, #tpu.memory_space<vmem>>, vector<1x16xi32>,
    %get3A_962 = arith.constant 768 : index
    %get3A_963 = tpu.vector_load %arg7[%get3A_962] {strides = array<i32>} : memref<1024xf32, #tpu.memory_space<vmem>>, vector<16xf32>,
    %get3A_964 = vector.shape_cast %get3A_963 : vector<16xf32> to vector<16xf32>
    %add3A_965 = arith.constant 256 : i32
    %add3A_966 = arith.addi %mul3A_2, %add3A_965 : i32
    %add3A_967 = vector.broadcast %add3A_966 : i32 to vector<16xi32>
    %add3A_968 = arith.addi %add3A_967, %iota3A : vector<16xi32>
    %ge3A_969 = arith.cmpf oge, %get3A_964, %get3A_6 : vector<16xf32>
    %jit3A_970 = arith.constant 16384 : i32
    %jit3A_971 = arith.constant 0 : i32
    %broadcast_in_dim3A_972 = vector.broadcast %jit3A_970 : i32 to vector<16xi32>
    %broadcast_in_dim3A_973 = vector.broadcast %jit3A_971 : i32 to vector<16xi32>
    %select_n3A_974 = arith.select %ge3A_969, %broadcast_in_dim3A_972, %broadcast_in_dim3A_973 : vector<16xi1>, vector<16xi32>
    %add3A_975 = arith.addi %add3A_968, %select_n3A_974 : vector<16xi32>
    %swap3A_976 = arith.constant 24 : i32
    %swap3A_977 = arith.index_cast %swap3A_976 : i32 to index
    %swap3A_978 = arith.constant 0 : index
    %swap3A_979 = tpu.vector_load %arg9[%swap3A_977, %swap3A_978] {strides = array<i32>} : memref<32x32xi32, #tpu.memory_space<vmem>>, vector<1x16xi32>,
    %swap3A_980 = vector.shape_cast %swap3A_979 : vector<1x16xi32> to vector<16xi32>
    %swap3A_981 = vector.shape_cast %add3A_975 : vector<16xi32> to vector<1x16xi32>
    tpu.vector_store %arg9[%swap3A_977, %swap3A_978], %swap3A_981 {strides = array<i32>} : memref<32x32xi32, #tpu.memory_space<vmem>>, vector<1x16xi32>,
    %get3A_982 = arith.constant 784 : index
    %get3A_983 = tpu.vector_load %arg7[%get3A_982] {strides = array<i32>} : memref<1024xf32, #tpu.memory_space<vmem>>, vector<16xf32>,
    %get3A_984 = vector.shape_cast %get3A_983 : vector<16xf32> to vector<16xf32>
    %add3A_985 = arith.constant 272 : i32
    %add3A_986 = arith.addi %mul3A_2, %add3A_985 : i32
    %add3A_987 = vector.broadcast %add3A_986 : i32 to vector<16xi32>
    %add3A_988 = arith.addi %add3A_987, %iota3A : vector<16xi32>
    %ge3A_989 = arith.cmpf oge, %get3A_984, %get3A_6 : vector<16xf32>
    %jit3A_990 = arith.constant 16384 : i32
    %jit3A_991 = arith.constant 0 : i32
    %broadcast_in_dim3A_992 = vector.broadcast %jit3A_990 : i32 to vector<16xi32>
    %broadcast_in_dim3A_993 = vector.broadcast %jit3A_991 : i32 to vector<16xi32>
    %select_n3A_994 = arith.select %ge3A_989, %broadcast_in_dim3A_992, %broadcast_in_dim3A_993 : vector<16xi1>, vector<16xi32>
    %add3A_995 = arith.addi %add3A_988, %select_n3A_994 : vector<16xi32>
    %swap3A_996 = arith.constant 24 : i32
    %swap3A_997 = arith.index_cast %swap3A_996 : i32 to index
    %swap3A_998 = arith.constant 16 : index
    %swap3A_999 = tpu.vector_load %arg9[%swap3A_997, %swap3A_998] {strides = array<i32>} : memref<32x32xi32, #tpu.memory_space<vmem>>, vector<1x16xi32>,
    %swap3A_1000 = vector.shape_cast %swap3A_999 : vector<1x16xi32> to vector<16xi32>
    %swap3A_1001 = vector.shape_cast %add3A_995 : vector<16xi32> to vector<1x16xi32>
    tpu.vector_store %arg9[%swap3A_997, %swap3A_998], %swap3A_1001 {strides = array<i32>} : memref<32x32xi32, #tpu.memory_space<vmem>>, vector<1x16xi32>,
    %get3A_1002 = arith.constant 800 : index
    %get3A_1003 = tpu.vector_load %arg7[%get3A_1002] {strides = array<i32>} : memref<1024xf32, #tpu.memory_space<vmem>>, vector<16xf32>,
    %get3A_1004 = vector.shape_cast %get3A_1003 : vector<16xf32> to vector<16xf32>
    %add3A_1005 = arith.constant 288 : i32
    %add3A_1006 = arith.addi %mul3A_2, %add3A_1005 : i32
    %add3A_1007 = vector.broadcast %add3A_1006 : i32 to vector<16xi32>
    %add3A_1008 = arith.addi %add3A_1007, %iota3A : vector<16xi32>
    %ge3A_1009 = arith.cmpf oge, %get3A_1004, %get3A_6 : vector<16xf32>
    %jit3A_1010 = arith.constant 16384 : i32
    %jit3A_1011 = arith.constant 0 : i32
    %broadcast_in_dim3A_1012 = vector.broadcast %jit3A_1010 : i32 to vector<16xi32>
    %broadcast_in_dim3A_1013 = vector.broadcast %jit3A_1011 : i32 to vector<16xi32>
    %select_n3A_1014 = arith.select %ge3A_1009, %broadcast_in_dim3A_1012, %broadcast_in_dim3A_1013 : vector<16xi1>, vector<16xi32>
    %add3A_1015 = arith.addi %add3A_1008, %select_n3A_1014 : vector<16xi32>
    %swap3A_1016 = arith.constant 25 : i32
    %swap3A_1017 = arith.index_cast %swap3A_1016 : i32 to index
    %swap3A_1018 = arith.constant 0 : index
    %swap3A_1019 = tpu.vector_load %arg9[%swap3A_1017, %swap3A_1018] {strides = array<i32>} : memref<32x32xi32, #tpu.memory_space<vmem>>, vector<1x16xi32>,
    %swap3A_1020 = vector.shape_cast %swap3A_1019 : vector<1x16xi32> to vector<16xi32>
    %swap3A_1021 = vector.shape_cast %add3A_1015 : vector<16xi32> to vector<1x16xi32>
    tpu.vector_store %arg9[%swap3A_1017, %swap3A_1018], %swap3A_1021 {strides = array<i32>} : memref<32x32xi32, #tpu.memory_space<vmem>>, vector<1x16xi32>,
    %get3A_1022 = arith.constant 816 : index
    %get3A_1023 = tpu.vector_load %arg7[%get3A_1022] {strides = array<i32>} : memref<1024xf32, #tpu.memory_space<vmem>>, vector<16xf32>,
    %get3A_1024 = vector.shape_cast %get3A_1023 : vector<16xf32> to vector<16xf32>
    %add3A_1025 = arith.constant 304 : i32
    %add3A_1026 = arith.addi %mul3A_2, %add3A_1025 : i32
    %add3A_1027 = vector.broadcast %add3A_1026 : i32 to vector<16xi32>
    %add3A_1028 = arith.addi %add3A_1027, %iota3A : vector<16xi32>
    %ge3A_1029 = arith.cmpf oge, %get3A_1024, %get3A_6 : vector<16xf32>
    %jit3A_1030 = arith.constant 16384 : i32
    %jit3A_1031 = arith.constant 0 : i32
    %broadcast_in_dim3A_1032 = vector.broadcast %jit3A_1030 : i32 to vector<16xi32>
    %broadcast_in_dim3A_1033 = vector.broadcast %jit3A_1031 : i32 to vector<16xi32>
    %select_n3A_1034 = arith.select %ge3A_1029, %broadcast_in_dim3A_1032, %broadcast_in_dim3A_1033 : vector<16xi1>, vector<16xi32>
    %add3A_1035 = arith.addi %add3A_1028, %select_n3A_1034 : vector<16xi32>
    %swap3A_1036 = arith.constant 25 : i32
    %swap3A_1037 = arith.index_cast %swap3A_1036 : i32 to index
    %swap3A_1038 = arith.constant 16 : index
    %swap3A_1039 = tpu.vector_load %arg9[%swap3A_1037, %swap3A_1038] {strides = array<i32>} : memref<32x32xi32, #tpu.memory_space<vmem>>, vector<1x16xi32>,
    %swap3A_1040 = vector.shape_cast %swap3A_1039 : vector<1x16xi32> to vector<16xi32>
    %swap3A_1041 = vector.shape_cast %add3A_1035 : vector<16xi32> to vector<1x16xi32>
    tpu.vector_store %arg9[%swap3A_1037, %swap3A_1038], %swap3A_1041 {strides = array<i32>} : memref<32x32xi32, #tpu.memory_space<vmem>>, vector<1x16xi32>,
    %get3A_1042 = arith.constant 832 : index
    %get3A_1043 = tpu.vector_load %arg7[%get3A_1042] {strides = array<i32>} : memref<1024xf32, #tpu.memory_space<vmem>>, vector<16xf32>,
    %get3A_1044 = vector.shape_cast %get3A_1043 : vector<16xf32> to vector<16xf32>
    %add3A_1045 = arith.constant 320 : i32
    %add3A_1046 = arith.addi %mul3A_2, %add3A_1045 : i32
    %add3A_1047 = vector.broadcast %add3A_1046 : i32 to vector<16xi32>
    %add3A_1048 = arith.addi %add3A_1047, %iota3A : vector<16xi32>
    %ge3A_1049 = arith.cmpf oge, %get3A_1044, %get3A_6 : vector<16xf32>
    %jit3A_1050 = arith.constant 16384 : i32
    %jit3A_1051 = arith.constant 0 : i32
    %broadcast_in_dim3A_1052 = vector.broadcast %jit3A_1050 : i32 to vector<16xi32>
    %broadcast_in_dim3A_1053 = vector.broadcast %jit3A_1051 : i32 to vector<16xi32>
    %select_n3A_1054 = arith.select %ge3A_1049, %broadcast_in_dim3A_1052, %broadcast_in_dim3A_1053 : vector<16xi1>, vector<16xi32>
    %add3A_1055 = arith.addi %add3A_1048, %select_n3A_1054 : vector<16xi32>
    %swap3A_1056 = arith.constant 26 : i32
    %swap3A_1057 = arith.index_cast %swap3A_1056 : i32 to index
    %swap3A_1058 = arith.constant 0 : index
    %swap3A_1059 = tpu.vector_load %arg9[%swap3A_1057, %swap3A_1058] {strides = array<i32>} : memref<32x32xi32, #tpu.memory_space<vmem>>, vector<1x16xi32>,
    %swap3A_1060 = vector.shape_cast %swap3A_1059 : vector<1x16xi32> to vector<16xi32>
    %swap3A_1061 = vector.shape_cast %add3A_1055 : vector<16xi32> to vector<1x16xi32>
    tpu.vector_store %arg9[%swap3A_1057, %swap3A_1058], %swap3A_1061 {strides = array<i32>} : memref<32x32xi32, #tpu.memory_space<vmem>>, vector<1x16xi32>,
    %get3A_1062 = arith.constant 848 : index
    %get3A_1063 = tpu.vector_load %arg7[%get3A_1062] {strides = array<i32>} : memref<1024xf32, #tpu.memory_space<vmem>>, vector<16xf32>,
    %get3A_1064 = vector.shape_cast %get3A_1063 : vector<16xf32> to vector<16xf32>
    %add3A_1065 = arith.constant 336 : i32
    %add3A_1066 = arith.addi %mul3A_2, %add3A_1065 : i32
    %add3A_1067 = vector.broadcast %add3A_1066 : i32 to vector<16xi32>
    %add3A_1068 = arith.addi %add3A_1067, %iota3A : vector<16xi32>
    %ge3A_1069 = arith.cmpf oge, %get3A_1064, %get3A_6 : vector<16xf32>
    %jit3A_1070 = arith.constant 16384 : i32
    %jit3A_1071 = arith.constant 0 : i32
    %broadcast_in_dim3A_1072 = vector.broadcast %jit3A_1070 : i32 to vector<16xi32>
    %broadcast_in_dim3A_1073 = vector.broadcast %jit3A_1071 : i32 to vector<16xi32>
    %select_n3A_1074 = arith.select %ge3A_1069, %broadcast_in_dim3A_1072, %broadcast_in_dim3A_1073 : vector<16xi1>, vector<16xi32>
    %add3A_1075 = arith.addi %add3A_1068, %select_n3A_1074 : vector<16xi32>
    %swap3A_1076 = arith.constant 26 : i32
    %swap3A_1077 = arith.index_cast %swap3A_1076 : i32 to index
    %swap3A_1078 = arith.constant 16 : index
    %swap3A_1079 = tpu.vector_load %arg9[%swap3A_1077, %swap3A_1078] {strides = array<i32>} : memref<32x32xi32, #tpu.memory_space<vmem>>, vector<1x16xi32>,
    %swap3A_1080 = vector.shape_cast %swap3A_1079 : vector<1x16xi32> to vector<16xi32>
    %swap3A_1081 = vector.shape_cast %add3A_1075 : vector<16xi32> to vector<1x16xi32>
    tpu.vector_store %arg9[%swap3A_1077, %swap3A_1078], %swap3A_1081 {strides = array<i32>} : memref<32x32xi32, #tpu.memory_space<vmem>>, vector<1x16xi32>,
    %get3A_1082 = arith.constant 864 : index
    %get3A_1083 = tpu.vector_load %arg7[%get3A_1082] {strides = array<i32>} : memref<1024xf32, #tpu.memory_space<vmem>>, vector<16xf32>,
    %get3A_1084 = vector.shape_cast %get3A_1083 : vector<16xf32> to vector<16xf32>
    %add3A_1085 = arith.constant 352 : i32
    %add3A_1086 = arith.addi %mul3A_2, %add3A_1085 : i32
    %add3A_1087 = vector.broadcast %add3A_1086 : i32 to vector<16xi32>
    %add3A_1088 = arith.addi %add3A_1087, %iota3A : vector<16xi32>
    %ge3A_1089 = arith.cmpf oge, %get3A_1084, %get3A_6 : vector<16xf32>
    %jit3A_1090 = arith.constant 16384 : i32
    %jit3A_1091 = arith.constant 0 : i32
    %broadcast_in_dim3A_1092 = vector.broadcast %jit3A_1090 : i32 to vector<16xi32>
    %broadcast_in_dim3A_1093 = vector.broadcast %jit3A_1091 : i32 to vector<16xi32>
    %select_n3A_1094 = arith.select %ge3A_1089, %broadcast_in_dim3A_1092, %broadcast_in_dim3A_1093 : vector<16xi1>, vector<16xi32>
    %add3A_1095 = arith.addi %add3A_1088, %select_n3A_1094 : vector<16xi32>
    %swap3A_1096 = arith.constant 27 : i32
    %swap3A_1097 = arith.index_cast %swap3A_1096 : i32 to index
    %swap3A_1098 = arith.constant 0 : index
    %swap3A_1099 = tpu.vector_load %arg9[%swap3A_1097, %swap3A_1098] {strides = array<i32>} : memref<32x32xi32, #tpu.memory_space<vmem>>, vector<1x16xi32>,
    %swap3A_1100 = vector.shape_cast %swap3A_1099 : vector<1x16xi32> to vector<16xi32>
    %swap3A_1101 = vector.shape_cast %add3A_1095 : vector<16xi32> to vector<1x16xi32>
    tpu.vector_store %arg9[%swap3A_1097, %swap3A_1098], %swap3A_1101 {strides = array<i32>} : memref<32x32xi32, #tpu.memory_space<vmem>>, vector<1x16xi32>,
    %get3A_1102 = arith.constant 880 : index
    %get3A_1103 = tpu.vector_load %arg7[%get3A_1102] {strides = array<i32>} : memref<1024xf32, #tpu.memory_space<vmem>>, vector<16xf32>,
    %get3A_1104 = vector.shape_cast %get3A_1103 : vector<16xf32> to vector<16xf32>
    %add3A_1105 = arith.constant 368 : i32
    %add3A_1106 = arith.addi %mul3A_2, %add3A_1105 : i32
    %add3A_1107 = vector.broadcast %add3A_1106 : i32 to vector<16xi32>
    %add3A_1108 = arith.addi %add3A_1107, %iota3A : vector<16xi32>
    %ge3A_1109 = arith.cmpf oge, %get3A_1104, %get3A_6 : vector<16xf32>
    %jit3A_1110 = arith.constant 16384 : i32
    %jit3A_1111 = arith.constant 0 : i32
    %broadcast_in_dim3A_1112 = vector.broadcast %jit3A_1110 : i32 to vector<16xi32>
    %broadcast_in_dim3A_1113 = vector.broadcast %jit3A_1111 : i32 to vector<16xi32>
    %select_n3A_1114 = arith.select %ge3A_1109, %broadcast_in_dim3A_1112, %broadcast_in_dim3A_1113 : vector<16xi1>, vector<16xi32>
    %add3A_1115 = arith.addi %add3A_1108, %select_n3A_1114 : vector<16xi32>
    %swap3A_1116 = arith.constant 27 : i32
    %swap3A_1117 = arith.index_cast %swap3A_1116 : i32 to index
    %swap3A_1118 = arith.constant 16 : index
    %swap3A_1119 = tpu.vector_load %arg9[%swap3A_1117, %swap3A_1118] {strides = array<i32>} : memref<32x32xi32, #tpu.memory_space<vmem>>, vector<1x16xi32>,
    %swap3A_1120 = vector.shape_cast %swap3A_1119 : vector<1x16xi32> to vector<16xi32>
    %swap3A_1121 = vector.shape_cast %add3A_1115 : vector<16xi32> to vector<1x16xi32>
    tpu.vector_store %arg9[%swap3A_1117, %swap3A_1118], %swap3A_1121 {strides = array<i32>} : memref<32x32xi32, #tpu.memory_space<vmem>>, vector<1x16xi32>,
    %get3A_1122 = arith.constant 896 : index
    %get3A_1123 = tpu.vector_load %arg7[%get3A_1122] {strides = array<i32>} : memref<1024xf32, #tpu.memory_space<vmem>>, vector<16xf32>,
    %get3A_1124 = vector.shape_cast %get3A_1123 : vector<16xf32> to vector<16xf32>
    %add3A_1125 = arith.constant 384 : i32
    %add3A_1126 = arith.addi %mul3A_2, %add3A_1125 : i32
    %add3A_1127 = vector.broadcast %add3A_1126 : i32 to vector<16xi32>
    %add3A_1128 = arith.addi %add3A_1127, %iota3A : vector<16xi32>
    %ge3A_1129 = arith.cmpf oge, %get3A_1124, %get3A_6 : vector<16xf32>
    %jit3A_1130 = arith.constant 16384 : i32
    %jit3A_1131 = arith.constant 0 : i32
    %broadcast_in_dim3A_1132 = vector.broadcast %jit3A_1130 : i32 to vector<16xi32>
    %broadcast_in_dim3A_1133 = vector.broadcast %jit3A_1131 : i32 to vector<16xi32>
    %select_n3A_1134 = arith.select %ge3A_1129, %broadcast_in_dim3A_1132, %broadcast_in_dim3A_1133 : vector<16xi1>, vector<16xi32>
    %add3A_1135 = arith.addi %add3A_1128, %select_n3A_1134 : vector<16xi32>
    %swap3A_1136 = arith.constant 28 : i32
    %swap3A_1137 = arith.index_cast %swap3A_1136 : i32 to index
    %swap3A_1138 = arith.constant 0 : index
    %swap3A_1139 = tpu.vector_load %arg9[%swap3A_1137, %swap3A_1138] {strides = array<i32>} : memref<32x32xi32, #tpu.memory_space<vmem>>, vector<1x16xi32>,
    %swap3A_1140 = vector.shape_cast %swap3A_1139 : vector<1x16xi32> to vector<16xi32>
    %swap3A_1141 = vector.shape_cast %add3A_1135 : vector<16xi32> to vector<1x16xi32>
    tpu.vector_store %arg9[%swap3A_1137, %swap3A_1138], %swap3A_1141 {strides = array<i32>} : memref<32x32xi32, #tpu.memory_space<vmem>>, vector<1x16xi32>,
    %get3A_1142 = arith.constant 912 : index
    %get3A_1143 = tpu.vector_load %arg7[%get3A_1142] {strides = array<i32>} : memref<1024xf32, #tpu.memory_space<vmem>>, vector<16xf32>,
    %get3A_1144 = vector.shape_cast %get3A_1143 : vector<16xf32> to vector<16xf32>
    %add3A_1145 = arith.constant 400 : i32
    %add3A_1146 = arith.addi %mul3A_2, %add3A_1145 : i32
    %add3A_1147 = vector.broadcast %add3A_1146 : i32 to vector<16xi32>
    %add3A_1148 = arith.addi %add3A_1147, %iota3A : vector<16xi32>
    %ge3A_1149 = arith.cmpf oge, %get3A_1144, %get3A_6 : vector<16xf32>
    %jit3A_1150 = arith.constant 16384 : i32
    %jit3A_1151 = arith.constant 0 : i32
    %broadcast_in_dim3A_1152 = vector.broadcast %jit3A_1150 : i32 to vector<16xi32>
    %broadcast_in_dim3A_1153 = vector.broadcast %jit3A_1151 : i32 to vector<16xi32>
    %select_n3A_1154 = arith.select %ge3A_1149, %broadcast_in_dim3A_1152, %broadcast_in_dim3A_1153 : vector<16xi1>, vector<16xi32>
    %add3A_1155 = arith.addi %add3A_1148, %select_n3A_1154 : vector<16xi32>
    %swap3A_1156 = arith.constant 28 : i32
    %swap3A_1157 = arith.index_cast %swap3A_1156 : i32 to index
    %swap3A_1158 = arith.constant 16 : index
    %swap3A_1159 = tpu.vector_load %arg9[%swap3A_1157, %swap3A_1158] {strides = array<i32>} : memref<32x32xi32, #tpu.memory_space<vmem>>, vector<1x16xi32>,
    %swap3A_1160 = vector.shape_cast %swap3A_1159 : vector<1x16xi32> to vector<16xi32>
    %swap3A_1161 = vector.shape_cast %add3A_1155 : vector<16xi32> to vector<1x16xi32>
    tpu.vector_store %arg9[%swap3A_1157, %swap3A_1158], %swap3A_1161 {strides = array<i32>} : memref<32x32xi32, #tpu.memory_space<vmem>>, vector<1x16xi32>,
    %get3A_1162 = arith.constant 928 : index
    %get3A_1163 = tpu.vector_load %arg7[%get3A_1162] {strides = array<i32>} : memref<1024xf32, #tpu.memory_space<vmem>>, vector<16xf32>,
    %get3A_1164 = vector.shape_cast %get3A_1163 : vector<16xf32> to vector<16xf32>
    %add3A_1165 = arith.constant 416 : i32
    %add3A_1166 = arith.addi %mul3A_2, %add3A_1165 : i32
    %add3A_1167 = vector.broadcast %add3A_1166 : i32 to vector<16xi32>
    %add3A_1168 = arith.addi %add3A_1167, %iota3A : vector<16xi32>
    %ge3A_1169 = arith.cmpf oge, %get3A_1164, %get3A_6 : vector<16xf32>
    %jit3A_1170 = arith.constant 16384 : i32
    %jit3A_1171 = arith.constant 0 : i32
    %broadcast_in_dim3A_1172 = vector.broadcast %jit3A_1170 : i32 to vector<16xi32>
    %broadcast_in_dim3A_1173 = vector.broadcast %jit3A_1171 : i32 to vector<16xi32>
    %select_n3A_1174 = arith.select %ge3A_1169, %broadcast_in_dim3A_1172, %broadcast_in_dim3A_1173 : vector<16xi1>, vector<16xi32>
    %add3A_1175 = arith.addi %add3A_1168, %select_n3A_1174 : vector<16xi32>
    %swap3A_1176 = arith.constant 29 : i32
    %swap3A_1177 = arith.index_cast %swap3A_1176 : i32 to index
    %swap3A_1178 = arith.constant 0 : index
    %swap3A_1179 = tpu.vector_load %arg9[%swap3A_1177, %swap3A_1178] {strides = array<i32>} : memref<32x32xi32, #tpu.memory_space<vmem>>, vector<1x16xi32>,
    %swap3A_1180 = vector.shape_cast %swap3A_1179 : vector<1x16xi32> to vector<16xi32>
    %swap3A_1181 = vector.shape_cast %add3A_1175 : vector<16xi32> to vector<1x16xi32>
    tpu.vector_store %arg9[%swap3A_1177, %swap3A_1178], %swap3A_1181 {strides = array<i32>} : memref<32x32xi32, #tpu.memory_space<vmem>>, vector<1x16xi32>,
    %get3A_1182 = arith.constant 944 : index
    %get3A_1183 = tpu.vector_load %arg7[%get3A_1182] {strides = array<i32>} : memref<1024xf32, #tpu.memory_space<vmem>>, vector<16xf32>,
    %get3A_1184 = vector.shape_cast %get3A_1183 : vector<16xf32> to vector<16xf32>
    %add3A_1185 = arith.constant 432 : i32
    %add3A_1186 = arith.addi %mul3A_2, %add3A_1185 : i32
    %add3A_1187 = vector.broadcast %add3A_1186 : i32 to vector<16xi32>
    %add3A_1188 = arith.addi %add3A_1187, %iota3A : vector<16xi32>
    %ge3A_1189 = arith.cmpf oge, %get3A_1184, %get3A_6 : vector<16xf32>
    %jit3A_1190 = arith.constant 16384 : i32
    %jit3A_1191 = arith.constant 0 : i32
    %broadcast_in_dim3A_1192 = vector.broadcast %jit3A_1190 : i32 to vector<16xi32>
    %broadcast_in_dim3A_1193 = vector.broadcast %jit3A_1191 : i32 to vector<16xi32>
    %select_n3A_1194 = arith.select %ge3A_1189, %broadcast_in_dim3A_1192, %broadcast_in_dim3A_1193 : vector<16xi1>, vector<16xi32>
    %add3A_1195 = arith.addi %add3A_1188, %select_n3A_1194 : vector<16xi32>
    %swap3A_1196 = arith.constant 29 : i32
    %swap3A_1197 = arith.index_cast %swap3A_1196 : i32 to index
    %swap3A_1198 = arith.constant 16 : index
    %swap3A_1199 = tpu.vector_load %arg9[%swap3A_1197, %swap3A_1198] {strides = array<i32>} : memref<32x32xi32, #tpu.memory_space<vmem>>, vector<1x16xi32>,
    %swap3A_1200 = vector.shape_cast %swap3A_1199 : vector<1x16xi32> to vector<16xi32>
    %swap3A_1201 = vector.shape_cast %add3A_1195 : vector<16xi32> to vector<1x16xi32>
    tpu.vector_store %arg9[%swap3A_1197, %swap3A_1198], %swap3A_1201 {strides = array<i32>} : memref<32x32xi32, #tpu.memory_space<vmem>>, vector<1x16xi32>,
    %get3A_1202 = arith.constant 960 : index
    %get3A_1203 = tpu.vector_load %arg7[%get3A_1202] {strides = array<i32>} : memref<1024xf32, #tpu.memory_space<vmem>>, vector<16xf32>,
    %get3A_1204 = vector.shape_cast %get3A_1203 : vector<16xf32> to vector<16xf32>
    %add3A_1205 = arith.constant 448 : i32
    %add3A_1206 = arith.addi %mul3A_2, %add3A_1205 : i32
    %add3A_1207 = vector.broadcast %add3A_1206 : i32 to vector<16xi32>
    %add3A_1208 = arith.addi %add3A_1207, %iota3A : vector<16xi32>
    %ge3A_1209 = arith.cmpf oge, %get3A_1204, %get3A_6 : vector<16xf32>
    %jit3A_1210 = arith.constant 16384 : i32
    %jit3A_1211 = arith.constant 0 : i32
    %broadcast_in_dim3A_1212 = vector.broadcast %jit3A_1210 : i32 to vector<16xi32>
    %broadcast_in_dim3A_1213 = vector.broadcast %jit3A_1211 : i32 to vector<16xi32>
    %select_n3A_1214 = arith.select %ge3A_1209, %broadcast_in_dim3A_1212, %broadcast_in_dim3A_1213 : vector<16xi1>, vector<16xi32>
    %add3A_1215 = arith.addi %add3A_1208, %select_n3A_1214 : vector<16xi32>
    %swap3A_1216 = arith.constant 30 : i32
    %swap3A_1217 = arith.index_cast %swap3A_1216 : i32 to index
    %swap3A_1218 = arith.constant 0 : index
    %swap3A_1219 = tpu.vector_load %arg9[%swap3A_1217, %swap3A_1218] {strides = array<i32>} : memref<32x32xi32, #tpu.memory_space<vmem>>, vector<1x16xi32>,
    %swap3A_1220 = vector.shape_cast %swap3A_1219 : vector<1x16xi32> to vector<16xi32>
    %swap3A_1221 = vector.shape_cast %add3A_1215 : vector<16xi32> to vector<1x16xi32>
    tpu.vector_store %arg9[%swap3A_1217, %swap3A_1218], %swap3A_1221 {strides = array<i32>} : memref<32x32xi32, #tpu.memory_space<vmem>>, vector<1x16xi32>,
    %get3A_1222 = arith.constant 976 : index
    %get3A_1223 = tpu.vector_load %arg7[%get3A_1222] {strides = array<i32>} : memref<1024xf32, #tpu.memory_space<vmem>>, vector<16xf32>,
    %get3A_1224 = vector.shape_cast %get3A_1223 : vector<16xf32> to vector<16xf32>
    %add3A_1225 = arith.constant 464 : i32
    %add3A_1226 = arith.addi %mul3A_2, %add3A_1225 : i32
    %add3A_1227 = vector.broadcast %add3A_1226 : i32 to vector<16xi32>
    %add3A_1228 = arith.addi %add3A_1227, %iota3A : vector<16xi32>
    %ge3A_1229 = arith.cmpf oge, %get3A_1224, %get3A_6 : vector<16xf32>
    %jit3A_1230 = arith.constant 16384 : i32
    %jit3A_1231 = arith.constant 0 : i32
    %broadcast_in_dim3A_1232 = vector.broadcast %jit3A_1230 : i32 to vector<16xi32>
    %broadcast_in_dim3A_1233 = vector.broadcast %jit3A_1231 : i32 to vector<16xi32>
    %select_n3A_1234 = arith.select %ge3A_1229, %broadcast_in_dim3A_1232, %broadcast_in_dim3A_1233 : vector<16xi1>, vector<16xi32>
    %add3A_1235 = arith.addi %add3A_1228, %select_n3A_1234 : vector<16xi32>
    %swap3A_1236 = arith.constant 30 : i32
    %swap3A_1237 = arith.index_cast %swap3A_1236 : i32 to index
    %swap3A_1238 = arith.constant 16 : index
    %swap3A_1239 = tpu.vector_load %arg9[%swap3A_1237, %swap3A_1238] {strides = array<i32>} : memref<32x32xi32, #tpu.memory_space<vmem>>, vector<1x16xi32>,
    %swap3A_1240 = vector.shape_cast %swap3A_1239 : vector<1x16xi32> to vector<16xi32>
    %swap3A_1241 = vector.shape_cast %add3A_1235 : vector<16xi32> to vector<1x16xi32>
    tpu.vector_store %arg9[%swap3A_1237, %swap3A_1238], %swap3A_1241 {strides = array<i32>} : memref<32x32xi32, #tpu.memory_space<vmem>>, vector<1x16xi32>,
    %get3A_1242 = arith.constant 992 : index
    %get3A_1243 = tpu.vector_load %arg7[%get3A_1242] {strides = array<i32>} : memref<1024xf32, #tpu.memory_space<vmem>>, vector<16xf32>,
    %get3A_1244 = vector.shape_cast %get3A_1243 : vector<16xf32> to vector<16xf32>
    %add3A_1245 = arith.constant 480 : i32
    %add3A_1246 = arith.addi %mul3A_2, %add3A_1245 : i32
    %add3A_1247 = vector.broadcast %add3A_1246 : i32 to vector<16xi32>
    %add3A_1248 = arith.addi %add3A_1247, %iota3A : vector<16xi32>
    %ge3A_1249 = arith.cmpf oge, %get3A_1244, %get3A_6 : vector<16xf32>
    %jit3A_1250 = arith.constant 16384 : i32
    %jit3A_1251 = arith.constant 0 : i32
    %broadcast_in_dim3A_1252 = vector.broadcast %jit3A_1250 : i32 to vector<16xi32>
    %broadcast_in_dim3A_1253 = vector.broadcast %jit3A_1251 : i32 to vector<16xi32>
    %select_n3A_1254 = arith.select %ge3A_1249, %broadcast_in_dim3A_1252, %broadcast_in_dim3A_1253 : vector<16xi1>, vector<16xi32>
    %add3A_1255 = arith.addi %add3A_1248, %select_n3A_1254 : vector<16xi32>
    %swap3A_1256 = arith.constant 31 : i32
    %swap3A_1257 = arith.index_cast %swap3A_1256 : i32 to index
    %swap3A_1258 = arith.constant 0 : index
    %swap3A_1259 = tpu.vector_load %arg9[%swap3A_1257, %swap3A_1258] {strides = array<i32>} : memref<32x32xi32, #tpu.memory_space<vmem>>, vector<1x16xi32>,
    %swap3A_1260 = vector.shape_cast %swap3A_1259 : vector<1x16xi32> to vector<16xi32>
    %swap3A_1261 = vector.shape_cast %add3A_1255 : vector<16xi32> to vector<1x16xi32>
    tpu.vector_store %arg9[%swap3A_1257, %swap3A_1258], %swap3A_1261 {strides = array<i32>} : memref<32x32xi32, #tpu.memory_space<vmem>>, vector<1x16xi32>,
    %get3A_1262 = arith.constant 1008 : index
    %get3A_1263 = tpu.vector_load %arg7[%get3A_1262] {strides = array<i32>} : memref<1024xf32, #tpu.memory_space<vmem>>, vector<16xf32>,
    %get3A_1264 = vector.shape_cast %get3A_1263 : vector<16xf32> to vector<16xf32>
    %add3A_1265 = arith.constant 496 : i32
    %add3A_1266 = arith.addi %mul3A_2, %add3A_1265 : i32
    %add3A_1267 = vector.broadcast %add3A_1266 : i32 to vector<16xi32>
    %add3A_1268 = arith.addi %add3A_1267, %iota3A : vector<16xi32>
    %ge3A_1269 = arith.cmpf oge, %get3A_1264, %get3A_6 : vector<16xf32>
    %jit3A_1270 = arith.constant 16384 : i32
    %jit3A_1271 = arith.constant 0 : i32
    %broadcast_in_dim3A_1272 = vector.broadcast %jit3A_1270 : i32 to vector<16xi32>
    %broadcast_in_dim3A_1273 = vector.broadcast %jit3A_1271 : i32 to vector<16xi32>
    %select_n3A_1274 = arith.select %ge3A_1269, %broadcast_in_dim3A_1272, %broadcast_in_dim3A_1273 : vector<16xi1>, vector<16xi32>
    %add3A_1275 = arith.addi %add3A_1268, %select_n3A_1274 : vector<16xi32>
    %swap3A_1276 = arith.constant 31 : i32
    %swap3A_1277 = arith.index_cast %swap3A_1276 : i32 to index
    %swap3A_1278 = arith.constant 16 : index
    %swap3A_1279 = tpu.vector_load %arg9[%swap3A_1277, %swap3A_1278] {strides = array<i32>} : memref<32x32xi32, #tpu.memory_space<vmem>>, vector<1x16xi32>,
    %swap3A_1280 = vector.shape_cast %swap3A_1279 : vector<1x16xi32> to vector<16xi32>
    %swap3A_1281 = vector.shape_cast %add3A_1275 : vector<16xi32> to vector<1x16xi32>
    tpu.vector_store %arg9[%swap3A_1277, %swap3A_1278], %swap3A_1281 {strides = array<i32>} : memref<32x32xi32, #tpu.memory_space<vmem>>, vector<1x16xi32>,
    %dma_start3A = arith.constant 0 : i32
    %dma_start3A_1282 = arith.constant 0 : i32
    %dma_start3A_1283 = tpu.memref_slice %arg9[%dma_start3A, %dma_start3A_1282] : memref<32x32xi32, #tpu.memory_space<vmem>> -> memref<1x32xi32, #tpu.memory_space<vmem>>
    %dma_start3A_1284 = tpu.memref_squeeze %dma_start3A_1283 : memref<1x32xi32, #tpu.memory_space<vmem>> -> memref<32xi32, #tpu.memory_space<vmem>>
    %dma_start3A_1285 = arith.constant 0 : i32
    %dma_start3A_1286 = arith.constant 0 : i32
    %dma_start3A_1287 = tpu.memref_slice %arg2[%dma_start3A_1285, %dma_start3A_1286] : memref<32768x1024xf32, #tpu.memory_space<hbm>> -> memref<32768x1024xf32, #tpu.memory_space<hbm>>
    tpu.enqueue_indirect_dma source(%dma_start3A_1287 : memref<32768x1024xf32, #tpu.memory_space<hbm>>) target(%arg10 : memref<32x1024xf32, #tpu.memory_space<vmem>>) offsets(%dma_start3A_1284 : memref<32xi32, #tpu.memory_space<vmem>>) semaphore(%arg12 : memref<!tpu.dma_semaphore, #tpu.memory_space<semaphore_mem>>)
    %dma_start3A_1288 = arith.constant 1 : i32
    %dma_start3A_1289 = arith.constant 0 : i32
    %dma_start3A_1290 = tpu.memref_slice %arg9[%dma_start3A_1288, %dma_start3A_1289] : memref<32x32xi32, #tpu.memory_space<vmem>> -> memref<1x32xi32, #tpu.memory_space<vmem>>
    %dma_start3A_1291 = tpu.memref_squeeze %dma_start3A_1290 : memref<1x32xi32, #tpu.memory_space<vmem>> -> memref<32xi32, #tpu.memory_space<vmem>>
    %dma_start3A_1292 = arith.constant 0 : i32
    %dma_start3A_1293 = arith.constant 0 : i32
    %dma_start3A_1294 = tpu.memref_slice %arg2[%dma_start3A_1292, %dma_start3A_1293] : memref<32768x1024xf32, #tpu.memory_space<hbm>> -> memref<32768x1024xf32, #tpu.memory_space<hbm>>
    tpu.enqueue_indirect_dma source(%dma_start3A_1294 : memref<32768x1024xf32, #tpu.memory_space<hbm>>) target(%arg11 : memref<32x1024xf32, #tpu.memory_space<vmem>>) offsets(%dma_start3A_1291 : memref<32xi32, #tpu.memory_space<vmem>>) semaphore(%arg13 : memref<!tpu.dma_semaphore, #tpu.memory_space<semaphore_mem>>)
    %scan3A = arith.constant 0 : i32
    %scan3A_1295 = arith.constant 0 : i32
    %scan3A_1296 = arith.constant 7 : i32
    %scan3A_1297 = arith.addi %scan3A_1295, %scan3A_1296 : i32
    %scan3A_1298 = arith.constant 1 : i32
    scf.for %scan3A_1402 = %scan3A_1295 to %scan3A_1297 step %scan3A_1298  : i32 {
      %mul3A_1403 = arith.constant 2 : i32
      %mul3A_1404 = arith.muli %scan3A_1402, %mul3A_1403 : i32
      %add3A_1405 = arith.constant 0 : i32
      %add3A_1406 = arith.addi %mul3A_1404, %add3A_1405 : i32
      %add3A_1407 = arith.constant 0 : i32
      %add3A_1408 = arith.addi %add3A_1407, %add3A_1406 : i32
      %dma_wait3A_1409 = arith.constant 0 : i32
      %dma_wait3A_1410 = tpu.memref_slice %arg9[%add3A_1408, %dma_wait3A_1409] : memref<32x32xi32, #tpu.memory_space<vmem>> -> memref<1x32xi32, #tpu.memory_space<vmem>>
      %dma_wait3A_1411 = tpu.memref_squeeze %dma_wait3A_1410 : memref<1x32xi32, #tpu.memory_space<vmem>> -> memref<32xi32, #tpu.memory_space<vmem>>
      %dma_wait3A_1412 = arith.constant 0 : i32
      %dma_wait3A_1413 = arith.constant 0 : i32
      %dma_wait3A_1414 = tpu.memref_slice %arg2[%dma_wait3A_1412, %dma_wait3A_1413] : memref<32768x1024xf32, #tpu.memory_space<hbm>> -> memref<32768x1024xf32, #tpu.memory_space<hbm>>
      tpu.wait_indirect_dma semaphore(%arg12 : memref<!tpu.dma_semaphore, #tpu.memory_space<semaphore_mem>>) src(%dma_wait3A_1414 : memref<32768x1024xf32, #tpu.memory_space<hbm>>) dst(%arg10 : memref<32x1024xf32, #tpu.memory_space<vmem>>)
      %mul3A_1415 = arith.constant 32 : i32
      %mul3A_1416 = arith.muli %add3A_1406, %mul3A_1415 : i32
      %add3A_1417 = arith.addi %mul3A_2, %mul3A_1416 : i32
      %multiple_of3A_1418 = tpu.assume_multiple %add3A_1417, 8 : i32
      %dma_start3A_1419 = arith.constant 0 : i32
      %dma_start3A_1420 = tpu.memref_slice %arg5[%multiple_of3A_1418, %dma_start3A_1419] : memref<16384x1024xf32, #tpu.memory_space<hbm>> -> memref<32x1024xf32, #tpu.memory_space<hbm>>
      %dma_start3A_1421 = arith.constant 0 : i32
      %dma_start3A_1422 = tpu.memref_slice %arg5[%multiple_of3A_1418, %dma_start3A_1421] : memref<16384x1024xf32, #tpu.memory_space<hbm>> -> memref<32x1024xf32, #tpu.memory_space<hbm>>
      tpu.enqueue_dma source(%arg10 : memref<32x1024xf32, #tpu.memory_space<vmem>>) target(%dma_start3A_1422 : memref<32x1024xf32, #tpu.memory_space<hbm>>) target_semaphore(%arg14 : memref<!tpu.dma_semaphore, #tpu.memory_space<semaphore_mem>>)
      %mul3A_1423 = arith.constant 32 : i32
      %mul3A_1424 = arith.muli %add3A_1406, %mul3A_1423 : i32
      %add3A_1425 = arith.addi %mul3A_2, %mul3A_1424 : i32
      %multiple_of3A_1426 = tpu.assume_multiple %add3A_1425, 8 : i32
      %dma_wait3A_1427 = arith.constant 0 : i32
      %dma_wait3A_1428 = tpu.memref_slice %arg5[%multiple_of3A_1426, %dma_wait3A_1427] : memref<16384x1024xf32, #tpu.memory_space<hbm>> -> memref<32x1024xf32, #tpu.memory_space<hbm>>
      %dma_wait3A_1429 = arith.constant 0 : i32
      %dma_wait3A_1430 = tpu.memref_slice %arg5[%multiple_of3A_1426, %dma_wait3A_1429] : memref<16384x1024xf32, #tpu.memory_space<hbm>> -> memref<32x1024xf32, #tpu.memory_space<hbm>>
      tpu.wait_dma2 semaphore(%arg14 : memref<!tpu.dma_semaphore, #tpu.memory_space<semaphore_mem>>) src(%arg10 : memref<32x1024xf32, #tpu.memory_space<vmem>>) dst(%dma_wait3A_1430 : memref<32x1024xf32, #tpu.memory_space<hbm>>)
      %add3A_1431 = arith.constant 2 : i32
      %add3A_1432 = arith.addi %add3A_1406, %add3A_1431 : i32
      %add3A_1433 = arith.constant 0 : i32
      %add3A_1434 = arith.addi %add3A_1433, %add3A_1432 : i32
      %dma_start3A_1435 = arith.constant 0 : i32
      %dma_start3A_1436 = tpu.memref_slice %arg9[%add3A_1434, %dma_start3A_1435] : memref<32x32xi32, #tpu.memory_space<vmem>> -> memref<1x32xi32, #tpu.memory_space<vmem>>
      %dma_start3A_1437 = tpu.memref_squeeze %dma_start3A_1436 : memref<1x32xi32, #tpu.memory_space<vmem>> -> memref<32xi32, #tpu.memory_space<vmem>>
      %dma_start3A_1438 = arith.constant 0 : i32
      %dma_start3A_1439 = arith.constant 0 : i32
      %dma_start3A_1440 = tpu.memref_slice %arg2[%dma_start3A_1438, %dma_start3A_1439] : memref<32768x1024xf32, #tpu.memory_space<hbm>> -> memref<32768x1024xf32, #tpu.memory_space<hbm>>
      tpu.enqueue_indirect_dma source(%dma_start3A_1440 : memref<32768x1024xf32, #tpu.memory_space<hbm>>) target(%arg10 : memref<32x1024xf32, #tpu.memory_space<vmem>>) offsets(%dma_start3A_1437 : memref<32xi32, #tpu.memory_space<vmem>>) semaphore(%arg12 : memref<!tpu.dma_semaphore, #tpu.memory_space<semaphore_mem>>)
      %mul3A_1441 = arith.constant 2 : i32
      %mul3A_1442 = arith.muli %scan3A_1402, %mul3A_1441 : i32
      %add3A_1443 = arith.constant 1 : i32
      %add3A_1444 = arith.addi %mul3A_1442, %add3A_1443 : i32
      %add3A_1445 = arith.constant 0 : i32
      %add3A_1446 = arith.addi %add3A_1445, %add3A_1444 : i32
      %dma_wait3A_1447 = arith.constant 0 : i32
      %dma_wait3A_1448 = tpu.memref_slice %arg9[%add3A_1446, %dma_wait3A_1447] : memref<32x32xi32, #tpu.memory_space<vmem>> -> memref<1x32xi32, #tpu.memory_space<vmem>>
      %dma_wait3A_1449 = tpu.memref_squeeze %dma_wait3A_1448 : memref<1x32xi32, #tpu.memory_space<vmem>> -> memref<32xi32, #tpu.memory_space<vmem>>
      %dma_wait3A_1450 = arith.constant 0 : i32
      %dma_wait3A_1451 = arith.constant 0 : i32
      %dma_wait3A_1452 = tpu.memref_slice %arg2[%dma_wait3A_1450, %dma_wait3A_1451] : memref<32768x1024xf32, #tpu.memory_space<hbm>> -> memref<32768x1024xf32, #tpu.memory_space<hbm>>
      tpu.wait_indirect_dma semaphore(%arg13 : memref<!tpu.dma_semaphore, #tpu.memory_space<semaphore_mem>>) src(%dma_wait3A_1452 : memref<32768x1024xf32, #tpu.memory_space<hbm>>) dst(%arg11 : memref<32x1024xf32, #tpu.memory_space<vmem>>)
      %mul3A_1453 = arith.constant 32 : i32
      %mul3A_1454 = arith.muli %add3A_1444, %mul3A_1453 : i32
      %add3A_1455 = arith.addi %mul3A_2, %mul3A_1454 : i32
      %multiple_of3A_1456 = tpu.assume_multiple %add3A_1455, 8 : i32
      %dma_start3A_1457 = arith.constant 0 : i32
      %dma_start3A_1458 = tpu.memref_slice %arg5[%multiple_of3A_1456, %dma_start3A_1457] : memref<16384x1024xf32, #tpu.memory_space<hbm>> -> memref<32x1024xf32, #tpu.memory_space<hbm>>
      %dma_start3A_1459 = arith.constant 0 : i32
      %dma_start3A_1460 = tpu.memref_slice %arg5[%multiple_of3A_1456, %dma_start3A_1459] : memref<16384x1024xf32, #tpu.memory_space<hbm>> -> memref<32x1024xf32, #tpu.memory_space<hbm>>
      tpu.enqueue_dma source(%arg11 : memref<32x1024xf32, #tpu.memory_space<vmem>>) target(%dma_start3A_1460 : memref<32x1024xf32, #tpu.memory_space<hbm>>) target_semaphore(%arg15 : memref<!tpu.dma_semaphore, #tpu.memory_space<semaphore_mem>>)
      %mul3A_1461 = arith.constant 32 : i32
      %mul3A_1462 = arith.muli %add3A_1444, %mul3A_1461 : i32
      %add3A_1463 = arith.addi %mul3A_2, %mul3A_1462 : i32
      %multiple_of3A_1464 = tpu.assume_multiple %add3A_1463, 8 : i32
      %dma_wait3A_1465 = arith.constant 0 : i32
      %dma_wait3A_1466 = tpu.memref_slice %arg5[%multiple_of3A_1464, %dma_wait3A_1465] : memref<16384x1024xf32, #tpu.memory_space<hbm>> -> memref<32x1024xf32, #tpu.memory_space<hbm>>
      %dma_wait3A_1467 = arith.constant 0 : i32
      %dma_wait3A_1468 = tpu.memref_slice %arg5[%multiple_of3A_1464, %dma_wait3A_1467] : memref<16384x1024xf32, #tpu.memory_space<hbm>> -> memref<32x1024xf32, #tpu.memory_space<hbm>>
      tpu.wait_dma2 semaphore(%arg15 : memref<!tpu.dma_semaphore, #tpu.memory_space<semaphore_mem>>) src(%arg11 : memref<32x1024xf32, #tpu.memory_space<vmem>>) dst(%dma_wait3A_1468 : memref<32x1024xf32, #tpu.memory_space<hbm>>)
      %add3A_1469 = arith.constant 2 : i32
      %add3A_1470 = arith.addi %add3A_1444, %add3A_1469 : i32
      %add3A_1471 = arith.constant 0 : i32
      %add3A_1472 = arith.addi %add3A_1471, %add3A_1470 : i32
      %dma_start3A_1473 = arith.constant 0 : i32
      %dma_start3A_1474 = tpu.memref_slice %arg9[%add3A_1472, %dma_start3A_1473] : memref<32x32xi32, #tpu.memory_space<vmem>> -> memref<1x32xi32, #tpu.memory_space<vmem>>
      %dma_start3A_1475 = tpu.memref_squeeze %dma_start3A_1474 : memref<1x32xi32, #tpu.memory_space<vmem>> -> memref<32xi32, #tpu.memory_space<vmem>>
      %dma_start3A_1476 = arith.constant 0 : i32
      %dma_start3A_1477 = arith.constant 0 : i32
      %dma_start3A_1478 = tpu.memref_slice %arg2[%dma_start3A_1476, %dma_start3A_1477] : memref<32768x1024xf32, #tpu.memory_space<hbm>> -> memref<32768x1024xf32, #tpu.memory_space<hbm>>
      tpu.enqueue_indirect_dma source(%dma_start3A_1478 : memref<32768x1024xf32, #tpu.memory_space<hbm>>) target(%arg11 : memref<32x1024xf32, #tpu.memory_space<vmem>>) offsets(%dma_start3A_1475 : memref<32xi32, #tpu.memory_space<vmem>>) semaphore(%arg13 : memref<!tpu.dma_semaphore, #tpu.memory_space<semaphore_mem>>)
    }
    %scan3A_1299 = arith.constant 7 : i32
    %dma_wait3A = arith.constant 14 : i32
    %dma_wait3A_1300 = arith.constant 0 : i32
    %dma_wait3A_1301 = tpu.memref_slice %arg9[%dma_wait3A, %dma_wait3A_1300] : memref<32x32xi32, #tpu.memory_space<vmem>> -> memref<1x32xi32, #tpu.memory_space<vmem>>
    %dma_wait3A_1302 = tpu.memref_squeeze %dma_wait3A_1301 : memref<1x32xi32, #tpu.memory_space<vmem>> -> memref<32xi32, #tpu.memory_space<vmem>>
    %dma_wait3A_1303 = arith.constant 0 : i32
    %dma_wait3A_1304 = arith.constant 0 : i32
    %dma_wait3A_1305 = tpu.memref_slice %arg2[%dma_wait3A_1303, %dma_wait3A_1304] : memref<32768x1024xf32, #tpu.memory_space<hbm>> -> memref<32768x1024xf32, #tpu.memory_space<hbm>>
    tpu.wait_indirect_dma semaphore(%arg12 : memref<!tpu.dma_semaphore, #tpu.memory_space<semaphore_mem>>) src(%dma_wait3A_1305 : memref<32768x1024xf32, #tpu.memory_space<hbm>>) dst(%arg10 : memref<32x1024xf32, #tpu.memory_space<vmem>>)
    %add3A_1306 = arith.constant 448 : i32
    %add3A_1307 = arith.addi %mul3A_2, %add3A_1306 : i32
    %multiple_of3A = tpu.assume_multiple %add3A_1307, 8 : i32
    %dma_start3A_1308 = arith.constant 0 : i32
    %dma_start3A_1309 = tpu.memref_slice %arg5[%multiple_of3A, %dma_start3A_1308] : memref<16384x1024xf32, #tpu.memory_space<hbm>> -> memref<32x1024xf32, #tpu.memory_space<hbm>>
    %dma_start3A_1310 = arith.constant 0 : i32
    %dma_start3A_1311 = tpu.memref_slice %arg5[%multiple_of3A, %dma_start3A_1310] : memref<16384x1024xf32, #tpu.memory_space<hbm>> -> memref<32x1024xf32, #tpu.memory_space<hbm>>
    tpu.enqueue_dma source(%arg10 : memref<32x1024xf32, #tpu.memory_space<vmem>>) target(%dma_start3A_1311 : memref<32x1024xf32, #tpu.memory_space<hbm>>) target_semaphore(%arg14 : memref<!tpu.dma_semaphore, #tpu.memory_space<semaphore_mem>>)
    %dma_wait3A_1312 = arith.constant 15 : i32
    %dma_wait3A_1313 = arith.constant 0 : i32
    %dma_wait3A_1314 = tpu.memref_slice %arg9[%dma_wait3A_1312, %dma_wait3A_1313] : memref<32x32xi32, #tpu.memory_space<vmem>> -> memref<1x32xi32, #tpu.memory_space<vmem>>
    %dma_wait3A_1315 = tpu.memref_squeeze %dma_wait3A_1314 : memref<1x32xi32, #tpu.memory_space<vmem>> -> memref<32xi32, #tpu.memory_space<vmem>>
    %dma_wait3A_1316 = arith.constant 0 : i32
    %dma_wait3A_1317 = arith.constant 0 : i32
    %dma_wait3A_1318 = tpu.memref_slice %arg2[%dma_wait3A_1316, %dma_wait3A_1317] : memref<32768x1024xf32, #tpu.memory_space<hbm>> -> memref<32768x1024xf32, #tpu.memory_space<hbm>>
    tpu.wait_indirect_dma semaphore(%arg13 : memref<!tpu.dma_semaphore, #tpu.memory_space<semaphore_mem>>) src(%dma_wait3A_1318 : memref<32768x1024xf32, #tpu.memory_space<hbm>>) dst(%arg11 : memref<32x1024xf32, #tpu.memory_space<vmem>>)
    %add3A_1319 = arith.constant 480 : i32
    %add3A_1320 = arith.addi %mul3A_2, %add3A_1319 : i32
    %multiple_of3A_1321 = tpu.assume_multiple %add3A_1320, 8 : i32
    %dma_start3A_1322 = arith.constant 0 : i32
    %dma_start3A_1323 = tpu.memref_slice %arg5[%multiple_of3A_1321, %dma_start3A_1322] : memref<16384x1024xf32, #tpu.memory_space<hbm>> -> memref<32x1024xf32, #tpu.memory_space<hbm>>
    %dma_start3A_1324 = arith.constant 0 : i32
    %dma_start3A_1325 = tpu.memref_slice %arg5[%multiple_of3A_1321, %dma_start3A_1324] : memref<16384x1024xf32, #tpu.memory_space<hbm>> -> memref<32x1024xf32, #tpu.memory_space<hbm>>
    tpu.enqueue_dma source(%arg11 : memref<32x1024xf32, #tpu.memory_space<vmem>>) target(%dma_start3A_1325 : memref<32x1024xf32, #tpu.memory_space<hbm>>) target_semaphore(%arg15 : memref<!tpu.dma_semaphore, #tpu.memory_space<semaphore_mem>>)
    %add3A_1326 = arith.constant 448 : i32
    %add3A_1327 = arith.addi %mul3A_2, %add3A_1326 : i32
    %multiple_of3A_1328 = tpu.assume_multiple %add3A_1327, 8 : i32
    %dma_wait3A_1329 = arith.constant 0 : i32
    %dma_wait3A_1330 = tpu.memref_slice %arg5[%multiple_of3A_1328, %dma_wait3A_1329] : memref<16384x1024xf32, #tpu.memory_space<hbm>> -> memref<32x1024xf32, #tpu.memory_space<hbm>>
    %dma_wait3A_1331 = arith.constant 0 : i32
    %dma_wait3A_1332 = tpu.memref_slice %arg5[%multiple_of3A_1328, %dma_wait3A_1331] : memref<16384x1024xf32, #tpu.memory_space<hbm>> -> memref<32x1024xf32, #tpu.memory_space<hbm>>
    tpu.wait_dma2 semaphore(%arg14 : memref<!tpu.dma_semaphore, #tpu.memory_space<semaphore_mem>>) src(%arg10 : memref<32x1024xf32, #tpu.memory_space<vmem>>) dst(%dma_wait3A_1332 : memref<32x1024xf32, #tpu.memory_space<hbm>>)
    %add3A_1333 = arith.constant 480 : i32
    %add3A_1334 = arith.addi %mul3A_2, %add3A_1333 : i32
    %multiple_of3A_1335 = tpu.assume_multiple %add3A_1334, 8 : i32
    %dma_wait3A_1336 = arith.constant 0 : i32
    %dma_wait3A_1337 = tpu.memref_slice %arg5[%multiple_of3A_1335, %dma_wait3A_1336] : memref<16384x1024xf32, #tpu.memory_space<hbm>> -> memref<32x1024xf32, #tpu.memory_space<hbm>>
    %dma_wait3A_1338 = arith.constant 0 : i32
    %dma_wait3A_1339 = tpu.memref_slice %arg5[%multiple_of3A_1335, %dma_wait3A_1338] : memref<16384x1024xf32, #tpu.memory_space<hbm>> -> memref<32x1024xf32, #tpu.memory_space<hbm>>
    tpu.wait_dma2 semaphore(%arg15 : memref<!tpu.dma_semaphore, #tpu.memory_space<semaphore_mem>>) src(%arg11 : memref<32x1024xf32, #tpu.memory_space<vmem>>) dst(%dma_wait3A_1339 : memref<32x1024xf32, #tpu.memory_space<hbm>>)
    %dma_start3A_1340 = arith.constant 16 : i32
    %dma_start3A_1341 = arith.constant 0 : i32
    %dma_start3A_1342 = tpu.memref_slice %arg9[%dma_start3A_1340, %dma_start3A_1341] : memref<32x32xi32, #tpu.memory_space<vmem>> -> memref<1x32xi32, #tpu.memory_space<vmem>>
    %dma_start3A_1343 = tpu.memref_squeeze %dma_start3A_1342 : memref<1x32xi32, #tpu.memory_space<vmem>> -> memref<32xi32, #tpu.memory_space<vmem>>
    %dma_start3A_1344 = arith.constant 0 : i32
    %dma_start3A_1345 = arith.constant 0 : i32
    %dma_start3A_1346 = tpu.memref_slice %arg2[%dma_start3A_1344, %dma_start3A_1345] : memref<32768x1024xf32, #tpu.memory_space<hbm>> -> memref<32768x1024xf32, #tpu.memory_space<hbm>>
    tpu.enqueue_indirect_dma source(%dma_start3A_1346 : memref<32768x1024xf32, #tpu.memory_space<hbm>>) target(%arg10 : memref<32x1024xf32, #tpu.memory_space<vmem>>) offsets(%dma_start3A_1343 : memref<32xi32, #tpu.memory_space<vmem>>) semaphore(%arg12 : memref<!tpu.dma_semaphore, #tpu.memory_space<semaphore_mem>>)
    %dma_start3A_1347 = arith.constant 17 : i32
    %dma_start3A_1348 = arith.constant 0 : i32
    %dma_start3A_1349 = tpu.memref_slice %arg9[%dma_start3A_1347, %dma_start3A_1348] : memref<32x32xi32, #tpu.memory_space<vmem>> -> memref<1x32xi32, #tpu.memory_space<vmem>>
    %dma_start3A_1350 = tpu.memref_squeeze %dma_start3A_1349 : memref<1x32xi32, #tpu.memory_space<vmem>> -> memref<32xi32, #tpu.memory_space<vmem>>
    %dma_start3A_1351 = arith.constant 0 : i32
    %dma_start3A_1352 = arith.constant 0 : i32
    %dma_start3A_1353 = tpu.memref_slice %arg2[%dma_start3A_1351, %dma_start3A_1352] : memref<32768x1024xf32, #tpu.memory_space<hbm>> -> memref<32768x1024xf32, #tpu.memory_space<hbm>>
    tpu.enqueue_indirect_dma source(%dma_start3A_1353 : memref<32768x1024xf32, #tpu.memory_space<hbm>>) target(%arg11 : memref<32x1024xf32, #tpu.memory_space<vmem>>) offsets(%dma_start3A_1350 : memref<32xi32, #tpu.memory_space<vmem>>) semaphore(%arg13 : memref<!tpu.dma_semaphore, #tpu.memory_space<semaphore_mem>>)
    %scan3A_1354 = arith.constant 0 : i32
    %scan3A_1355 = arith.constant 0 : i32
    %scan3A_1356 = arith.constant 7 : i32
    %scan3A_1357 = arith.addi %scan3A_1355, %scan3A_1356 : i32
    %scan3A_1358 = arith.constant 1 : i32
    scf.for %scan3A_1402 = %scan3A_1355 to %scan3A_1357 step %scan3A_1358  : i32 {
      %mul3A_1403 = arith.constant 2 : i32
      %mul3A_1404 = arith.muli %scan3A_1402, %mul3A_1403 : i32
      %add3A_1405 = arith.constant 0 : i32
      %add3A_1406 = arith.addi %mul3A_1404, %add3A_1405 : i32
      %add3A_1407 = arith.constant 16 : i32
      %add3A_1408 = arith.addi %add3A_1407, %add3A_1406 : i32
      %dma_wait3A_1409 = arith.constant 0 : i32
      %dma_wait3A_1410 = tpu.memref_slice %arg9[%add3A_1408, %dma_wait3A_1409] : memref<32x32xi32, #tpu.memory_space<vmem>> -> memref<1x32xi32, #tpu.memory_space<vmem>>
      %dma_wait3A_1411 = tpu.memref_squeeze %dma_wait3A_1410 : memref<1x32xi32, #tpu.memory_space<vmem>> -> memref<32xi32, #tpu.memory_space<vmem>>
      %dma_wait3A_1412 = arith.constant 0 : i32
      %dma_wait3A_1413 = arith.constant 0 : i32
      %dma_wait3A_1414 = tpu.memref_slice %arg2[%dma_wait3A_1412, %dma_wait3A_1413] : memref<32768x1024xf32, #tpu.memory_space<hbm>> -> memref<32768x1024xf32, #tpu.memory_space<hbm>>
      tpu.wait_indirect_dma semaphore(%arg12 : memref<!tpu.dma_semaphore, #tpu.memory_space<semaphore_mem>>) src(%dma_wait3A_1414 : memref<32768x1024xf32, #tpu.memory_space<hbm>>) dst(%arg10 : memref<32x1024xf32, #tpu.memory_space<vmem>>)
      %mul3A_1415 = arith.constant 32 : i32
      %mul3A_1416 = arith.muli %add3A_1406, %mul3A_1415 : i32
      %add3A_1417 = arith.addi %mul3A_2, %mul3A_1416 : i32
      %multiple_of3A_1418 = tpu.assume_multiple %add3A_1417, 8 : i32
      %dma_start3A_1419 = arith.constant 0 : i32
      %dma_start3A_1420 = tpu.memref_slice %arg6[%multiple_of3A_1418, %dma_start3A_1419] : memref<16384x1024xf32, #tpu.memory_space<hbm>> -> memref<32x1024xf32, #tpu.memory_space<hbm>>
      %dma_start3A_1421 = arith.constant 0 : i32
      %dma_start3A_1422 = tpu.memref_slice %arg6[%multiple_of3A_1418, %dma_start3A_1421] : memref<16384x1024xf32, #tpu.memory_space<hbm>> -> memref<32x1024xf32, #tpu.memory_space<hbm>>
      tpu.enqueue_dma source(%arg10 : memref<32x1024xf32, #tpu.memory_space<vmem>>) target(%dma_start3A_1422 : memref<32x1024xf32, #tpu.memory_space<hbm>>) target_semaphore(%arg14 : memref<!tpu.dma_semaphore, #tpu.memory_space<semaphore_mem>>)
      %mul3A_1423 = arith.constant 32 : i32
      %mul3A_1424 = arith.muli %add3A_1406, %mul3A_1423 : i32
      %add3A_1425 = arith.addi %mul3A_2, %mul3A_1424 : i32
      %multiple_of3A_1426 = tpu.assume_multiple %add3A_1425, 8 : i32
      %dma_wait3A_1427 = arith.constant 0 : i32
      %dma_wait3A_1428 = tpu.memref_slice %arg6[%multiple_of3A_1426, %dma_wait3A_1427] : memref<16384x1024xf32, #tpu.memory_space<hbm>> -> memref<32x1024xf32, #tpu.memory_space<hbm>>
      %dma_wait3A_1429 = arith.constant 0 : i32
      %dma_wait3A_1430 = tpu.memref_slice %arg6[%multiple_of3A_1426, %dma_wait3A_1429] : memref<16384x1024xf32, #tpu.memory_space<hbm>> -> memref<32x1024xf32, #tpu.memory_space<hbm>>
      tpu.wait_dma2 semaphore(%arg14 : memref<!tpu.dma_semaphore, #tpu.memory_space<semaphore_mem>>) src(%arg10 : memref<32x1024xf32, #tpu.memory_space<vmem>>) dst(%dma_wait3A_1430 : memref<32x1024xf32, #tpu.memory_space<hbm>>)
      %add3A_1431 = arith.constant 2 : i32
      %add3A_1432 = arith.addi %add3A_1406, %add3A_1431 : i32
      %add3A_1433 = arith.constant 16 : i32
      %add3A_1434 = arith.addi %add3A_1433, %add3A_1432 : i32
      %dma_start3A_1435 = arith.constant 0 : i32
      %dma_start3A_1436 = tpu.memref_slice %arg9[%add3A_1434, %dma_start3A_1435] : memref<32x32xi32, #tpu.memory_space<vmem>> -> memref<1x32xi32, #tpu.memory_space<vmem>>
      %dma_start3A_1437 = tpu.memref_squeeze %dma_start3A_1436 : memref<1x32xi32, #tpu.memory_space<vmem>> -> memref<32xi32, #tpu.memory_space<vmem>>
      %dma_start3A_1438 = arith.constant 0 : i32
      %dma_start3A_1439 = arith.constant 0 : i32
      %dma_start3A_1440 = tpu.memref_slice %arg2[%dma_start3A_1438, %dma_start3A_1439] : memref<32768x1024xf32, #tpu.memory_space<hbm>> -> memref<32768x1024xf32, #tpu.memory_space<hbm>>
      tpu.enqueue_indirect_dma source(%dma_start3A_1440 : memref<32768x1024xf32, #tpu.memory_space<hbm>>) target(%arg10 : memref<32x1024xf32, #tpu.memory_space<vmem>>) offsets(%dma_start3A_1437 : memref<32xi32, #tpu.memory_space<vmem>>) semaphore(%arg12 : memref<!tpu.dma_semaphore, #tpu.memory_space<semaphore_mem>>)
      %mul3A_1441 = arith.constant 2 : i32
      %mul3A_1442 = arith.muli %scan3A_1402, %mul3A_1441 : i32
      %add3A_1443 = arith.constant 1 : i32
      %add3A_1444 = arith.addi %mul3A_1442, %add3A_1443 : i32
      %add3A_1445 = arith.constant 16 : i32
      %add3A_1446 = arith.addi %add3A_1445, %add3A_1444 : i32
      %dma_wait3A_1447 = arith.constant 0 : i32
      %dma_wait3A_1448 = tpu.memref_slice %arg9[%add3A_1446, %dma_wait3A_1447] : memref<32x32xi32, #tpu.memory_space<vmem>> -> memref<1x32xi32, #tpu.memory_space<vmem>>
      %dma_wait3A_1449 = tpu.memref_squeeze %dma_wait3A_1448 : memref<1x32xi32, #tpu.memory_space<vmem>> -> memref<32xi32, #tpu.memory_space<vmem>>
      %dma_wait3A_1450 = arith.constant 0 : i32
      %dma_wait3A_1451 = arith.constant 0 : i32
      %dma_wait3A_1452 = tpu.memref_slice %arg2[%dma_wait3A_1450, %dma_wait3A_1451] : memref<32768x1024xf32, #tpu.memory_space<hbm>> -> memref<32768x1024xf32, #tpu.memory_space<hbm>>
      tpu.wait_indirect_dma semaphore(%arg13 : memref<!tpu.dma_semaphore, #tpu.memory_space<semaphore_mem>>) src(%dma_wait3A_1452 : memref<32768x1024xf32, #tpu.memory_space<hbm>>) dst(%arg11 : memref<32x1024xf32, #tpu.memory_space<vmem>>)
      %mul3A_1453 = arith.constant 32 : i32
      %mul3A_1454 = arith.muli %add3A_1444, %mul3A_1453 : i32
      %add3A_1455 = arith.addi %mul3A_2, %mul3A_1454 : i32
      %multiple_of3A_1456 = tpu.assume_multiple %add3A_1455, 8 : i32
      %dma_start3A_1457 = arith.constant 0 : i32
      %dma_start3A_1458 = tpu.memref_slice %arg6[%multiple_of3A_1456, %dma_start3A_1457] : memref<16384x1024xf32, #tpu.memory_space<hbm>> -> memref<32x1024xf32, #tpu.memory_space<hbm>>
      %dma_start3A_1459 = arith.constant 0 : i32
      %dma_start3A_1460 = tpu.memref_slice %arg6[%multiple_of3A_1456, %dma_start3A_1459] : memref<16384x1024xf32, #tpu.memory_space<hbm>> -> memref<32x1024xf32, #tpu.memory_space<hbm>>
      tpu.enqueue_dma source(%arg11 : memref<32x1024xf32, #tpu.memory_space<vmem>>) target(%dma_start3A_1460 : memref<32x1024xf32, #tpu.memory_space<hbm>>) target_semaphore(%arg15 : memref<!tpu.dma_semaphore, #tpu.memory_space<semaphore_mem>>)
      %mul3A_1461 = arith.constant 32 : i32
      %mul3A_1462 = arith.muli %add3A_1444, %mul3A_1461 : i32
      %add3A_1463 = arith.addi %mul3A_2, %mul3A_1462 : i32
      %multiple_of3A_1464 = tpu.assume_multiple %add3A_1463, 8 : i32
      %dma_wait3A_1465 = arith.constant 0 : i32
      %dma_wait3A_1466 = tpu.memref_slice %arg6[%multiple_of3A_1464, %dma_wait3A_1465] : memref<16384x1024xf32, #tpu.memory_space<hbm>> -> memref<32x1024xf32, #tpu.memory_space<hbm>>
      %dma_wait3A_1467 = arith.constant 0 : i32
      %dma_wait3A_1468 = tpu.memref_slice %arg6[%multiple_of3A_1464, %dma_wait3A_1467] : memref<16384x1024xf32, #tpu.memory_space<hbm>> -> memref<32x1024xf32, #tpu.memory_space<hbm>>
      tpu.wait_dma2 semaphore(%arg15 : memref<!tpu.dma_semaphore, #tpu.memory_space<semaphore_mem>>) src(%arg11 : memref<32x1024xf32, #tpu.memory_space<vmem>>) dst(%dma_wait3A_1468 : memref<32x1024xf32, #tpu.memory_space<hbm>>)
      %add3A_1469 = arith.constant 2 : i32
      %add3A_1470 = arith.addi %add3A_1444, %add3A_1469 : i32
      %add3A_1471 = arith.constant 16 : i32
      %add3A_1472 = arith.addi %add3A_1471, %add3A_1470 : i32
      %dma_start3A_1473 = arith.constant 0 : i32
      %dma_start3A_1474 = tpu.memref_slice %arg9[%add3A_1472, %dma_start3A_1473] : memref<32x32xi32, #tpu.memory_space<vmem>> -> memref<1x32xi32, #tpu.memory_space<vmem>>
      %dma_start3A_1475 = tpu.memref_squeeze %dma_start3A_1474 : memref<1x32xi32, #tpu.memory_space<vmem>> -> memref<32xi32, #tpu.memory_space<vmem>>
      %dma_start3A_1476 = arith.constant 0 : i32
      %dma_start3A_1477 = arith.constant 0 : i32
      %dma_start3A_1478 = tpu.memref_slice %arg2[%dma_start3A_1476, %dma_start3A_1477] : memref<32768x1024xf32, #tpu.memory_space<hbm>> -> memref<32768x1024xf32, #tpu.memory_space<hbm>>
      tpu.enqueue_indirect_dma source(%dma_start3A_1478 : memref<32768x1024xf32, #tpu.memory_space<hbm>>) target(%arg11 : memref<32x1024xf32, #tpu.memory_space<vmem>>) offsets(%dma_start3A_1475 : memref<32xi32, #tpu.memory_space<vmem>>) semaphore(%arg13 : memref<!tpu.dma_semaphore, #tpu.memory_space<semaphore_mem>>)
    }
    %scan3A_1359 = arith.constant 7 : i32
    %dma_wait3A_1360 = arith.constant 30 : i32
    %dma_wait3A_1361 = arith.constant 0 : i32
    %dma_wait3A_1362 = tpu.memref_slice %arg9[%dma_wait3A_1360, %dma_wait3A_1361] : memref<32x32xi32, #tpu.memory_space<vmem>> -> memref<1x32xi32, #tpu.memory_space<vmem>>
    %dma_wait3A_1363 = tpu.memref_squeeze %dma_wait3A_1362 : memref<1x32xi32, #tpu.memory_space<vmem>> -> memref<32xi32, #tpu.memory_space<vmem>>
    %dma_wait3A_1364 = arith.constant 0 : i32
    %dma_wait3A_1365 = arith.constant 0 : i32
    %dma_wait3A_1366 = tpu.memref_slice %arg2[%dma_wait3A_1364, %dma_wait3A_1365] : memref<32768x1024xf32, #tpu.memory_space<hbm>> -> memref<32768x1024xf32, #tpu.memory_space<hbm>>
    tpu.wait_indirect_dma semaphore(%arg12 : memref<!tpu.dma_semaphore, #tpu.memory_space<semaphore_mem>>) src(%dma_wait3A_1366 : memref<32768x1024xf32, #tpu.memory_space<hbm>>) dst(%arg10 : memref<32x1024xf32, #tpu.memory_space<vmem>>)
    %add3A_1367 = arith.constant 448 : i32
    %add3A_1368 = arith.addi %mul3A_2, %add3A_1367 : i32
    %multiple_of3A_1369 = tpu.assume_multiple %add3A_1368, 8 : i32
    %dma_start3A_1370 = arith.constant 0 : i32
    %dma_start3A_1371 = tpu.memref_slice %arg6[%multiple_of3A_1369, %dma_start3A_1370] : memref<16384x1024xf32, #tpu.memory_space<hbm>> -> memref<32x1024xf32, #tpu.memory_space<hbm>>
    %dma_start3A_1372 = arith.constant 0 : i32
    %dma_start3A_1373 = tpu.memref_slice %arg6[%multiple_of3A_1369, %dma_start3A_1372] : memref<16384x1024xf32, #tpu.memory_space<hbm>> -> memref<32x1024xf32, #tpu.memory_space<hbm>>
    tpu.enqueue_dma source(%arg10 : memref<32x1024xf32, #tpu.memory_space<vmem>>) target(%dma_start3A_1373 : memref<32x1024xf32, #tpu.memory_space<hbm>>) target_semaphore(%arg14 : memref<!tpu.dma_semaphore, #tpu.memory_space<semaphore_mem>>)
    %dma_wait3A_1374 = arith.constant 31 : i32
    %dma_wait3A_1375 = arith.constant 0 : i32
    %dma_wait3A_1376 = tpu.memref_slice %arg9[%dma_wait3A_1374, %dma_wait3A_1375] : memref<32x32xi32, #tpu.memory_space<vmem>> -> memref<1x32xi32, #tpu.memory_space<vmem>>
    %dma_wait3A_1377 = tpu.memref_squeeze %dma_wait3A_1376 : memref<1x32xi32, #tpu.memory_space<vmem>> -> memref<32xi32, #tpu.memory_space<vmem>>
    %dma_wait3A_1378 = arith.constant 0 : i32
    %dma_wait3A_1379 = arith.constant 0 : i32
    %dma_wait3A_1380 = tpu.memref_slice %arg2[%dma_wait3A_1378, %dma_wait3A_1379] : memref<32768x1024xf32, #tpu.memory_space<hbm>> -> memref<32768x1024xf32, #tpu.memory_space<hbm>>
    tpu.wait_indirect_dma semaphore(%arg13 : memref<!tpu.dma_semaphore, #tpu.memory_space<semaphore_mem>>) src(%dma_wait3A_1380 : memref<32768x1024xf32, #tpu.memory_space<hbm>>) dst(%arg11 : memref<32x1024xf32, #tpu.memory_space<vmem>>)
    %add3A_1381 = arith.constant 480 : i32
    %add3A_1382 = arith.addi %mul3A_2, %add3A_1381 : i32
    %multiple_of3A_1383 = tpu.assume_multiple %add3A_1382, 8 : i32
    %dma_start3A_1384 = arith.constant 0 : i32
    %dma_start3A_1385 = tpu.memref_slice %arg6[%multiple_of3A_1383, %dma_start3A_1384] : memref<16384x1024xf32, #tpu.memory_space<hbm>> -> memref<32x1024xf32, #tpu.memory_space<hbm>>
    %dma_start3A_1386 = arith.constant 0 : i32
    %dma_start3A_1387 = tpu.memref_slice %arg6[%multiple_of3A_1383, %dma_start3A_1386] : memref<16384x1024xf32, #tpu.memory_space<hbm>> -> memref<32x1024xf32, #tpu.memory_space<hbm>>
    tpu.enqueue_dma source(%arg11 : memref<32x1024xf32, #tpu.memory_space<vmem>>) target(%dma_start3A_1387 : memref<32x1024xf32, #tpu.memory_space<hbm>>) target_semaphore(%arg15 : memref<!tpu.dma_semaphore, #tpu.memory_space<semaphore_mem>>)
    %add3A_1388 = arith.constant 448 : i32
    %add3A_1389 = arith.addi %mul3A_2, %add3A_1388 : i32
    %multiple_of3A_1390 = tpu.assume_multiple %add3A_1389, 8 : i32
    %dma_wait3A_1391 = arith.constant 0 : i32
    %dma_wait3A_1392 = tpu.memref_slice %arg6[%multiple_of3A_1390, %dma_wait3A_1391] : memref<16384x1024xf32, #tpu.memory_space<hbm>> -> memref<32x1024xf32, #tpu.memory_space<hbm>>
    %dma_wait3A_1393 = arith.constant 0 : i32
    %dma_wait3A_1394 = tpu.memref_slice %arg6[%multiple_of3A_1390, %dma_wait3A_1393] : memref<16384x1024xf32, #tpu.memory_space<hbm>> -> memref<32x1024xf32, #tpu.memory_space<hbm>>
    tpu.wait_dma2 semaphore(%arg14 : memref<!tpu.dma_semaphore, #tpu.memory_space<semaphore_mem>>) src(%arg10 : memref<32x1024xf32, #tpu.memory_space<vmem>>) dst(%dma_wait3A_1394 : memref<32x1024xf32, #tpu.memory_space<hbm>>)
    %add3A_1395 = arith.constant 480 : i32
    %add3A_1396 = arith.addi %mul3A_2, %add3A_1395 : i32
    %multiple_of3A_1397 = tpu.assume_multiple %add3A_1396, 8 : i32
    %dma_wait3A_1398 = arith.constant 0 : i32
    %dma_wait3A_1399 = tpu.memref_slice %arg6[%multiple_of3A_1397, %dma_wait3A_1398] : memref<16384x1024xf32, #tpu.memory_space<hbm>> -> memref<32x1024xf32, #tpu.memory_space<hbm>>
    %dma_wait3A_1400 = arith.constant 0 : i32
    %dma_wait3A_1401 = tpu.memref_slice %arg6[%multiple_of3A_1397, %dma_wait3A_1400] : memref<16384x1024xf32, #tpu.memory_space<hbm>> -> memref<32x1024xf32, #tpu.memory_space<hbm>>
    tpu.wait_dma2 semaphore(%arg15 : memref<!tpu.dma_semaphore, #tpu.memory_space<semaphore_mem>>) src(%arg11 : memref<32x1024xf32, #tpu.memory_space<vmem>>) dst(%dma_wait3A_1401 : memref<32x1024xf32, #tpu.memory_space<hbm>>)
    return
  }
}

</mosaic_0001>

<sc_bundles>
// kernel: kernel.3.cloned.1.call-start
scs
__scs_entry_jumppad:
0x0: {  	(pc) =	sbr.rel $0x88, $3  }
0x1: {  	(tag) =	ssettag $0x0;
	lr =	simm.s32 $0x1  }
0x2: {  	[smem:$0x3F9E] =	sst lr;
	_ =	strace $0xD0000000  }
0x3: {  	_ = 	snop  }
0x4: {  	_ = 	snop  }
0x5: {  	_ = 	snop  }
0x6: {  	_ = 	snop  }
0x7: {  	_ = 	snop  }
__scs_overlays_trampoline_lowered:
0x8: {  	[smem:$0x3FAD] =	sst s0  }
0x9: {  	[smem:$0x3FAE] =	sst s1  }
0xa: {  	[smem:$0x3FAF] =	sst s2  }
0xb: {  	[smem:$0x3FB0] =	sst s3  }
0xc: {  	[smem:$0x3FB1] =	sst s4  }
0xd: {  	[smem:$0x3FB2] =	sst s5  }
0xe: {  	[smem:$0x3FB3] =	sst s6  }
0xf: {  	[smem:$0x3FB4] =	sst s7  }
0x10: {  	[smem:$0x3FB5] =	sst s8  }
0x11: {  	[smem:$0x3FB6] =	sst s9;
	s0 =	simm.s32 @!p0 $0x0  }
0x12: {  	s1 =	sld [smem:$0x3F9C];
	s0 =	simm.s32 @p0 $0x1  }
0x13: {  	[smem:$0x3FB7] =	sst s0;
	s0 =	simm.s32 @!p1 $0x0  }
0x14: {  	s2 =	sld [smem:$0x3F9B];
	s0 =	simm.s32 @p1 $0x1  }
0x15: {  	[smem:$0x3FB8] =	sst s0;
	s0 =	simm.s32 @!p2 $0x0  }
0x16: {  	s3 =	sld [smem:$0x3FDB];
	s0 =	simm.s32 @p2 $0x1  }
0x17: {  	s4 =	simm.s32 $0x1BF5;
	[smem:$0x3FBA] =	sst s0  }
0x18: {  	s0 =	sld [smem:$0x3F9D];
	_ =	swait.ge [sflag:s4], $0x0  }
0x19: {  	s7 =	sld [smem:$0x3F9E]  }
0x1a: {  	s8 =	sadd.s32 $0xFFFFE003, lr  }
0x1b: {  	s9 =	sadd.s32 $0xFFFFFEF7, lr;
	s5 =	simm.s32 $0xFFFFFFFF;
	p2 =	slt.u32 s8, $0xFFFFF086  }
0x1c: {  	p1 =	slt.u32 s9, $0xF7A;
	s5 =	simm.s32 @!p2 $0x0  }
0x1d: {  	s5 =	simm.s32 @p1 $0x1;
	p0 =	seq.s32 s7, s2  }
0x1e: {  	s7 =	smul.u32 @!p0 $0xF7A, s2;
	p2 =	seq.s32 @!p0 s5, $0x0  }
0x1f: {  	s9 =	smul.u32 $0xF7A, s1;
	s8 =	simm.s32 @!p0 $0x1BF5;
	p2 =	por !p2, p0  }
0x20: {  	[sflag:s8] =	ssyncset.s32 @!p0 $0xFFFFF086;
	s6 =	sadd.s32 @!p0 s3, s7;
	s7 =	simm.s32 @!p0 $0x108  }
0x21: {  	s3 =	sadd.s32 s3, s9;
	s6 =	sadd.s32 @!p0 $0x88, s6;
	s7 =	simm.s32 @p2 $0x1082  }
0x22: {  	[simem:s7], [sflag:s8] =	dma.local @!p0 [hbm:s6], $0xF7A  }
0x23: {  	s9 =	sor.u32 $0xD0000000, s2;
	s6 =	simm.s32 $0x108;
	_ =	swait.ge @!p0 [sflag:s8], $0x0  }
0x24: {  	s3 =	sadd.s32 $0x88, s3;
	s6 =	simm.s32 @!p1 $0x1082;
	[sflag:s4] =	ssyncset.s32 $0xFFFFF086  }
0x25: {  	[simem:s6], [sflag:s4] =	dma.local [hbm:s3], $0xF7A  }
0x26: {  	[smem:$0x3F9E] =	sst s1;
	(tag) =	ssettag s2;
	_ =	strace s9  }
0x27: {  	s1 =	sld [smem:$0x3FAE]  }
0x28: {  	s2 =	sld [smem:$0x3FAF]  }
0x29: {  	s4 =	sld [smem:$0x3FB1]  }
0x2a: {  	p0 =	seq.s32 s5, $0x0;
	s5 =	sld [smem:$0x3FB2]  }
0x2b: {  	s6 =	sld [smem:$0x3FB3]  }
0x2c: {  	s7 =	sld [smem:$0x3FB4]  }
0x2d: {  	s3 =	simm.s32 $0x108;
	s8 =	sld [smem:$0x3FB5]  }
0x2e: {  	s3 =	simm.s32 @!p0 $0x1082;
	s9 =	sld [smem:$0x3FB6]  }
0x2f: {  	lr =	sadd.s32 s0, s3;
	s0 =	sld [smem:$0x3FAD]  }
0x30: {  	s3 =	sld [smem:$0x3FB0]  }
0x31: {  	[smem:$0x3FB9] =	sst s10  }
0x32: {  	s10 =	sld [smem:$0x3FB7];
	_ =	sdelay $0x3  }
0x33: {  	p0 =	seq.s32 s10, $0x1;
	s10 =	sld [smem:$0x3FB9];
	_ =	sdelay $0x3  }
0x34: {  	[smem:$0x3FB9] =	sst s10  }
0x35: {  	s10 =	sld [smem:$0x3FB8];
	_ =	sdelay $0x3  }
0x36: {  	p1 =	seq.s32 s10, $0x1;
	s10 =	sld [smem:$0x3FB9];
	_ =	sdelay $0x3  }
0x37: {  	[smem:$0x3FB9] =	sst s10  }
0x38: {  	s10 =	sld [smem:$0x3FBA]  }
0x39: {  	_ = 	snop;
	(pc) =	sbr.ind lr, $3  }
0x3a: {  	_ = 	snop  }
0x3b: {  	_ = 	snop  }
0x3c: {  	p2 =	seq.s32 s10, $0x1;
	s10 =	sld [smem:$0x3FB9]  }
0x3d: {  	_ =	shalt  }
0x3e: {  	_ =	shalt  }
0x3f: {  	_ =	shalt  }
0x40: {  	_ =	shalt  }
0x41: {  	_ =	shalt  }
0x42: {  	_ =	shalt  }
0x43: {  	_ =	shalt  }
0x44: {  	_ =	shalt  }
0x45: {  	_ =	shalt  }
0x46: {  	_ =	shalt  }
0x47: {  	_ =	shalt  }
0x48: {  	_ =	shalt  }
0x49: {  	_ =	shalt  }
0x4a: {  	_ =	shalt  }
0x4b: {  	_ =	shalt  }
0x4c: {  	_ =	shalt  }
0x4d: {  	_ =	shalt  }
0x4e: {  	_ =	shalt  }
0x4f: {  	_ =	shalt  }
0x50: {  	_ =	shalt  }
0x51: {  	_ =	shalt  }
0x52: {  	_ =	shalt  }
0x53: {  	_ =	shalt  }
0x54: {  	_ =	shalt  }
0x55: {  	_ =	shalt  }
0x56: {  	_ =	shalt  }
0x57: {  	_ =	shalt  }
0x58: {  	_ =	shalt  }
0x59: {  	_ =	shalt  }
0x5a: {  	_ =	shalt  }
0x5b: {  	_ =	shalt  }
0x5c: {  	_ =	shalt  }
0x5d: {  	_ =	shalt  }
0x5e: {  	_ =	shalt  }
0x5f: {  	_ =	shalt  }
0x60: {  	_ =	shalt  }
0x61: {  	_ =	shalt  }
0x62: {  	_ =	shalt  }
0x63: {  	_ =	shalt  }
0x64: {  	_ =	shalt  }
0x65: {  	_ =	shalt  }
0x66: {  	_ =	shalt  }
0x67: {  	_ =	shalt  }
0x68: {  	_ =	shalt  }
0x69: {  	_ =	shalt  }
0x6a: {  	_ =	shalt  }
0x6b: {  	_ =	shalt  }
0x6c: {  	_ =	shalt  }
0x6d: {  	_ =	shalt  }
0x6e: {  	_ =	shalt  }
0x6f: {  	_ =	shalt  }
0x70: {  	_ =	shalt  }
0x71: {  	_ =	shalt  }
0x72: {  	_ =	shalt  }
0x73: {  	_ =	shalt  }
0x74: {  	_ =	shalt  }
0x75: {  	_ =	shalt  }
0x76: {  	_ =	shalt  }
0x77: {  	_ =	shalt  }
0x78: {  	_ =	shalt  }
0x79: {  	_ =	shalt  }
0x7a: {  	_ =	shalt  }
0x7b: {  	_ =	shalt  }
0x7c: {  	_ =	shalt  }
0x7d: {  	_ =	shalt  }
0x7e: {  	_ =	shalt  }
0x7f: {  	_ =	shalt  }
0x80: {  	_ =	shalt  }
0x81: {  	_ =	shalt  }
0x82: {  	_ =	shalt  }
0x83: {  	_ =	shalt  }
0x84: {  	_ =	shalt  }
0x85: {  	_ =	shalt  }
0x86: {  	_ =	shalt  }
0x87: {  	_ =	shalt  }
.Lfunc_end0:
.L_simem_size_0:
called_computation_lowered:
.L_overlay_start_0:
0x88: {  	s2 =	sld [smem:$0x3FD9]  }
0x89: {  	s3 =	sld [smem:$0x3FFE];
	_ =	sdelay $0x1  }
0x8a: {  	s1 =	srdreg.scid  }
0x8b: {  	s0 =	sand.u32 $0x1, s1  }
0x8c: {  	s14 =	sshll.u32 s0, $0xA;
	s2 =	sadd.s32 s3, s2  }
0x8d: {  	s2 =	sadd.s32 s2, s14  }
0x8e: {  	[smem:$0x3FC5] =	sst s2  }
0x8f: {  	_ = 	snop  }
0x90: {  	s2 =	sld [smem:$0x3FD0];
	_ =	sdelay $0x2  }
0x91: {  	s4 =	simm.s32 $0xA;
	s5 =	simm.s32 $0x10;
	s15 =	sld [smem:$0x3FC9]  }
0x92: {  	[smem:s5], [sflag:s4] =	dma.local [hbm:s2], $0x1  }
0x93: {  	_ =	swait.eq [sflag:s4], $0x1  }
0x94: {  	[sflag:s4] =	ssyncset.done $0x0  }
0x95: {  	s16 =	sld [smem:$0x10];
	[sflag:s4] =	ssyncadd.s32 $0xFFFFFFFF  }
0x96: {  	s17 =	sld [smem:$0x11];
	(tm) =	ssettm $0x1  }
0x97: {  	s18 =	sld [smem:$0x3FFB];
	_ =	sdelay $0x3  }
0x98: {  	_ =	strace s18  }
0x99: {  	s5 =	sld [smem:$0x3FFC];
	_ =	sdelay $0x3  }
0x9a: {  	_ =	strace s5  }
0x9b: {  	s5 =	sld [smem:$0x3FFD];
	_ =	sdelay $0x3  }
0x9c: {  	_ =	strace s5  }
0x9d: {  	_ =	strace $0x8FFFFFFF  }
0x9e: {  	s19 =	sld [smem:$0x3FDB];
	_ =	sdelay $0x1  }
0x9f: {  	s6 =	simm.s32 $_scs_section_size  }
0xa0: {  	s7 =	simm.s32 $_size__tile_overlayer_lowered;
	s8 =	simm.s32 $_tile_overlayer_lowered  }
0xa1: {  	s22 =	simm.s32 $0x1BFF;
	s21 =	sshll.u32 s8, $0x1;
	s5 =	sadd.s32 s6, s19  }
0xa2: {  	s9 =	simm.s32 $0x0;
	s20 =	sshll.u32 s7, $0x1;
	s7 =	sadd.s32 s21, s5  }
0xa3: {  	[timem:s9], [sflag:s22] =	dma.local [hbm:s7], s20  }
0xa4: {  	_ =	swait.ge [sflag:s22], s20  }
0xa5: {  	s6 =	ssub.s32 $0x0, s20;
	[sflag:s22] =	ssyncset.done $0x0  }
0xa6: {  	[sflag:s22] =	ssyncadd.s32 s6;
	_ =	sdelay $0x1  }
0xa7: {  	s23 =	simm.s32 $0x1B8B  }
0xa8: {  	_ =	swait.ge [sflag:s23], $0x1  }
0xa9: {  	[sflag:s23] =	ssyncset.done $0x0  }
0xaa: {  	s25 =	simm.s32 $0x1B8E;
	s24 =	sld [smem:$0x3FFE];
	[sflag:s23] =	ssyncadd.s32 $0xFFFFFFFF  }
0xab: {  	s26 =	simm.s32 $execute0_lowered;
	[smem:$0x3FD2] =	sst s25  }
0xac: {  	s7 =	sshll.u32 s26, $0x1;
	_ =	strace $0x80000046;
	[dreg:$0x1] =	wrdreg $0xFFFFFFFF  }
0xad: {  	s28 =	simm.s32 $_size_execute0_lowered;
	s5 =	sadd.s32 s5, s7;
	[dreg:$0x0] =	wrdreg $0x0  }
0xae: {  	s7 =	sshll.u32 s28, $0x1;
	[dreg:$0x2] =	wrdreg s5  }
0xaf: {  	[dreg:$0x3] =	wrdreg s7  }
0xb0: {  	[dreg:$0x4] =	wrdreg $0xC0  }
0xb1: {  	_ =	task [dreg:s9], $0x5FFFF  }
0xb2: {  	[dreg:$0x1] =	wrdreg $0xFFFFFFFF  }
0xb3: {  	[dreg:$0x0] =	wrdreg $0x60  }
0xb4: {  	[dreg:$0x2] =	wrdreg s15  }
0xb5: {  	[dreg:$0x3] =	wrdreg s24  }
0xb6: {  	[dreg:$0x4] =	wrdreg s16  }
0xb7: {  	[dreg:$0x5] =	wrdreg s17  }
0xb8: {  	[dreg:$0x6] =	wrdreg $0x9  }
0xb9: {  	_ =	task.clear_ibuf [dreg:s9], $0x7FFFF;
	_ =	strace $0x90000046  }
0xba: {  	s29 =	simm.s32 $0x9;
	_ =	strace $0x80000048  }
0xbb: {  	_ =	swait.ge [sflag:s29], $0x1  }
0xbc: {  	[sflag:s29] =	ssyncadd.s32 $0xFFFFFFFF  }
0xbd: {  	_ =	strace $0x90000048  }
0xbe: {  	_ =	sfence  }
0xbf: {  	s30 =	sld [smem:$0x0];
	_ =	sdelay $0x2  }
0xc0: {  	s31 =	sshll.u32 s1, $0xD;
	s1 =	sshrl.u32 s1, $0x2  }
0xc1: {  	s3 =	sand.u32 $0x4000, s31;
	s1 =	sadd.s32 s1, s30  }
0xc2: {  	s0 =	sor.u32 s3, s0;
	s1 =	sshll.u32 s1, $0x11  }
0xc3: {  	s0 =	sor.u32 s1, s0  }
0xc4: {  	s0 =	sadd.s32 $0x8F2B, s0  }
0xc5: {  	[sflag:s0] =	ssyncadd.remote.s32 $0x1  }
0xc6: {  	_ =	sfence.sel $0xFFFF  }
0xc7: {  	[dreg:$0x0] =	wrdreg $0xFFFFFFFF;
	(pc) =	sbr.abs _section_cstart, $3  }
0xc8: {  	[dreg:$0x1] =	wrdreg $0xFFFFFFFF  }
0xc9: {  	_ =	task.clear_ibuf [dreg:s9], $0x2FFFF;
	_ =	strace $0x9FFFFFFF  }
0xca: {  	(tm) =	ssettm $0x7FFFFFFF  }
0xcb: {  	_ =	shalt  }
tec
execute0_lowered:
.L_overlay_start_1:
0x0: {  	(tag) =	ssettag $0x1  }
0x1: {  	s1 =	rddreg [dreg:$0x0]  }
0x2: {  	s0 =	rddreg [dreg:$0x1]  }
0x3: {  	s2 =	srdreg.scid;
	s4 =	rddreg [dreg:$0x2]  }
0x4: {  	s12 =	stileid.u32;
	s5 =	rddreg [dreg:$0x3]  }
0x5: {  	s3 =	simm.s32 $0x0;
	s2 =	sand.u32 $0x1, s2;
	s6 =	sshll.u32 s12, $0xA  }
0x6: {  	[smem:$0x7FF] =	sst s3;
	s12 =	sshll.u32 s12, $0x11;
	s7 =	sshll.u32 s2, $0x9  }
0x7: {  	s8 =	ssub.s32 $0x2, s2;
	_ =	strace $0x80000047;
	s25 =	sadd.s32 s12, s4  }
0x8: {  	s2 =	sshll.u32 s2, $0x10;
	s6 =	sor.u32 s7, s6;
	s9 =	sshrl.u32 s8, $0x1  }
0x9: {  	s12 =	sadd.s32 s12, s5;
	s7 =	sshrl.u32 s6, $0x3;
	s20 =	ssub.s32 s8, s9  }
0xa: {  	s8 =	sor.u32 $0x20, s6;
	s9 =	sor.u32 $0x30, s6;
	s10 =	sor.u32 $0x40, s6  }
0xb: {  	s11 =	sor.u32 $0x50, s6;
	s16 =	sor.u32 $0x60, s6;
	s18 =	sor.u32 $0x70, s6  }
0xc: {  	s22 =	sor.u32 $0x80, s6;
	s13 =	sor.u32 $0x90, s6;
	s21 =	sor.u32 $0x1C0, s6  }
0xd: {  	s23 =	sor.u32 $0x1E0, s6;
	s28 =	sor.u32 $0x110, s6;
	s29 =	sor.u32 $0x120, s6  }
0xe: {  	s15 =	sor.u32 $0x150, s6;
	s19 =	sor.u32 $0x160, s6;
	s17 =	sor.u32 $0x1A0, s6  }
0xf: {  	s7 =	sadd.s32 s7, s0;
	s0 =	sadd.s32 $0x1800, s0;
	[dreg:$0x13] =	wrdreg s13  }
0x10: {  	s14 =	sshll.u32 s21, $0x7;
	s13 =	sadd.s32 s2, s25;
	s26 =	sshll.u32 s23, $0x7  }
0x11: {  	v36 =	vlaneseq.u32;
	s2 =	sadd.s32 s2, s12;
	s25 =	sor.u32 $0xF0, s6;
	[dreg:$0x16] =	wrdreg s17  }
0x12: {  	s17 =	sor.u32 $0x1F0, s6;
	v17 =	vor.u32 s28, v36;
	s28 =	simm.s32 $0x2;
	[dreg:$0x7] =	wrdreg s0  }
0x13: {  	v18 =	vor.u32 s29, v36;
	v30 =	vor.u32 s23, v36;
	s29 =	simm.s32 $0x4;
	s23 =	simm.s32 $0x9C80;
	[dreg:$0x5] =	wrdreg s13  }
0x14: {  	v2 =	vor.u32 s8, v36;
	v6 =	vor.u32 s16, v36;
	s16 =	simm.s32 $0xB480;
	s8 =	simm.s32 $0xDC80;
	[dreg:$0x6] =	wrdreg s2  }
0x15: {  	v3 =	vor.u32 s9, v36;
	v4 =	vor.u32 s10, v36;
	s9 =	simm.s32 $0xE480;
	s10 =	simm.s32 $0xEC80;
	[dreg:$0x10] =	wrdreg s17  }
0x16: {  	v5 =	vor.u32 s11, v36;
	v7 =	vor.u32 s18, v36;
	v21 =	vor.u32 s15, v36;
	s11 =	simm.s32 $0xF480;
	s15 =	simm.s32 $0xFC80;
	s18 =	rddreg [dreg:$0x13]  }
0x17: {  	v22 =	vor.u32 s19, v36;
	s19 =	simm.s32 $0x10480;
	s24 =	sadd.s32 $0x800, s7;
	v15 =	vor.u32 s25, v36;
	s25 =	rddreg [dreg:$0x16]  }
0x18: {  	s7 =	sadd.s32 $0x1000, s7;
	s30 =	sadd.s32 s4, s14;
	[dreg:$0x8] =	wrdreg s24  }
0x19: {  	s4 =	sadd.s32 s4, s26;
	s31 =	sadd.s32 s5, s14;
	[dreg:$0x9] =	wrdreg s7  }
0x1a: {  	s12 =	sadd.s32 s5, s26;
	s2 =	sor.u32 $0xB0, s6;
	[dreg:$0xa] =	wrdreg s30  }
0x1b: {  	s0 =	smax.u32 s20, $0x1;
	s5 =	sor.u32 $0xD0, s6;
	[dreg:$0xb] =	wrdreg s4  }
0x1c: {  	s26 =	sor.u32 $0x100, s6;
	s20 =	sor.u32 $0x170, s6;
	[dreg:$0xc] =	wrdreg s31  }
0x1d: {  	s13 =	sor.u32 $0x180, s6;
	s14 =	sor.u32 $0x190, s6;
	[dreg:$0xd] =	wrdreg s12  }
0x1e: {  	s17 =	simm.s32 $0x1480;
	s7 =	sor.u32 $0x10, s6;
	[dreg:$0xe] =	wrdreg s0  }
0x1f: {  	s4 =	sor.u32 $0xA0, s6;
	s0 =	sor.u32 $0xC0, s6;
	[dreg:$0x14] =	wrdreg s13  }
0x20: {  	v32 =	vimm.s32 $0x4000;
	v33 =	vimm.s32 $0x0;
	v35 =	vshrl.u32 v36, $0x3;
	s24 =	sor.u32 $0xE0, s6;
	[dreg:$0x15] =	wrdreg s14;
	s13 =	sor.u32 $0x1B0, s6  }
0x21: {  	vm0 =	vmmov $0xffff;
	v34 =	vand.u32 $0x7, v36;
	v35 =	vmul.u32 $0x8, v35;
	s30 =	sor.u32 $0x130, s6;
	s14 =	sor.u32 $0x1D0, s6;
	[dreg:$0x12] =	wrdreg s13  }
0x22: {  	v0 =	vor.u32 s6, v36;
	v8 =	vor.u32 s22, v36;
	v28 =	vor.u32 s21, v36;
	s31 =	sor.u32 $0x140, s6;
	s12 =	sadd.s32 $0x100, s1;
	[dreg:$0x11] =	wrdreg s14  }
0x23: {  	v9 =	vor.u32 s18, v36;
	v11 =	vor.u32 s2, v36;
	v26 =	vor.u32 s25, v36;
	s25 =	simm.s32 $0x1;
	s18 =	simm.s32 $0xAC80;
	s22 =	rddreg [dreg:$0x14]  }
0x24: {  	v13 =	vor.u32 s5, v36;
	v16 =	vor.u32 s26, v36;
	s5 =	simm.s32 $0xC480;
	s6 =	simm.s32 $0xCC80;
	v14 =	vor.u32 s24, v36;
	s24 =	rddreg [dreg:$0x15]  }
0x25: {  	v23 =	vor.u32 s20, v36;
	s20 =	simm.s32 $0x10C80;
	s13 =	sadd.s32 $0x200, s1;
	v1 =	vor.u32 s7, v36;
	v20 =	vor.u32 s31, v36;
	s31 =	rddreg [dreg:$0x10]  }
0x26: {  	s14 =	sadd.s32 $0x300, s1;
	v10 =	vor.u32 s4, v36;
	v12 =	vor.u32 s0, v36;
	v19 =	vor.u32 s30, v36;
	s0 =	simm.s32 $0x9480;
	s26 =	rddreg [dreg:$0x12]  }
0x27: {  	s4 =	simm.s32 $0x0;
	s7 =	simm.s32 $0xD480;
	v24 =	vor.u32 s22, v36;
	v25 =	vor.u32 s24, v36;
	s30 =	rddreg [dreg:$0x11];
	v31 =	vor.u32 s31, v36  }
0x28: {  	s22 =	simm.s32 $0x8C80;
	s24 =	simm.s32 $0xA480;
	v27 =	vor.u32 s26, v36;
	v29 =	vor.u32 s30, v36;
	s26 =	simm.s32 $0x3;
	v36 =	vor.u32 $0x8, v36  }
.LBB2_1:
0x29: {  	[dreg:$0xf] =	wrdreg s4  }
0x2a: {  	s2 =	rddreg [dreg:$0x8];
	s30 =	simm.s32 $0x5  }
0x2b: {  	[tilespmem:s3], [sflag:$0x5] =	stream.linear.gather [hbm4b:s2+s3], $0x200, $0x38;
	[tilespmem:$0x11480] =	vst v63  }
0x2c: {  	_ =	swait.ge [sflag:s30], $0x200  }
0x2d: {  	[sflag:s30] =	ssyncset.done $0x0  }
0x2e: {  	s31 =	simm.s32 $0x200;
	s21 =	rddreg [dreg:$0x9];
	[sflag:s30] =	ssyncadd.s32 $0xFFFFFE00  }
0x2f: {  	[tilespmem:s31], [sflag:$0x5] =	stream.linear.gather [hbm4b:s21+s3], $0x200, $0x38;
	[tilespmem:$0x11480] =	vst v63  }
0x30: {  	_ =	swait.ge [sflag:s30], $0x200  }
0x31: {  	[sflag:s30] =	ssyncset.done $0x0  }
0x32: {  	s31 =	simm.s32 $0x400;
	s4 =	rddreg [dreg:$0x7];
	[sflag:s30] =	ssyncadd.s32 $0xFFFFFE00  }
0x33: {  	[tilespmem:s31], [sflag:$0x5] =	stream.linear.gather [hbm4b:s4+s3], $0x80, $0x38;
	[tilespmem:$0x11480] =	vst v63  }
0x34: {  	_ =	swait.ge [sflag:s30], $0x80  }
0x35: {  	[sflag:s30] =	ssyncset.done $0x0  }
0x36: {  	[sflag:s30] =	ssyncadd.s32 $0xFFFFFF80  }
0x37: {  	v37 =	vld [tilespmem:$0x400]  }
0x38: {  	v38 =	vld [tilespmem:$0x0]  }
0x39: {  	v39 =	vld [tilespmem:$0x10]  }
0x3a: {  	v40 =	vld [tilespmem:$0x20]  }
0x3b: {  	v41 =	vld [tilespmem:$0x30];
	_ =	sdelay $0x1  }
0x3c: {  	v42 =	vld [tilespmem:$0x40]  }
0x3d: {  	v43 =	vld [tilespmem:$0x50];
	vm1 =	vge.f32 v38, v37;
	vm2 =	vge.f32 v39, v37  }
0x3e: {  	v44 =	vld [tilespmem:$0x60];
	v38 =	vsel vm1, $0x0, v32;
	v45 =	vsel vm2, $0x0, v32;
	vm1 =	vge.f32 v40, v37  }
0x3f: {  	v59 =	vld [tilespmem:$0x70];
	v45 =	vor.u32 v1, v45;
	v46 =	vsel vm1, $0x0, v32;
	vm1 =	vge.f32 v41, v37  }
0x40: {  	v60 =	vld [tilespmem:$0x80];
	v38 =	vor.u32 v0, v38;
	v46 =	vor.u32 v2, v46;
	v47 =	vsel vm1, $0x0, v32  }
0x41: {  	v61 =	vld [tilespmem:$0x90];
	vm1 =	vge.f32 v42, v37;
	[tilespmem:$0x480] =	vst v38;
	v38 =	vshll.u32 v38, $0x3;
	v63 =	vor.u32 v3, v47  }
0x42: {  	v62 =	vld [tilespmem:$0xA0];
	[tilespmem:$0x490] =	vst v45;
	v48 =	vsel vm1, $0x0, v32;
	vm1 =	vge.f32 v43, v37;
	v38 =	vand.u32 $0x7FFFFFC0, v38  }
0x43: {  	v43 =	vld [tilespmem:$0xB0];
	[tilespmem:$0x500] =	vst v46;
	v49 =	vor.u32 v4, v48;
	v50 =	vsel vm1, $0x0, v32;
	vm1 =	vge.f32 v44, v37  }
0x44: {  	v51 =	vld [tilespmem:$0xC0];
	[tilespmem:$0x510] =	vst v63;
	v38 =	vor.u32 v34, v38;
	v53 =	vsel vm1, $0x0, v32;
	vm1 =	vge.f32 v59, v37  }
0x45: {  	v54 =	vld [tilespmem:$0xD0];
	v52 =	vor.u32 v5, v50;
	[tilespmem:$0x580] =	vst v49;
	v56 =	vsel vm1, $0x0, v32;
	vm1 =	vge.f32 v60, v37  }
0x46: {  	v40 =	vld [tilespmem:$0xE0];
	v55 =	vor.u32 v6, v53;
	[tilespmem:$0x590] =	vst v52;
	v58 =	vsel vm1, $0x0, v32;
	vm1 =	vge.f32 v61, v37  }
0x47: {  	v59 =	vld [tilespmem:$0xF0];
	v57 =	vor.u32 v7, v56;
	[tilespmem:$0x600] =	vst v55;
	v61 =	vsel vm1, $0x0, v32;
	vm1 =	vge.f32 v62, v37  }
0x48: {  	v60 =	vor.u32 v8, v58;
	v62 =	vld [tilespmem:$0x100];
	[tilespmem:$0x610] =	vst v57;
	v48 =	vsel vm1, $0x0, v32;
	vm1 =	vge.f32 v43, v37  }
0x49: {  	v63 =	vor.u32 v9, v61;
	v43 =	vld [tilespmem:$0x110];
	[tilespmem:$0x680] =	vst v60;
	v50 =	vsel vm1, $0x0, v32;
	vm1 =	vge.f32 v51, v37  }
0x4a: {  	v49 =	vor.u32 v10, v48;
	v51 =	vld [tilespmem:$0x120];
	[tilespmem:$0x690] =	vst v63;
	v53 =	vsel vm1, $0x0, v32;
	vm1 =	vge.f32 v54, v37  }
0x4b: {  	v52 =	vor.u32 v11, v50;
	v54 =	vld [tilespmem:$0x130];
	[tilespmem:$0x700] =	vst v49;
	v56 =	vsel vm1, $0x0, v32;
	vm1 =	vge.f32 v40, v37  }
0x4c: {  	v55 =	vor.u32 v12, v53;
	v40 =	vld [tilespmem:$0x140];
	[tilespmem:$0x710] =	vst v52;
	v58 =	vsel vm1, $0x0, v32;
	vm1 =	vge.f32 v59, v37  }
0x4d: {  	v57 =	vor.u32 v13, v56;
	v59 =	vld [tilespmem:$0x150];
	[tilespmem:$0x780] =	vst v55;
	v61 =	vsel vm1, $0x0, v32;
	vm1 =	vge.f32 v62, v37  }
0x4e: {  	v60 =	vor.u32 v14, v58;
	v62 =	vld [tilespmem:$0x160];
	[tilespmem:$0x790] =	vst v57;
	v48 =	vsel vm1, $0x0, v32;
	vm1 =	vge.f32 v43, v37  }
0x4f: {  	v63 =	vor.u32 v15, v61;
	v43 =	vld [tilespmem:$0x170];
	[tilespmem:$0x800] =	vst v60;
	v50 =	vsel vm1, $0x0, v32;
	vm1 =	vge.f32 v51, v37  }
0x50: {  	v49 =	vor.u32 v16, v48;
	v51 =	vld [tilespmem:$0x180];
	[tilespmem:$0x810] =	vst v63;
	v53 =	vsel vm1, $0x0, v32;
	vm1 =	vge.f32 v54, v37  }
0x51: {  	v52 =	vor.u32 v17, v50;
	v54 =	vld [tilespmem:$0x190];
	[tilespmem:$0x880] =	vst v49;
	v56 =	vsel vm1, $0x0, v32;
	vm1 =	vge.f32 v40, v37  }
0x52: {  	v55 =	vor.u32 v18, v53;
	v40 =	vld [tilespmem:$0x1A0];
	[tilespmem:$0x890] =	vst v52;
	v58 =	vsel vm1, $0x0, v32;
	vm1 =	vge.f32 v59, v37  }
0x53: {  	v57 =	vor.u32 v19, v56;
	v59 =	vld [tilespmem:$0x1B0];
	[tilespmem:$0x900] =	vst v55;
	v61 =	vsel vm1, $0x0, v32;
	vm1 =	vge.f32 v62, v37  }
0x54: {  	v60 =	vor.u32 v20, v58;
	v62 =	vld [tilespmem:$0x1C0];
	[tilespmem:$0x910] =	vst v57;
	v48 =	vsel vm1, $0x0, v32;
	vm1 =	vge.f32 v43, v37  }
0x55: {  	v63 =	vor.u32 v21, v61;
	v43 =	vld [tilespmem:$0x1D0];
	[tilespmem:$0x980] =	vst v60;
	v50 =	vsel vm1, $0x0, v32;
	vm1 =	vge.f32 v51, v37  }
0x56: {  	v49 =	vor.u32 v22, v48;
	v51 =	vld [tilespmem:$0x1E0];
	[tilespmem:$0x990] =	vst v63;
	v53 =	vsel vm1, $0x0, v32;
	vm1 =	vge.f32 v54, v37  }
0x57: {  	v52 =	vor.u32 v23, v50;
	v54 =	vld [tilespmem:$0x1F0];
	[tilespmem:$0xA00] =	vst v49;
	v56 =	vsel vm1, $0x0, v32;
	vm1 =	vge.f32 v40, v37  }
0x58: {  	v55 =	vor.u32 v24, v53;
	v40 =	vld [tilespmem:$0x200];
	[tilespmem:$0xA10] =	vst v52;
	v58 =	vsel vm1, $0x0, v32;
	vm1 =	vge.f32 v59, v37  }
0x59: {  	v57 =	vor.u32 v25, v56;
	v59 =	vld [tilespmem:$0x210];
	[tilespmem:$0xA80] =	vst v55;
	v61 =	vsel vm1, $0x0, v32;
	vm1 =	vge.f32 v62, v37  }
0x5a: {  	v60 =	vor.u32 v26, v58;
	v62 =	vld [tilespmem:$0x220];
	[tilespmem:$0xA90] =	vst v57;
	v48 =	vsel vm1, $0x0, v32;
	vm1 =	vge.f32 v43, v37  }
0x5b: {  	v63 =	vor.u32 v27, v61;
	v43 =	vld [tilespmem:$0x230];
	[tilespmem:$0xB00] =	vst v60;
	v50 =	vsel vm1, $0x0, v32;
	vm1 =	vge.f32 v51, v37  }
0x5c: {  	v49 =	vor.u32 v28, v48;
	v51 =	vld [tilespmem:$0x240];
	[tilespmem:$0xB10] =	vst v63;
	v53 =	vsel vm1, $0x0, v32;
	vm1 =	vge.f32 v54, v37  }
0x5d: {  	v52 =	vor.u32 v29, v50;
	v54 =	vld [tilespmem:$0x250];
	[tilespmem:$0xB80] =	vst v49;
	v56 =	vsel vm1, $0x0, v32;
	vm1 =	vge.f32 v40, v37  }
0x5e: {  	v55 =	vor.u32 v30, v53;
	v40 =	vld [tilespmem:$0x260];
	[tilespmem:$0xB90] =	vst v52;
	v58 =	vsel vm1, $0x4000, v33;
	vm1 =	vge.f32 v59, v37  }
0x5f: {  	v57 =	vor.u32 v31, v56;
	v59 =	vld [tilespmem:$0x270];
	[tilespmem:$0xC00] =	vst v55;
	v61 =	vsel vm1, $0x4000, v33;
	vm1 =	vge.f32 v62, v37  }
0x60: {  	v60 =	vor.u32 v0, v58;
	v62 =	vld [tilespmem:$0x280];
	[tilespmem:$0xC10] =	vst v57;
	v48 =	vsel vm1, $0x4000, v33;
	vm1 =	vge.f32 v43, v37  }
0x61: {  	v63 =	vor.u32 v1, v61;
	v43 =	vld [tilespmem:$0x290];
	[tilespmem:$0xC80] =	vst v60;
	v50 =	vsel vm1, $0x4000, v33;
	vm1 =	vge.f32 v51, v37  }
0x62: {  	v49 =	vor.u32 v2, v48;
	v51 =	vld [tilespmem:$0x2A0];
	[tilespmem:$0xC90] =	vst v63;
	v53 =	vsel vm1, $0x4000, v33;
	vm1 =	vge.f32 v54, v37  }
0x63: {  	v52 =	vor.u32 v3, v50;
	v54 =	vld [tilespmem:$0x2B0];
	[tilespmem:$0xD00] =	vst v49;
	v56 =	vsel vm1, $0x4000, v33;
	vm1 =	vge.f32 v40, v37  }
0x64: {  	v55 =	vor.u32 v4, v53;
	v40 =	vld [tilespmem:$0x2C0];
	[tilespmem:$0xD10] =	vst v52;
	v58 =	vsel vm1, $0x4000, v33;
	vm1 =	vge.f32 v59, v37  }
0x65: {  	v57 =	vor.u32 v5, v56;
	v59 =	vld [tilespmem:$0x2D0];
	[tilespmem:$0xD80] =	vst v55;
	v61 =	vsel vm1, $0x4000, v33;
	vm1 =	vge.f32 v62, v37  }
0x66: {  	v60 =	vor.u32 v6, v58;
	v62 =	vld [tilespmem:$0x2E0];
	[tilespmem:$0xD90] =	vst v57;
	v48 =	vsel vm1, $0x4000, v33;
	vm1 =	vge.f32 v43, v37  }
0x67: {  	v63 =	vor.u32 v7, v61;
	v43 =	vld [tilespmem:$0x2F0];
	[tilespmem:$0xE00] =	vst v60;
	v50 =	vsel vm1, $0x4000, v33;
	vm1 =	vge.f32 v51, v37  }
0x68: {  	v49 =	vor.u32 v8, v48;
	v51 =	vld [tilespmem:$0x300];
	[tilespmem:$0xE10] =	vst v63;
	v53 =	vsel vm1, $0x4000, v33;
	vm1 =	vge.f32 v54, v37  }
0x69: {  	v52 =	vor.u32 v9, v50;
	v54 =	vld [tilespmem:$0x310];
	[tilespmem:$0xE80] =	vst v49;
	v56 =	vsel vm1, $0x4000, v33;
	vm1 =	vge.f32 v40, v37  }
0x6a: {  	v55 =	vor.u32 v10, v53;
	v40 =	vld [tilespmem:$0x320];
	[tilespmem:$0xE90] =	vst v52;
	v58 =	vsel vm1, $0x4000, v33;
	vm1 =	vge.f32 v59, v37  }
0x6b: {  	v57 =	vor.u32 v11, v56;
	v59 =	vld [tilespmem:$0x330];
	[tilespmem:$0xF00] =	vst v55;
	v61 =	vsel vm1, $0x4000, v33;
	vm1 =	vge.f32 v62, v37  }
0x6c: {  	v60 =	vor.u32 v12, v58;
	v62 =	vld [tilespmem:$0x340];
	[tilespmem:$0xF10] =	vst v57;
	v48 =	vsel vm1, $0x4000, v33;
	vm1 =	vge.f32 v43, v37  }
0x6d: {  	v63 =	vor.u32 v13, v61;
	[tilespmem:$0xF80] =	vst v60;
	v50 =	vsel vm1, $0x4000, v33;
	vm1 =	vge.f32 v51, v37;
	v51 =	vld [tilespmem:$0x350]  }
0x6e: {  	v49 =	vor.u32 v14, v48;
	[tilespmem:$0xF90] =	vst v63;
	v53 =	vsel vm1, $0x4000, v33;
	vm1 =	vge.f32 v54, v37;
	v54 =	vld [tilespmem:$0x360]  }
0x6f: {  	v57 =	vld [tilespmem:$0x370];
	v52 =	vor.u32 v15, v50;
	[tilespmem:$0x1000] =	vst v49;
	v56 =	vsel vm1, $0x4000, v33;
	vm1 =	vge.f32 v40, v37  }
0x70: {  	v55 =	vor.u32 v16, v53;
	[tilespmem:$0x1010] =	vst v52;
	v58 =	vsel vm1, $0x4000, v33;
	vm1 =	vge.f32 v59, v37;
	v59 =	vld [tilespmem:$0x380]  }
0x71: {  	vm2 =	vge.f32 v62, v37;
	[tilespmem:$0x1080] =	vst v55;
	v61 =	vor.u32 v17, v56;
	v60 =	vsel vm1, $0x4000, v33  }
0x72: {  	v63 =	vld [tilespmem:$0x390];
	v62 =	vsel vm2, $0x4000, v33;
	[tilespmem:$0x1090] =	vst v61;
	v48 =	vor.u32 v18, v58;
	vm1 =	vge.f32 v51, v37  }
0x73: {  	v50 =	vld [tilespmem:$0x3A0];
	[tilespmem:$0x1100] =	vst v48;
	v42 =	vor.u32 v19, v60;
	v49 =	vsel vm1, $0x4000, v33;
	vm1 =	vge.f32 v54, v37  }
0x74: {  	v53 =	vld [tilespmem:$0x3B0];
	v51 =	vor.u32 v20, v62;
	[tilespmem:$0x1110] =	vst v42;
	v52 =	vsel vm1, $0x4000, v33;
	vm1 =	vge.f32 v57, v37  }
0x75: {  	v56 =	vld [tilespmem:$0x3C0];
	[tilespmem:$0x1180] =	vst v51;
	v54 =	vor.u32 v21, v49;
	v55 =	vsel vm1, $0x4000, v33;
	vm1 =	vge.f32 v59, v37  }
0x76: {  	v62 =	vld [tilespmem:$0x3D0];
	[tilespmem:$0x1190] =	vst v54;
	v57 =	vor.u32 v22, v52;
	v52 =	vperm.xlane v38, v34;
	v58 =	vsel vm1, $0x4000, v33  }
0x77: {  	vm1 =	vge.f32 v63, v37;
	[tilespmem:$0x1200] =	vst v57;
	v59 =	vor.u32 v23, v55;
	v63 =	vld [tilespmem:$0x3E0];
	v60 =	vor.u32 v24, v58  }
0x78: {  	v48 =	vld [tilespmem:$0x3F0];
	v61 =	vsel vm1, $0x4000, v33;
	vm1 =	vge.f32 v50, v37;
	[tilespmem:$0x1210] =	vst v59;
	v55 =	vadd.s32 v35, v52  }
0x79: {  	v44 =	vor.u32 v25, v61;
	v47 =	vsel vm1, $0x4000, v33;
	vm1 =	vge.f32 v53, v37;
	[tilespmem:$0x1280] =	vst v60  }
0x7a: {  	v49 =	vsel vm1, $0x4000, v33;
	vm1 =	vge.f32 v56, v37;
	[tilespmem:$0x1290] =	vst v44;
	v50 =	vor.u32 v26, v47  }
0x7b: {  	v51 =	vsel vm1, $0x4000, v33;
	[tilespmem:$0x1300] =	vst v50;
	vm1 =	vge.f32 v62, v37;
	v53 =	vor.u32 v27, v49  }
0x7c: {  	v42 =	vor.u32 v28, v51;
	[tilespmem:$0x1310] =	vst v53;
	v54 =	vsel vm1, $0x4000, v33;
	vm1 =	vge.f32 v63, v37  }
0x7d: {  	v56 =	vsel vm1, $0x4000, v33;
	vm1 =	vge.f32 v48, v37;
	[tilespmem:$0x1380] =	vst v42;
	v57 =	vor.u32 v29, v54  }
0x7e: {  	[tilespmem:$0x1390] =	vst v57;
	v58 =	vor.u32 v30, v56;
	v40 =	vsel vm1, $0x4000, v33  }
0x7f: {  	[tilespmem:$0x1400] =	vst v58;
	v59 =	vor.u32 v31, v40  }
0x80: {  	[tilespmem:$0x1410] =	vst v59  }
0x81: {  	[tilespmem:s17], [sflag:$0x1] =	stream.indirect_vreg.gather [hbm4b:s1+s3], $0x80, v55, vm0, $0xb8;
	[tilespmem:$0x11480] =	vst v63  }
0x82: {  	s21 =	simm.s32 $0x1C80;
	v60 =	vperm.xlane v38, v36  }
0x83: {  	[tilespmem:s21], [sflag:$0x1] =	stream.indirect_vreg.gather [hbm4b:s12+s3], $0x80, v55, vm0, $0xb8;
	[tilespmem:$0x11480] =	vst v63  }
0x84: {  	v37 =	vadd.s32 v35, v60;
	s21 =	simm.s32 $0x2480  }
0x85: {  	[tilespmem:s21], [sflag:$0x1] =	stream.indirect_vreg.gather [hbm4b:s13+s3], $0x80, v55, vm0, $0xb8;
	[tilespmem:$0x11480] =	vst v63  }
0x86: {  	s4 =	simm.s32 $0x2C80  }
0x87: {  	[tilespmem:s4], [sflag:$0x1] =	stream.indirect_vreg.gather [hbm4b:s14+s3], $0x80, v55, vm0, $0xb8;
	[tilespmem:$0x11480] =	vst v63  }
0x88: {  	s17 =	simm.s32 $0x3480  }
0x89: {  	[tilespmem:s17], [sflag:$0x1] =	stream.indirect_vreg.gather [hbm4b:s1+s3], $0x80, v37, vm0, $0xb8;
	[tilespmem:$0x11480] =	vst v63  }
0x8a: {  	s4 =	simm.s32 $0x3C80  }
0x8b: {  	[tilespmem:s4], [sflag:$0x1] =	stream.indirect_vreg.gather [hbm4b:s12+s3], $0x80, v37, vm0, $0xb8;
	[tilespmem:$0x11480] =	vst v63  }
0x8c: {  	s17 =	simm.s32 $0x4480  }
0x8d: {  	[tilespmem:s17], [sflag:$0x1] =	stream.indirect_vreg.gather [hbm4b:s13+s3], $0x80, v37, vm0, $0xb8;
	[tilespmem:$0x11480] =	vst v63  }
0x8e: {  	s4 =	simm.s32 $0x4C80  }
0x8f: {  	[tilespmem:s4], [sflag:$0x1] =	stream.indirect_vreg.gather [hbm4b:s14+s3], $0x80, v37, vm0, $0xb8;
	[tilespmem:$0x11480] =	vst v63  }
0x90: {  	v37 =	vld [tilespmem:$0x490];
	_ =	sdelay $0x4  }
0x91: {  	v61 =	vshll.u32 v37, $0x3  }
0x92: {  	v37 =	vand.u32 $0x7, v37;
	v38 =	vand.u32 $0xFFFFFFC0, v61  }
0x93: {  	v37 =	vor.u32 v37, v38  }
0x94: {  	v38 =	vperm.xlane v37, v34;
	_ =	sdelay $0x1  }
0x95: {  	v38 =	vadd.s32 v35, v38;
	_ =	sdelay $0x3  }
0x96: {  	s17 =	simm.s32 $0x5480  }
0x97: {  	[tilespmem:s17], [sflag:$0x1] =	stream.indirect_vreg.gather [hbm4b:s1+s3], $0x80, v38, vm0, $0xb8;
	[tilespmem:$0x11480] =	vst v63  }
0x98: {  	s4 =	simm.s32 $0x5C80;
	v37 =	vperm.xlane v37, v36  }
0x99: {  	[tilespmem:s4], [sflag:$0x1] =	stream.indirect_vreg.gather [hbm4b:s12+s3], $0x80, v38, vm0, $0xb8;
	[tilespmem:$0x11480] =	vst v63  }
0x9a: {  	v37 =	vadd.s32 v35, v37;
	s17 =	simm.s32 $0x6480  }
0x9b: {  	[tilespmem:s17], [sflag:$0x1] =	stream.indirect_vreg.gather [hbm4b:s13+s3], $0x80, v38, vm0, $0xb8;
	[tilespmem:$0x11480] =	vst v63  }
0x9c: {  	s4 =	simm.s32 $0x6C80  }
0x9d: {  	[tilespmem:s4], [sflag:$0x1] =	stream.indirect_vreg.gather [hbm4b:s14+s3], $0x80, v38, vm0, $0xb8;
	[tilespmem:$0x11480] =	vst v63  }
0x9e: {  	s17 =	simm.s32 $0x7480  }
0x9f: {  	[tilespmem:s17], [sflag:$0x1] =	stream.indirect_vreg.gather [hbm4b:s1+s3], $0x80, v37, vm0, $0xb8;
	[tilespmem:$0x11480] =	vst v63  }
0xa0: {  	s4 =	simm.s32 $0x7C80  }
0xa1: {  	[tilespmem:s4], [sflag:$0x1] =	stream.indirect_vreg.gather [hbm4b:s12+s3], $0x80, v37, vm0, $0xb8;
	[tilespmem:$0x11480] =	vst v63  }
0xa2: {  	s17 =	simm.s32 $0x8480  }
0xa3: {  	[tilespmem:s17], [sflag:$0x1] =	stream.indirect_vreg.gather [hbm4b:s13+s3], $0x80, v37, vm0, $0xb8;
	[tilespmem:$0x11480] =	vst v63  }
0xa4: {  	_ = 	snop  }
0xa5: {  	[tilespmem:s22], [sflag:$0x1] =	stream.indirect_vreg.gather [hbm4b:s14+s3], $0x80, v37, vm0, $0xb8;
	[tilespmem:$0x11480] =	vst v63  }
0xa6: {  	v37 =	vld [tilespmem:$0x500];
	_ =	sdelay $0x4  }
0xa7: {  	v62 =	vshll.u32 v37, $0x3  }
0xa8: {  	v37 =	vand.u32 $0x7, v37;
	v38 =	vand.u32 $0xFFFFFFC0, v62  }
0xa9: {  	v37 =	vor.u32 v37, v38  }
0xaa: {  	v38 =	vperm.xlane v37, v34;
	_ =	sdelay $0x1  }
0xab: {  	v38 =	vadd.s32 v35, v38;
	_ =	sdelay $0x4  }
0xac: {  	[tilespmem:s0], [sflag:$0x2] =	stream.indirect_vreg.gather [hbm4b:s1+s3], $0x80, v38, vm0, $0xb8;
	[tilespmem:$0x11480] =	vst v63  }
0xad: {  	v37 =	vperm.xlane v37, v36  }
0xae: {  	[tilespmem:s23], [sflag:$0x2] =	stream.indirect_vreg.gather [hbm4b:s12+s3], $0x80, v38, vm0, $0xb8;
	[tilespmem:$0x11480] =	vst v63  }
0xaf: {  	v37 =	vadd.s32 v35, v37  }
0xb0: {  	[tilespmem:s24], [sflag:$0x2] =	stream.indirect_vreg.gather [hbm4b:s13+s3], $0x80, v38, vm0, $0xb8;
	[tilespmem:$0x11480] =	vst v63  }
0xb1: {  	_ = 	snop  }
0xb2: {  	[tilespmem:s18], [sflag:$0x2] =	stream.indirect_vreg.gather [hbm4b:s14+s3], $0x80, v38, vm0, $0xb8;
	[tilespmem:$0x11480] =	vst v63  }
0xb3: {  	_ = 	snop  }
0xb4: {  	[tilespmem:s16], [sflag:$0x2] =	stream.indirect_vreg.gather [hbm4b:s1+s3], $0x80, v37, vm0, $0xb8;
	[tilespmem:$0x11480] =	vst v63  }
0xb5: {  	s4 =	simm.s32 $0xBC80  }
0xb6: {  	[tilespmem:s4], [sflag:$0x2] =	stream.indirect_vreg.gather [hbm4b:s12+s3], $0x80, v37, vm0, $0xb8;
	[tilespmem:$0x11480] =	vst v63  }
0xb7: {  	_ = 	snop  }
0xb8: {  	[tilespmem:s5], [sflag:$0x2] =	stream.indirect_vreg.gather [hbm4b:s13+s3], $0x80, v37, vm0, $0xb8;
	[tilespmem:$0x11480] =	vst v63  }
0xb9: {  	_ = 	snop  }
0xba: {  	[tilespmem:s6], [sflag:$0x2] =	stream.indirect_vreg.gather [hbm4b:s14+s3], $0x80, v37, vm0, $0xb8;
	[tilespmem:$0x11480] =	vst v63  }
0xbb: {  	v37 =	vld [tilespmem:$0x510];
	_ =	sdelay $0x4  }
0xbc: {  	v63 =	vshll.u32 v37, $0x3  }
0xbd: {  	v37 =	vand.u32 $0x7, v37;
	v38 =	vand.u32 $0xFFFFFFC0, v63  }
0xbe: {  	v37 =	vor.u32 v37, v38  }
0xbf: {  	v38 =	vperm.xlane v37, v34;
	_ =	sdelay $0x1  }
0xc0: {  	v38 =	vadd.s32 v35, v38;
	_ =	sdelay $0x4  }
0xc1: {  	[tilespmem:s7], [sflag:$0x2] =	stream.indirect_vreg.gather [hbm4b:s1+s3], $0x80, v38, vm0, $0xb8;
	[tilespmem:$0x11480] =	vst v63  }
0xc2: {  	v37 =	vperm.xlane v37, v36  }
0xc3: {  	[tilespmem:s8], [sflag:$0x2] =	stream.indirect_vreg.gather [hbm4b:s12+s3], $0x80, v38, vm0, $0xb8;
	[tilespmem:$0x11480] =	vst v63  }
0xc4: {  	v37 =	vadd.s32 v35, v37  }
0xc5: {  	[tilespmem:s9], [sflag:$0x2] =	stream.indirect_vreg.gather [hbm4b:s13+s3], $0x80, v38, vm0, $0xb8;
	[tilespmem:$0x11480] =	vst v63  }
0xc6: {  	_ = 	snop  }
0xc7: {  	[tilespmem:s10], [sflag:$0x2] =	stream.indirect_vreg.gather [hbm4b:s14+s3], $0x80, v38, vm0, $0xb8;
	[tilespmem:$0x11480] =	vst v63  }
0xc8: {  	_ = 	snop  }
0xc9: {  	[tilespmem:s11], [sflag:$0x2] =	stream.indirect_vreg.gather [hbm4b:s1+s3], $0x80, v37, vm0, $0xb8;
	[tilespmem:$0x11480] =	vst v63  }
0xca: {  	_ = 	snop  }
0xcb: {  	[tilespmem:s15], [sflag:$0x2] =	stream.indirect_vreg.gather [hbm4b:s12+s3], $0x80, v37, vm0, $0xb8;
	[tilespmem:$0x11480] =	vst v63  }
0xcc: {  	_ = 	snop  }
0xcd: {  	[tilespmem:s19], [sflag:$0x2] =	stream.indirect_vreg.gather [hbm4b:s13+s3], $0x80, v37, vm0, $0xb8;
	[tilespmem:$0x11480] =	vst v63  }
0xce: {  	s31 =	simm.s32 $0x0;
	s30 =	simm.s32 $0x610  }
0xcf: {  	[tilespmem:s20], [sflag:$0x2] =	stream.indirect_vreg.gather [hbm4b:s14+s3], $0x80, v37, vm0, $0xb8;
	[tilespmem:$0x11480] =	vst v63  }
.LBB2_2:
0xd0: {  	_ =	swait.ge [sflag:s25], $0x8000  }
0xd1: {  	s2 =	rddreg [dreg:$0x5];
	[sflag:s25] =	ssyncset.done $0x0  }
0xd2: {  	s17 =	simm.s32 $0x1480;
	[sflag:s25] =	ssyncadd.s32 $0xFFFF8000;
	s2 =	sadd.s32 s31, s2  }
0xd3: {  	[hbm4b:s2+s3] =	stream.linear.scatter [tilespmem:s17], [sflag:$0x3], $0x8000, $0x38;
	[tilespmem:$0x11480] =	vst v63  }
0xd4: {  	_ =	swait.ge [sflag:s26], $0x8000  }
0xd5: {  	[sflag:s26] =	ssyncset.done $0x0  }
0xd6: {  	[sflag:s26] =	ssyncadd.s32 $0xFFFF8000  }
0xd7: {  	v37 =	vld [tilespmem:s30+$0xFFFFFF70];
	_ =	sdelay $0x4  }
0xd8: {  	v38 =	vshll.u32 v37, $0x3  }
0xd9: {  	v37 =	vand.u32 $0x7, v37;
	v38 =	vand.u32 $0xFFFFFFC0, v38  }
0xda: {  	v37 =	vor.u32 v37, v38  }
0xdb: {  	v38 =	vperm.xlane v37, v34;
	_ =	sdelay $0x1  }
0xdc: {  	v38 =	vadd.s32 v35, v38;
	_ =	sdelay $0x4  }
0xdd: {  	[tilespmem:s17], [sflag:$0x1] =	stream.indirect_vreg.gather [hbm4b:s1+s3], $0x80, v38, vm0, $0xb8;
	[tilespmem:$0x11480] =	vst v63  }
0xde: {  	v37 =	vperm.xlane v37, v36;
	s17 =	simm.s32 $0x1C80  }
0xdf: {  	[tilespmem:s17], [sflag:$0x1] =	stream.indirect_vreg.gather [hbm4b:s12+s3], $0x80, v38, vm0, $0xb8;
	[tilespmem:$0x11480] =	vst v63  }
0xe0: {  	v37 =	vadd.s32 v35, v37  }
0xe1: {  	[tilespmem:s21], [sflag:$0x1] =	stream.indirect_vreg.gather [hbm4b:s13+s3], $0x80, v38, vm0, $0xb8;
	[tilespmem:$0x11480] =	vst v63  }
0xe2: {  	s17 =	simm.s32 $0x2C80  }
0xe3: {  	[tilespmem:s17], [sflag:$0x1] =	stream.indirect_vreg.gather [hbm4b:s14+s3], $0x80, v38, vm0, $0xb8;
	[tilespmem:$0x11480] =	vst v63  }
0xe4: {  	s17 =	simm.s32 $0x3480  }
0xe5: {  	[tilespmem:s17], [sflag:$0x1] =	stream.indirect_vreg.gather [hbm4b:s1+s3], $0x80, v37, vm0, $0xb8;
	[tilespmem:$0x11480] =	vst v63  }
0xe6: {  	s17 =	simm.s32 $0x3C80  }
0xe7: {  	[tilespmem:s17], [sflag:$0x1] =	stream.indirect_vreg.gather [hbm4b:s12+s3], $0x80, v37, vm0, $0xb8;
	[tilespmem:$0x11480] =	vst v63  }
0xe8: {  	s17 =	simm.s32 $0x4480  }
0xe9: {  	[tilespmem:s17], [sflag:$0x1] =	stream.indirect_vreg.gather [hbm4b:s13+s3], $0x80, v37, vm0, $0xb8;
	[tilespmem:$0x11480] =	vst v63  }
0xea: {  	s17 =	simm.s32 $0x4C80  }
0xeb: {  	[tilespmem:s17], [sflag:$0x1] =	stream.indirect_vreg.gather [hbm4b:s14+s3], $0x80, v37, vm0, $0xb8;
	[tilespmem:$0x11480] =	vst v63  }
0xec: {  	v37 =	vld [tilespmem:s30+$0xFFFFFF80];
	_ =	sdelay $0x4  }
0xed: {  	v60 =	vshll.u32 v37, $0x3  }
0xee: {  	v37 =	vand.u32 $0x7, v37;
	v38 =	vand.u32 $0xFFFFFFC0, v60  }
0xef: {  	v37 =	vor.u32 v37, v38  }
0xf0: {  	v38 =	vperm.xlane v37, v34;
	_ =	sdelay $0x1  }
0xf1: {  	v38 =	vadd.s32 v35, v38;
	_ =	sdelay $0x3  }
0xf2: {  	s17 =	simm.s32 $0x5480  }
0xf3: {  	[tilespmem:s17], [sflag:$0x1] =	stream.indirect_vreg.gather [hbm4b:s1+s3], $0x80, v38, vm0, $0xb8;
	[tilespmem:$0x11480] =	vst v63  }
0xf4: {  	v37 =	vperm.xlane v37, v36;
	s17 =	simm.s32 $0x5C80  }
0xf5: {  	[tilespmem:s17], [sflag:$0x1] =	stream.indirect_vreg.gather [hbm4b:s12+s3], $0x80, v38, vm0, $0xb8;
	[tilespmem:$0x11480] =	vst v63  }
0xf6: {  	v37 =	vadd.s32 v35, v37;
	s17 =	simm.s32 $0x6480  }
0xf7: {  	[tilespmem:s17], [sflag:$0x1] =	stream.indirect_vreg.gather [hbm4b:s13+s3], $0x80, v38, vm0, $0xb8;
	[tilespmem:$0x11480] =	vst v63  }
0xf8: {  	s17 =	simm.s32 $0x6C80  }
0xf9: {  	[tilespmem:s17], [sflag:$0x1] =	stream.indirect_vreg.gather [hbm4b:s14+s3], $0x80, v38, vm0, $0xb8;
	[tilespmem:$0x11480] =	vst v63  }
0xfa: {  	s17 =	simm.s32 $0x7480  }
0xfb: {  	[tilespmem:s17], [sflag:$0x1] =	stream.indirect_vreg.gather [hbm4b:s1+s3], $0x80, v37, vm0, $0xb8;
	[tilespmem:$0x11480] =	vst v63  }
0xfc: {  	s17 =	simm.s32 $0x7C80  }
0xfd: {  	[tilespmem:s17], [sflag:$0x1] =	stream.indirect_vreg.gather [hbm4b:s12+s3], $0x80, v37, vm0, $0xb8;
	[tilespmem:$0x11480] =	vst v63  }
0xfe: {  	s17 =	simm.s32 $0x8480  }
0xff: {  	[tilespmem:s17], [sflag:$0x1] =	stream.indirect_vreg.gather [hbm4b:s13+s3], $0x80, v37, vm0, $0xb8;
	[tilespmem:$0x11480] =	vst v63  }
0x100: {  	_ = 	snop  }
0x101: {  	[tilespmem:s22], [sflag:$0x1] =	stream.indirect_vreg.gather [hbm4b:s14+s3], $0x80, v37, vm0, $0xb8;
	[tilespmem:$0x11480] =	vst v63  }
0x102: {  	_ =	swait.ge [sflag:s28], $0x8000  }
0x103: {  	[sflag:s28] =	ssyncset.done $0x0  }
0x104: {  	s2 =	sadd.s32 $0x1000, s2;
	[sflag:s28] =	ssyncadd.s32 $0xFFFF8000  }
0x105: {  	[hbm4b:s2+s3] =	stream.linear.scatter [tilespmem:s0], [sflag:$0x4], $0x8000, $0x38;
	[tilespmem:$0x11480] =	vst v63  }
0x106: {  	_ =	swait.ge [sflag:s29], $0x8000  }
0x107: {  	[sflag:s29] =	ssyncset.done $0x0  }
0x108: {  	[sflag:s29] =	ssyncadd.s32 $0xFFFF8000  }
0x109: {  	v61 =	vld [tilespmem:s30+$0xFFFFFFF0];
	_ =	sdelay $0x4  }
0x10a: {  	v62 =	vshll.u32 v61, $0x3  }
0x10b: {  	v37 =	vand.u32 $0x7, v61;
	v38 =	vand.u32 $0xFFFFFFC0, v62  }
0x10c: {  	v37 =	vor.u32 v37, v38  }
0x10d: {  	v38 =	vperm.xlane v37, v34;
	_ =	sdelay $0x1  }
0x10e: {  	v38 =	vadd.s32 v35, v38;
	_ =	sdelay $0x4  }
0x10f: {  	[tilespmem:s0], [sflag:$0x2] =	stream.indirect_vreg.gather [hbm4b:s1+s3], $0x80, v38, vm0, $0xb8;
	[tilespmem:$0x11480] =	vst v63  }
0x110: {  	v37 =	vperm.xlane v37, v36  }
0x111: {  	[tilespmem:s23], [sflag:$0x2] =	stream.indirect_vreg.gather [hbm4b:s12+s3], $0x80, v38, vm0, $0xb8;
	[tilespmem:$0x11480] =	vst v63  }
0x112: {  	v37 =	vadd.s32 v35, v37  }
0x113: {  	[tilespmem:s24], [sflag:$0x2] =	stream.indirect_vreg.gather [hbm4b:s13+s3], $0x80, v38, vm0, $0xb8;
	[tilespmem:$0x11480] =	vst v63  }
0x114: {  	_ = 	snop  }
0x115: {  	[tilespmem:s18], [sflag:$0x2] =	stream.indirect_vreg.gather [hbm4b:s14+s3], $0x80, v38, vm0, $0xb8;
	[tilespmem:$0x11480] =	vst v63  }
0x116: {  	_ = 	snop  }
0x117: {  	[tilespmem:s16], [sflag:$0x2] =	stream.indirect_vreg.gather [hbm4b:s1+s3], $0x80, v37, vm0, $0xb8;
	[tilespmem:$0x11480] =	vst v63  }
0x118: {  	_ = 	snop  }
0x119: {  	[tilespmem:s4], [sflag:$0x2] =	stream.indirect_vreg.gather [hbm4b:s12+s3], $0x80, v37, vm0, $0xb8;
	[tilespmem:$0x11480] =	vst v63  }
0x11a: {  	_ = 	snop  }
0x11b: {  	[tilespmem:s5], [sflag:$0x2] =	stream.indirect_vreg.gather [hbm4b:s13+s3], $0x80, v37, vm0, $0xb8;
	[tilespmem:$0x11480] =	vst v63  }
0x11c: {  	_ = 	snop  }
0x11d: {  	[tilespmem:s6], [sflag:$0x2] =	stream.indirect_vreg.gather [hbm4b:s14+s3], $0x80, v37, vm0, $0xb8;
	[tilespmem:$0x11480] =	vst v63  }
0x11e: {  	v37 =	vld [tilespmem:s30+$0x0];
	_ =	sdelay $0x4  }
0x11f: {  	v63 =	vshll.u32 v37, $0x3  }
0x120: {  	v37 =	vand.u32 $0x7, v37;
	v38 =	vand.u32 $0xFFFFFFC0, v63  }
0x121: {  	v37 =	vor.u32 v37, v38  }
0x122: {  	v38 =	vperm.xlane v37, v34;
	_ =	sdelay $0x1  }
0x123: {  	v38 =	vadd.s32 v35, v38;
	_ =	sdelay $0x4  }
0x124: {  	[tilespmem:s7], [sflag:$0x2] =	stream.indirect_vreg.gather [hbm4b:s1+s3], $0x80, v38, vm0, $0xb8;
	[tilespmem:$0x11480] =	vst v63  }
0x125: {  	v37 =	vperm.xlane v37, v36  }
0x126: {  	[tilespmem:s8], [sflag:$0x2] =	stream.indirect_vreg.gather [hbm4b:s12+s3], $0x80, v38, vm0, $0xb8;
	[tilespmem:$0x11480] =	vst v63  }
0x127: {  	v37 =	vadd.s32 v35, v37  }
0x128: {  	[tilespmem:s9], [sflag:$0x2] =	stream.indirect_vreg.gather [hbm4b:s13+s3], $0x80, v38, vm0, $0xb8;
	[tilespmem:$0x11480] =	vst v63  }
0x129: {  	_ = 	snop  }
0x12a: {  	[tilespmem:s10], [sflag:$0x2] =	stream.indirect_vreg.gather [hbm4b:s14+s3], $0x80, v38, vm0, $0xb8;
	[tilespmem:$0x11480] =	vst v63  }
0x12b: {  	_ = 	snop  }
0x12c: {  	[tilespmem:s11], [sflag:$0x2] =	stream.indirect_vreg.gather [hbm4b:s1+s3], $0x80, v37, vm0, $0xb8;
	[tilespmem:$0x11480] =	vst v63  }
0x12d: {  	p0 =	sne.s32 s31, $0xC000  }
0x12e: {  	[tilespmem:s15], [sflag:$0x2] =	stream.indirect_vreg.gather [hbm4b:s12+s3], $0x80, v37, vm0, $0xb8;
	[tilespmem:$0x11480] =	vst v63  }
.Ltmp0:
0x12f: {  	_ = 	snop;
	(pc) =	sbr.rel @p0 .LBB2_2-.Ltmp0, $4  }
0x130: {  	_ = 	snop  }
0x131: {  	[tilespmem:s19], [sflag:$0x2] =	stream.indirect_vreg.gather [hbm4b:s13+s3], $0x80, v37, vm0, $0xb8;
	[tilespmem:$0x11480] =	vst v63  }
0x132: {  	s31 =	sadd.s32 $0x2000, s31;
	s30 =	sadd.s32 $0x100, s30  }
0x133: {  	[tilespmem:s20], [sflag:$0x2] =	stream.indirect_vreg.gather [hbm4b:s14+s3], $0x80, v37, vm0, $0xb8;
	[tilespmem:$0x11480] =	vst v63  }
0x134: {  	_ =	swait.ge [sflag:s25], $0x8000  }
0x135: {  	s30 =	simm.s32 $0x0;
	[sflag:s25] =	ssyncset.done $0x0  }
0x136: {  	s17 =	simm.s32 $0x1480;
	s2 =	rddreg [dreg:$0xa];
	[sflag:s25] =	ssyncadd.s32 $0xFFFF8000  }
0x137: {  	[hbm4b:s2+s30] =	stream.linear.scatter [tilespmem:s17], [sflag:$0x3], $0x8000, $0x38;
	[tilespmem:$0x11480] =	vst v63  }
0x138: {  	_ =	swait.ge [sflag:s28], $0x8000  }
0x139: {  	[sflag:s28] =	ssyncset.done $0x0  }
0x13a: {  	s2 =	rddreg [dreg:$0xb];
	[sflag:s28] =	ssyncadd.s32 $0xFFFF8000  }
0x13b: {  	[hbm4b:s2+s30] =	stream.linear.scatter [tilespmem:s0], [sflag:$0x4], $0x8000, $0x38;
	[tilespmem:$0x11480] =	vst v63  }
0x13c: {  	_ =	swait.ge [sflag:s26], $0x8000  }
0x13d: {  	[sflag:s26] =	ssyncset.done $0x0  }
0x13e: {  	[sflag:s26] =	ssyncadd.s32 $0xFFFF8000  }
0x13f: {  	_ =	swait.ge [sflag:s29], $0x8000  }
0x140: {  	[sflag:s29] =	ssyncset.done $0x0  }
0x141: {  	[sflag:s29] =	ssyncadd.s32 $0xFFFF8000  }
0x142: {  	v37 =	vld [tilespmem:$0xC80];
	_ =	sdelay $0x4  }
0x143: {  	v38 =	vshll.u32 v37, $0x3  }
0x144: {  	v37 =	vand.u32 $0x7, v37;
	v38 =	vand.u32 $0xFFFFFFC0, v38  }
0x145: {  	v37 =	vor.u32 v37, v38  }
0x146: {  	v38 =	vperm.xlane v37, v34;
	_ =	sdelay $0x1  }
0x147: {  	v38 =	vadd.s32 v35, v38;
	_ =	sdelay $0x4  }
0x148: {  	[tilespmem:s17], [sflag:$0x1] =	stream.indirect_vreg.gather [hbm4b:s1+s30], $0x80, v38, vm0, $0xb8;
	[tilespmem:$0x11480] =	vst v63  }
0x149: {  	v37 =	vperm.xlane v37, v36;
	s17 =	simm.s32 $0x1C80  }
0x14a: {  	[tilespmem:s17], [sflag:$0x1] =	stream.indirect_vreg.gather [hbm4b:s12+s30], $0x80, v38, vm0, $0xb8;
	[tilespmem:$0x11480] =	vst v63  }
0x14b: {  	v37 =	vadd.s32 v35, v37  }
0x14c: {  	[tilespmem:s21], [sflag:$0x1] =	stream.indirect_vreg.gather [hbm4b:s13+s30], $0x80, v38, vm0, $0xb8;
	[tilespmem:$0x11480] =	vst v63  }
0x14d: {  	s17 =	simm.s32 $0x2C80  }
0x14e: {  	[tilespmem:s17], [sflag:$0x1] =	stream.indirect_vreg.gather [hbm4b:s14+s30], $0x80, v38, vm0, $0xb8;
	[tilespmem:$0x11480] =	vst v63  }
0x14f: {  	s21 =	simm.s32 $0x3480  }
0x150: {  	[tilespmem:s21], [sflag:$0x1] =	stream.indirect_vreg.gather [hbm4b:s1+s30], $0x80, v37, vm0, $0xb8;
	[tilespmem:$0x11480] =	vst v63  }
0x151: {  	s17 =	simm.s32 $0x3C80  }
0x152: {  	[tilespmem:s17], [sflag:$0x1] =	stream.indirect_vreg.gather [hbm4b:s12+s30], $0x80, v37, vm0, $0xb8;
	[tilespmem:$0x11480] =	vst v63  }
0x153: {  	s21 =	simm.s32 $0x4480  }
0x154: {  	[tilespmem:s21], [sflag:$0x1] =	stream.indirect_vreg.gather [hbm4b:s13+s30], $0x80, v37, vm0, $0xb8;
	[tilespmem:$0x11480] =	vst v63  }
0x155: {  	s17 =	simm.s32 $0x4C80  }
0x156: {  	[tilespmem:s17], [sflag:$0x1] =	stream.indirect_vreg.gather [hbm4b:s14+s30], $0x80, v37, vm0, $0xb8;
	[tilespmem:$0x11480] =	vst v63  }
0x157: {  	v37 =	vld [tilespmem:$0xC90];
	_ =	sdelay $0x4  }
0x158: {  	v61 =	vshll.u32 v37, $0x3  }
0x159: {  	v37 =	vand.u32 $0x7, v37;
	v38 =	vand.u32 $0xFFFFFFC0, v61  }
0x15a: {  	v37 =	vor.u32 v37, v38  }
0x15b: {  	v38 =	vperm.xlane v37, v34;
	_ =	sdelay $0x1  }
0x15c: {  	v38 =	vadd.s32 v35, v38;
	_ =	sdelay $0x3  }
0x15d: {  	s21 =	simm.s32 $0x5480  }
0x15e: {  	[tilespmem:s21], [sflag:$0x1] =	stream.indirect_vreg.gather [hbm4b:s1+s30], $0x80, v38, vm0, $0xb8;
	[tilespmem:$0x11480] =	vst v63  }
0x15f: {  	s17 =	simm.s32 $0x5C80;
	v37 =	vperm.xlane v37, v36  }
0x160: {  	[tilespmem:s17], [sflag:$0x1] =	stream.indirect_vreg.gather [hbm4b:s12+s30], $0x80, v38, vm0, $0xb8;
	[tilespmem:$0x11480] =	vst v63  }
0x161: {  	v37 =	vadd.s32 v35, v37;
	s21 =	simm.s32 $0x6480  }
0x162: {  	[tilespmem:s21], [sflag:$0x1] =	stream.indirect_vreg.gather [hbm4b:s13+s30], $0x80, v38, vm0, $0xb8;
	[tilespmem:$0x11480] =	vst v63  }
0x163: {  	s17 =	simm.s32 $0x6C80  }
0x164: {  	[tilespmem:s17], [sflag:$0x1] =	stream.indirect_vreg.gather [hbm4b:s14+s30], $0x80, v38, vm0, $0xb8;
	[tilespmem:$0x11480] =	vst v63  }
0x165: {  	s21 =	simm.s32 $0x7480  }
0x166: {  	[tilespmem:s21], [sflag:$0x1] =	stream.indirect_vreg.gather [hbm4b:s1+s30], $0x80, v37, vm0, $0xb8;
	[tilespmem:$0x11480] =	vst v63  }
0x167: {  	s17 =	simm.s32 $0x7C80  }
0x168: {  	[tilespmem:s17], [sflag:$0x1] =	stream.indirect_vreg.gather [hbm4b:s12+s30], $0x80, v37, vm0, $0xb8;
	[tilespmem:$0x11480] =	vst v63  }
0x169: {  	s21 =	simm.s32 $0x8480  }
0x16a: {  	[tilespmem:s21], [sflag:$0x1] =	stream.indirect_vreg.gather [hbm4b:s13+s30], $0x80, v37, vm0, $0xb8;
	[tilespmem:$0x11480] =	vst v63  }
0x16b: {  	_ = 	snop  }
0x16c: {  	[tilespmem:s22], [sflag:$0x1] =	stream.indirect_vreg.gather [hbm4b:s14+s30], $0x80, v37, vm0, $0xb8;
	[tilespmem:$0x11480] =	vst v63  }
0x16d: {  	v37 =	vld [tilespmem:$0xD00];
	_ =	sdelay $0x4  }
0x16e: {  	v62 =	vshll.u32 v37, $0x3  }
0x16f: {  	v37 =	vand.u32 $0x7, v37;
	v38 =	vand.u32 $0xFFFFFFC0, v62  }
0x170: {  	v37 =	vor.u32 v37, v38  }
0x171: {  	v38 =	vperm.xlane v37, v34;
	_ =	sdelay $0x1  }
0x172: {  	v38 =	vadd.s32 v35, v38;
	_ =	sdelay $0x4  }
0x173: {  	[tilespmem:s0], [sflag:$0x2] =	stream.indirect_vreg.gather [hbm4b:s1+s30], $0x80, v38, vm0, $0xb8;
	[tilespmem:$0x11480] =	vst v63  }
0x174: {  	v37 =	vperm.xlane v37, v36  }
0x175: {  	[tilespmem:s23], [sflag:$0x2] =	stream.indirect_vreg.gather [hbm4b:s12+s30], $0x80, v38, vm0, $0xb8;
	[tilespmem:$0x11480] =	vst v63  }
0x176: {  	v37 =	vadd.s32 v35, v37  }
0x177: {  	[tilespmem:s24], [sflag:$0x2] =	stream.indirect_vreg.gather [hbm4b:s13+s30], $0x80, v38, vm0, $0xb8;
	[tilespmem:$0x11480] =	vst v63  }
0x178: {  	_ = 	snop  }
0x179: {  	[tilespmem:s18], [sflag:$0x2] =	stream.indirect_vreg.gather [hbm4b:s14+s30], $0x80, v38, vm0, $0xb8;
	[tilespmem:$0x11480] =	vst v63  }
0x17a: {  	_ = 	snop  }
0x17b: {  	[tilespmem:s16], [sflag:$0x2] =	stream.indirect_vreg.gather [hbm4b:s1+s30], $0x80, v37, vm0, $0xb8;
	[tilespmem:$0x11480] =	vst v63  }
0x17c: {  	_ = 	snop  }
0x17d: {  	[tilespmem:s4], [sflag:$0x2] =	stream.indirect_vreg.gather [hbm4b:s12+s30], $0x80, v37, vm0, $0xb8;
	[tilespmem:$0x11480] =	vst v63  }
0x17e: {  	_ = 	snop  }
0x17f: {  	[tilespmem:s5], [sflag:$0x2] =	stream.indirect_vreg.gather [hbm4b:s13+s30], $0x80, v37, vm0, $0xb8;
	[tilespmem:$0x11480] =	vst v63  }
0x180: {  	_ = 	snop  }
0x181: {  	[tilespmem:s6], [sflag:$0x2] =	stream.indirect_vreg.gather [hbm4b:s14+s30], $0x80, v37, vm0, $0xb8;
	[tilespmem:$0x11480] =	vst v63  }
0x182: {  	v37 =	vld [tilespmem:$0xD10];
	_ =	sdelay $0x4  }
0x183: {  	v63 =	vshll.u32 v37, $0x3  }
0x184: {  	v37 =	vand.u32 $0x7, v37;
	v38 =	vand.u32 $0xFFFFFFC0, v63  }
0x185: {  	v37 =	vor.u32 v37, v38  }
0x186: {  	v38 =	vperm.xlane v37, v34;
	_ =	sdelay $0x1  }
0x187: {  	v38 =	vadd.s32 v35, v38;
	_ =	sdelay $0x4  }
0x188: {  	[tilespmem:s7], [sflag:$0x2] =	stream.indirect_vreg.gather [hbm4b:s1+s30], $0x80, v38, vm0, $0xb8;
	[tilespmem:$0x11480] =	vst v63  }
0x189: {  	v37 =	vperm.xlane v37, v36  }
0x18a: {  	[tilespmem:s8], [sflag:$0x2] =	stream.indirect_vreg.gather [hbm4b:s12+s30], $0x80, v38, vm0, $0xb8;
	[tilespmem:$0x11480] =	vst v63  }
0x18b: {  	v37 =	vadd.s32 v35, v37  }
0x18c: {  	[tilespmem:s9], [sflag:$0x2] =	stream.indirect_vreg.gather [hbm4b:s13+s30], $0x80, v38, vm0, $0xb8;
	[tilespmem:$0x11480] =	vst v63  }
0x18d: {  	_ = 	snop  }
0x18e: {  	[tilespmem:s10], [sflag:$0x2] =	stream.indirect_vreg.gather [hbm4b:s14+s30], $0x80, v38, vm0, $0xb8;
	[tilespmem:$0x11480] =	vst v63  }
0x18f: {  	_ = 	snop  }
0x190: {  	[tilespmem:s11], [sflag:$0x2] =	stream.indirect_vreg.gather [hbm4b:s1+s30], $0x80, v37, vm0, $0xb8;
	[tilespmem:$0x11480] =	vst v63  }
0x191: {  	_ = 	snop  }
0x192: {  	[tilespmem:s15], [sflag:$0x2] =	stream.indirect_vreg.gather [hbm4b:s12+s30], $0x80, v37, vm0, $0xb8;
	[tilespmem:$0x11480] =	vst v63  }
0x193: {  	_ = 	snop  }
0x194: {  	[tilespmem:s19], [sflag:$0x2] =	stream.indirect_vreg.gather [hbm4b:s13+s30], $0x80, v37, vm0, $0xb8;
	[tilespmem:$0x11480] =	vst v63  }
0x195: {  	s31 =	simm.s32 $0xE10  }
0x196: {  	[tilespmem:s20], [sflag:$0x2] =	stream.indirect_vreg.gather [hbm4b:s14+s30], $0x80, v37, vm0, $0xb8;
	[tilespmem:$0x11480] =	vst v63  }
.LBB2_4:
0x197: {  	_ =	swait.ge [sflag:s25], $0x8000  }
0x198: {  	s2 =	rddreg [dreg:$0x6];
	[sflag:s25] =	ssyncset.done $0x0  }
0x199: {  	s0 =	simm.s32 $0x1480;
	[sflag:s25] =	ssyncadd.s32 $0xFFFF8000;
	s2 =	sadd.s32 s30, s2  }
0x19a: {  	[hbm4b:s2+s3] =	stream.linear.scatter [tilespmem:s0], [sflag:$0x3], $0x8000, $0x38;
	[tilespmem:$0x11480] =	vst v63  }
0x19b: {  	_ =	swait.ge [sflag:s26], $0x8000  }
0x19c: {  	[sflag:s26] =	ssyncset.done $0x0  }
0x19d: {  	[sflag:s26] =	ssyncadd.s32 $0xFFFF8000  }
0x19e: {  	v37 =	vld [tilespmem:s31+$0xFFFFFF70];
	_ =	sdelay $0x4  }
0x19f: {  	v38 =	vshll.u32 v37, $0x3  }
0x1a0: {  	v37 =	vand.u32 $0x7, v37;
	v38 =	vand.u32 $0xFFFFFFC0, v38  }
0x1a1: {  	v37 =	vor.u32 v37, v38  }
0x1a2: {  	v38 =	vperm.xlane v37, v34;
	_ =	sdelay $0x1  }
0x1a3: {  	v38 =	vadd.s32 v35, v38;
	_ =	sdelay $0x4  }
0x1a4: {  	[tilespmem:s0], [sflag:$0x1] =	stream.indirect_vreg.gather [hbm4b:s1+s3], $0x80, v38, vm0, $0xb8;
	[tilespmem:$0x11480] =	vst v63  }
0x1a5: {  	s21 =	simm.s32 $0x1C80;
	v37 =	vperm.xlane v37, v36  }
0x1a6: {  	[tilespmem:s21], [sflag:$0x1] =	stream.indirect_vreg.gather [hbm4b:s12+s3], $0x80, v38, vm0, $0xb8;
	[tilespmem:$0x11480] =	vst v63  }
0x1a7: {  	v37 =	vadd.s32 v35, v37;
	s21 =	simm.s32 $0x2480  }
0x1a8: {  	[tilespmem:s21], [sflag:$0x1] =	stream.indirect_vreg.gather [hbm4b:s13+s3], $0x80, v38, vm0, $0xb8;
	[tilespmem:$0x11480] =	vst v63  }
0x1a9: {  	s21 =	simm.s32 $0x2C80  }
0x1aa: {  	[tilespmem:s21], [sflag:$0x1] =	stream.indirect_vreg.gather [hbm4b:s14+s3], $0x80, v38, vm0, $0xb8;
	[tilespmem:$0x11480] =	vst v63  }
0x1ab: {  	s21 =	simm.s32 $0x3480  }
0x1ac: {  	[tilespmem:s21], [sflag:$0x1] =	stream.indirect_vreg.gather [hbm4b:s1+s3], $0x80, v37, vm0, $0xb8;
	[tilespmem:$0x11480] =	vst v63  }
0x1ad: {  	s21 =	simm.s32 $0x3C80  }
0x1ae: {  	[tilespmem:s21], [sflag:$0x1] =	stream.indirect_vreg.gather [hbm4b:s12+s3], $0x80, v37, vm0, $0xb8;
	[tilespmem:$0x11480] =	vst v63  }
0x1af: {  	s21 =	simm.s32 $0x4480  }
0x1b0: {  	[tilespmem:s21], [sflag:$0x1] =	stream.indirect_vreg.gather [hbm4b:s13+s3], $0x80, v37, vm0, $0xb8;
	[tilespmem:$0x11480] =	vst v63  }
0x1b1: {  	s21 =	simm.s32 $0x4C80  }
0x1b2: {  	[tilespmem:s21], [sflag:$0x1] =	stream.indirect_vreg.gather [hbm4b:s14+s3], $0x80, v37, vm0, $0xb8;
	[tilespmem:$0x11480] =	vst v63  }
0x1b3: {  	v37 =	vld [tilespmem:s31+$0xFFFFFF80];
	_ =	sdelay $0x4  }
0x1b4: {  	v60 =	vshll.u32 v37, $0x3  }
0x1b5: {  	v37 =	vand.u32 $0x7, v37;
	v38 =	vand.u32 $0xFFFFFFC0, v60  }
0x1b6: {  	v37 =	vor.u32 v37, v38  }
0x1b7: {  	v38 =	vperm.xlane v37, v34;
	_ =	sdelay $0x1  }
0x1b8: {  	v38 =	vadd.s32 v35, v38;
	_ =	sdelay $0x3  }
0x1b9: {  	s21 =	simm.s32 $0x5480  }
0x1ba: {  	[tilespmem:s21], [sflag:$0x1] =	stream.indirect_vreg.gather [hbm4b:s1+s3], $0x80, v38, vm0, $0xb8;
	[tilespmem:$0x11480] =	vst v63  }
0x1bb: {  	v37 =	vperm.xlane v37, v36;
	s21 =	simm.s32 $0x5C80  }
0x1bc: {  	[tilespmem:s21], [sflag:$0x1] =	stream.indirect_vreg.gather [hbm4b:s12+s3], $0x80, v38, vm0, $0xb8;
	[tilespmem:$0x11480] =	vst v63  }
0x1bd: {  	v37 =	vadd.s32 v35, v37;
	s21 =	simm.s32 $0x6480  }
0x1be: {  	[tilespmem:s21], [sflag:$0x1] =	stream.indirect_vreg.gather [hbm4b:s13+s3], $0x80, v38, vm0, $0xb8;
	[tilespmem:$0x11480] =	vst v63  }
0x1bf: {  	s21 =	simm.s32 $0x6C80  }
0x1c0: {  	[tilespmem:s21], [sflag:$0x1] =	stream.indirect_vreg.gather [hbm4b:s14+s3], $0x80, v38, vm0, $0xb8;
	[tilespmem:$0x11480] =	vst v63  }
0x1c1: {  	s21 =	simm.s32 $0x7480  }
0x1c2: {  	[tilespmem:s21], [sflag:$0x1] =	stream.indirect_vreg.gather [hbm4b:s1+s3], $0x80, v37, vm0, $0xb8;
	[tilespmem:$0x11480] =	vst v63  }
0x1c3: {  	s21 =	simm.s32 $0x7C80  }
0x1c4: {  	[tilespmem:s21], [sflag:$0x1] =	stream.indirect_vreg.gather [hbm4b:s12+s3], $0x80, v37, vm0, $0xb8;
	[tilespmem:$0x11480] =	vst v63  }
0x1c5: {  	s21 =	simm.s32 $0x8480  }
0x1c6: {  	[tilespmem:s21], [sflag:$0x1] =	stream.indirect_vreg.gather [hbm4b:s13+s3], $0x80, v37, vm0, $0xb8;
	[tilespmem:$0x11480] =	vst v63  }
0x1c7: {  	_ = 	snop  }
0x1c8: {  	[tilespmem:s22], [sflag:$0x1] =	stream.indirect_vreg.gather [hbm4b:s14+s3], $0x80, v37, vm0, $0xb8;
	[tilespmem:$0x11480] =	vst v63  }
0x1c9: {  	_ =	swait.ge [sflag:s28], $0x8000  }
0x1ca: {  	[sflag:s28] =	ssyncset.done $0x0  }
0x1cb: {  	s2 =	sadd.s32 $0x1000, s2;
	s0 =	simm.s32 $0x9480;
	[sflag:s28] =	ssyncadd.s32 $0xFFFF8000  }
0x1cc: {  	[hbm4b:s2+s3] =	stream.linear.scatter [tilespmem:s0], [sflag:$0x4], $0x8000, $0x38;
	[tilespmem:$0x11480] =	vst v63  }
0x1cd: {  	_ =	swait.ge [sflag:s29], $0x8000  }
0x1ce: {  	[sflag:s29] =	ssyncset.done $0x0  }
0x1cf: {  	[sflag:s29] =	ssyncadd.s32 $0xFFFF8000  }
0x1d0: {  	v61 =	vld [tilespmem:s31+$0xFFFFFFF0];
	_ =	sdelay $0x4  }
0x1d1: {  	v62 =	vshll.u32 v61, $0x3  }
0x1d2: {  	v37 =	vand.u32 $0x7, v61;
	v38 =	vand.u32 $0xFFFFFFC0, v62  }
0x1d3: {  	v37 =	vor.u32 v37, v38  }
0x1d4: {  	v38 =	vperm.xlane v37, v34;
	_ =	sdelay $0x1  }
0x1d5: {  	v38 =	vadd.s32 v35, v38;
	_ =	sdelay $0x4  }
0x1d6: {  	[tilespmem:s0], [sflag:$0x2] =	stream.indirect_vreg.gather [hbm4b:s1+s3], $0x80, v38, vm0, $0xb8;
	[tilespmem:$0x11480] =	vst v63  }
0x1d7: {  	v37 =	vperm.xlane v37, v36  }
0x1d8: {  	[tilespmem:s23], [sflag:$0x2] =	stream.indirect_vreg.gather [hbm4b:s12+s3], $0x80, v38, vm0, $0xb8;
	[tilespmem:$0x11480] =	vst v63  }
0x1d9: {  	v37 =	vadd.s32 v35, v37  }
0x1da: {  	[tilespmem:s24], [sflag:$0x2] =	stream.indirect_vreg.gather [hbm4b:s13+s3], $0x80, v38, vm0, $0xb8;
	[tilespmem:$0x11480] =	vst v63  }
0x1db: {  	_ = 	snop  }
0x1dc: {  	[tilespmem:s18], [sflag:$0x2] =	stream.indirect_vreg.gather [hbm4b:s14+s3], $0x80, v38, vm0, $0xb8;
	[tilespmem:$0x11480] =	vst v63  }
0x1dd: {  	_ = 	snop  }
0x1de: {  	[tilespmem:s16], [sflag:$0x2] =	stream.indirect_vreg.gather [hbm4b:s1+s3], $0x80, v37, vm0, $0xb8;
	[tilespmem:$0x11480] =	vst v63  }
0x1df: {  	_ = 	snop  }
0x1e0: {  	[tilespmem:s4], [sflag:$0x2] =	stream.indirect_vreg.gather [hbm4b:s12+s3], $0x80, v37, vm0, $0xb8;
	[tilespmem:$0x11480] =	vst v63  }
0x1e1: {  	_ = 	snop  }
0x1e2: {  	[tilespmem:s5], [sflag:$0x2] =	stream.indirect_vreg.gather [hbm4b:s13+s3], $0x80, v37, vm0, $0xb8;
	[tilespmem:$0x11480] =	vst v63  }
0x1e3: {  	_ = 	snop  }
0x1e4: {  	[tilespmem:s6], [sflag:$0x2] =	stream.indirect_vreg.gather [hbm4b:s14+s3], $0x80, v37, vm0, $0xb8;
	[tilespmem:$0x11480] =	vst v63  }
0x1e5: {  	v37 =	vld [tilespmem:s31+$0x0];
	_ =	sdelay $0x4  }
0x1e6: {  	v63 =	vshll.u32 v37, $0x3  }
0x1e7: {  	v37 =	vand.u32 $0x7, v37;
	v38 =	vand.u32 $0xFFFFFFC0, v63  }
0x1e8: {  	v37 =	vor.u32 v37, v38  }
0x1e9: {  	v38 =	vperm.xlane v37, v34;
	_ =	sdelay $0x1  }
0x1ea: {  	v38 =	vadd.s32 v35, v38;
	_ =	sdelay $0x4  }
0x1eb: {  	[tilespmem:s7], [sflag:$0x2] =	stream.indirect_vreg.gather [hbm4b:s1+s3], $0x80, v38, vm0, $0xb8;
	[tilespmem:$0x11480] =	vst v63  }
0x1ec: {  	v37 =	vperm.xlane v37, v36  }
0x1ed: {  	[tilespmem:s8], [sflag:$0x2] =	stream.indirect_vreg.gather [hbm4b:s12+s3], $0x80, v38, vm0, $0xb8;
	[tilespmem:$0x11480] =	vst v63  }
0x1ee: {  	v37 =	vadd.s32 v35, v37  }
0x1ef: {  	[tilespmem:s9], [sflag:$0x2] =	stream.indirect_vreg.gather [hbm4b:s13+s3], $0x80, v38, vm0, $0xb8;
	[tilespmem:$0x11480] =	vst v63  }
0x1f0: {  	_ = 	snop  }
0x1f1: {  	[tilespmem:s10], [sflag:$0x2] =	stream.indirect_vreg.gather [hbm4b:s14+s3], $0x80, v38, vm0, $0xb8;
	[tilespmem:$0x11480] =	vst v63  }
0x1f2: {  	_ = 	snop  }
0x1f3: {  	[tilespmem:s11], [sflag:$0x2] =	stream.indirect_vreg.gather [hbm4b:s1+s3], $0x80, v37, vm0, $0xb8;
	[tilespmem:$0x11480] =	vst v63  }
0x1f4: {  	p0 =	sne.s32 s30, $0xC000  }
0x1f5: {  	[tilespmem:s15], [sflag:$0x2] =	stream.indirect_vreg.gather [hbm4b:s12+s3], $0x80, v37, vm0, $0xb8;
	[tilespmem:$0x11480] =	vst v63  }
.Ltmp1:
0x1f6: {  	_ = 	snop;
	(pc) =	sbr.rel @p0 .LBB2_4-.Ltmp1, $4  }
0x1f7: {  	_ = 	snop  }
0x1f8: {  	[tilespmem:s19], [sflag:$0x2] =	stream.indirect_vreg.gather [hbm4b:s13+s3], $0x80, v37, vm0, $0xb8;
	[tilespmem:$0x11480] =	vst v63  }
0x1f9: {  	s17 =	simm.s32 $0x1480;
	s30 =	sadd.s32 $0x2000, s30;
	s31 =	sadd.s32 $0x100, s31  }
0x1fa: {  	[tilespmem:s20], [sflag:$0x2] =	stream.indirect_vreg.gather [hbm4b:s14+s3], $0x80, v37, vm0, $0xb8;
	[tilespmem:$0x11480] =	vst v63  }
0x1fb: {  	_ =	swait.ge [sflag:s25], $0x8000  }
0x1fc: {  	[sflag:s25] =	ssyncset.done $0x0  }
0x1fd: {  	s2 =	rddreg [dreg:$0xc];
	[sflag:s25] =	ssyncadd.s32 $0xFFFF8000  }
0x1fe: {  	[hbm4b:s2+s3] =	stream.linear.scatter [tilespmem:s17], [sflag:$0x3], $0x8000, $0x38;
	[tilespmem:$0x11480] =	vst v63  }
0x1ff: {  	_ =	swait.ge [sflag:s28], $0x8000  }
0x200: {  	[sflag:s28] =	ssyncset.done $0x0  }
0x201: {  	s30 =	rddreg [dreg:$0xd];
	[sflag:s28] =	ssyncadd.s32 $0xFFFF8000  }
0x202: {  	[hbm4b:s30+s3] =	stream.linear.scatter [tilespmem:s0], [sflag:$0x4], $0x8000, $0x38;
	[tilespmem:$0x11480] =	vst v63  }
0x203: {  	_ =	swait.ge [sflag:s26], $0x8000  }
0x204: {  	[sflag:s26] =	ssyncset.done $0x0  }
0x205: {  	[sflag:s26] =	ssyncadd.s32 $0xFFFF8000  }
0x206: {  	_ =	swait.ge [sflag:s29], $0x8000  }
0x207: {  	s4 =	rddreg [dreg:$0xf]  }
0x208: {  	s31 =	rddreg [dreg:$0xe];
	s4 =	sadd.s32 $0x1, s4  }
0x209: {  	p0 =	sne.s32 s4, s31  }
.Ltmp2:
0x20a: {  	_ = 	snop;
	(pc) =	sbr.rel @p0 .LBB2_1-.Ltmp2, $3  }
0x20b: {  	_ =	sdelay $0x1  }
0x20c: {  	[sflag:s29] =	ssyncset.done $0x0  }
0x20d: {  	[sflag:s29] =	ssyncadd.s32 $0xFFFF8000  }
0x20e: {  	_ =	sfence.sel $0x180000  }
0x20f: {  	[bflag:$0x0] =	sbarrier.arrive $0xFFFF  }
0x210: {  	_ =	strace $0x90000047  }
0x211: {  	s0 =	stileid.u32;
	[bflag:$0x2] =	sbarrier.arrive $0xFFFF  }
0x212: {  	p0 =	sne.s32 s0, $0x0;
	s0 =	rddreg [dreg:$0x4]  }
0x213: {  	s0 =	sadd.s32 @!p0 $0x100000, s0  }
0x214: {  	[sflag:s0] =	ssyncadd.tile.s32 @!p0 $0x1;
	_ =	shalt  }
.Lfunc_end2:
_tile_overlayer_lowered:
.L_overlay_start_2:
0x215: {  	(tag) =	ssettag $0x2  }
0x216: {  	s0 =	rddreg [dreg:$0x0];
	s2 =	stileid.u32  }
0x217: {  	s1 =	rddreg [dreg:$0x1];
	p0 =	sne.s32 s2, $0x0  }
0x218: {  	s3 =	rddreg [dreg:$0x2];
	[bflag:$0x3] =	sbarrier.arrive $0xFFFF;
	s2 =	simm.s32 @!p0 $0x1C05  }
0x219: {  	[timem:s3], [sflag:s2] =	dma.local @!p0 [hbm:s0], s1  }
0x21a: {  	s0 =	simm.s32 @!p0 $0x5  }
0x21b: {  	_ =	swait.ge @!p0 [sflag:s0], s1  }
0x21c: {  	s1 =	ssub.s32 @!p0 $0x0, s1;
	[sflag:s0] =	ssyncset.done @!p0 $0x0  }
0x21d: {  	[sflag:s0] =	ssyncadd.s32 @!p0 s1  }
0x21e: {  	[bflag:$0x3] =	sbarrier.arrive $0xFFFF  }
0x21f: {  	_ =	shalt  }

</sc_bundles>
